<compile_context>
chip_gen: v7x
topology: tpu7x:2x2x1
jax: 0.10.2.dev20260603
libtpu: 0.0.44.dev20260713+nightly
codegen_flags: <defaults>
</compile_context>

<pallas_src>
import jax
import jax.numpy as jnp
from jax import lax
from jax.experimental import pallas as pl
from jax.experimental.pallas import tpu as pltpu
from jax.experimental.pallas import tpu_sc as plsc

K_IN, K_HID, K_OUT = 1.0, 1.1, 1.2

D = 128
NC, NS = 2, 16
NW = NC * NS
B = 128
RPT = 640
RCH = RPT // B
HPAD = 10016
NPAD = NS * RPT



def _fill_rows(ref, n_rows, n_cols, value):
    v = jnp.full((16,), value, jnp.float32)

    def body(i, _):
        for c in range(n_cols // 16):
            ref[i, pl.ds(c * 16, 16)] = v
        return 0

    lax.fori_loop(0, n_rows, body, 0)


def _fill_iota_rows(idx_v, base):
    iot = lax.iota(jnp.int32, 16)
    for q in range(RCH):
        for k in range(B // 16):
            idx_v[q, pl.ds(k * 16, 16)] = iot + (base + q * B + k * 16)


def _deg_body(dst3, degp, dst_v, hist_v):
    c = lax.axis_index("c")
    s = lax.axis_index("s")
    wid = c * NS + s
    n_chunks = dst3.shape[1]
    pltpu.sync_copy(dst3.at[wid], dst_v)
    zv = jnp.zeros((16,), jnp.float32)

    def zb(i, _):
        hist_v[pl.ds(i * 16, 16)] = zv
        return 0

    lax.fori_loop(0, HPAD // 16, zb, 0)
    ones16 = jnp.full((16,), 1.0, jnp.float32)

    def chunk(j, _):
        for k in range(B // 16):
            idx = dst_v[j, pl.ds(k * 16, 16)]
            plsc.addupdate_scatter(hist_v, [idx], ones16)
        return 0

    lax.fori_loop(0, n_chunks, chunk, 0)
    pltpu.sync_copy(hist_v, degp.at[wid, 0])


def _make_agg_body(k0, k1):
    def _agg_body(ut, src3, dst3, part, src_v, dst_v, gbuf, idx_v, acc, sem):
        c = lax.axis_index("c")
        s = lax.axis_index("s")
        wid = c * NS + s
        pltpu.sync_copy(src3.at[wid], src_v)
        pltpu.sync_copy(dst3.at[wid], dst_v)
        _fill_rows(gbuf, B, D, 0.0)
        base = s * RPT
        _fill_iota_rows(idx_v, base)
        for q in range(RCH):
            pltpu.sync_copy(gbuf, acc.at[idx_v.at[q]])
        plsc.subcore_barrier()

        def chunk(j, _):
            pltpu.async_copy(ut.at[src_v.at[j]], gbuf, sem).wait()
            pltpu.sync_copy(gbuf, acc.at[dst_v.at[j]], add=True)
            return 0

        n_my = jnp.where(c == 0, k0, k1)
        lax.fori_loop(0, n_my, chunk, 0)
        plsc.subcore_barrier()
        for q in range(RCH):
            pltpu.async_copy(acc.at[idx_v.at[q]], gbuf, sem).wait()
            pltpu.sync_copy(gbuf, part.at[c, pl.ds(base + q * B, B)])

    return _agg_body


def _make_sc_kernels(n_chunks, k0, k1):
    mesh = plsc.VectorSubcoreMesh(core_axis_name="c", subcore_axis_name="s")
    deg_fn = pl.kernel(
        _deg_body,
        out_type=jax.ShapeDtypeStruct((NW, 1, HPAD), jnp.float32),
        mesh=mesh,
        compiler_params=pltpu.CompilerParams(needs_layout_passes=False),
        scratch_types=[
            pltpu.VMEM((n_chunks, B), jnp.int32),
            pltpu.VMEM((HPAD,), jnp.float32),
        ],
    )
    agg_fn = pl.kernel(
        _make_agg_body(k0, k1),
        out_type=jax.ShapeDtypeStruct((NC, NPAD, D), jnp.float32),
        mesh=mesh,
        scratch_types=[
            pltpu.VMEM((n_chunks, B), jnp.int32),
            pltpu.VMEM((n_chunks, B), jnp.int32),
            pltpu.VMEM((B, D), jnp.float32),
            pltpu.VMEM((RCH, B), jnp.int32),
            pltpu.VMEM_SHARED((NPAD, D), jnp.float32),
            pltpu.SemaphoreType.DMA,
        ],
    )
    return deg_fn, agg_fn



def _sinh(t):
    return 0.5 * (jnp.exp(t) - jnp.exp(-t))


def _acosh(t):
    return jnp.log(t + jnp.sqrt(t * t - 1.0))


def _expmap_proj(z, k):
    sqrtk = k ** 0.5
    n2 = jnp.sum(z * z, axis=1, keepdims=True)
    norm = jnp.clip(jnp.sqrt(n2 + 1e-12), 1e-7, None)
    xs = (sqrtk * _sinh(norm / sqrtk) / norm) * z
    x0 = jnp.sqrt(k + jnp.sum(xs * xs, axis=1, keepdims=True))
    col = lax.broadcasted_iota(jnp.int32, z.shape, 1)
    return jnp.where(col == 0, x0, xs)


def _logmap_tan(x, k):
    sqrtk = k ** 0.5
    col = lax.broadcasted_iota(jnp.int32, x.shape, 1)
    xs = jnp.where(col == 0, 0.0, x)
    norm = jnp.clip(jnp.sqrt(jnp.sum(xs * xs, axis=1, keepdims=True) + 1e-12), 1e-7, None)
    theta = _acosh(jnp.clip(x[:, 0:1] / sqrtk, 1.0 + 1e-7, None))
    return (sqrtk * theta / norm) * xs


def _dinv_from(dp):
    deg = jnp.sum(dp, axis=1, keepdims=True)
    return lax.rsqrt(deg)


def _pre1_body(x_ref, degp_ref, w_ref, b_ref, ut_ref):
    x = x_ref[...]
    sqrtk = K_IN ** 0.5
    n2 = jnp.sum(x * x, axis=1, keepdims=True)
    norm = jnp.clip(jnp.sqrt(n2 + 1e-12), 1e-7, None)
    xs = (sqrtk * _sinh(norm / sqrtk) / norm) * x
    x0 = jnp.sqrt(K_IN + jnp.sum(xs * xs, axis=1, keepdims=True))
    norm2 = jnp.clip(jnp.sqrt(jnp.sum(xs * xs, axis=1, keepdims=True) + 1e-12), 1e-7, None)
    theta = _acosh(jnp.clip(x0 / sqrtk, 1.0 + 1e-7, None))
    v1 = (sqrtk * theta / norm2) * xs
    hs = jnp.dot(v1, w_ref[...], preferred_element_type=jnp.float32) + b_ref[...]
    h = _expmap_proj(hs, K_IN)
    u1 = _logmap_tan(h, K_IN)
    ut_ref[...] = u1 * _dinv_from(degp_ref[...])


def _mid_body(p_ref, degp_ref, w_ref, b_ref, ut_ref):
    dinv = _dinv_from(degp_ref[...])
    pv = p_ref[...]
    agg = (pv[0] + pv[1]) * dinv
    z = jnp.maximum(agg, 0.0)
    o1 = _expmap_proj(z, K_HID)
    v2 = _logmap_tan(o1, K_HID)
    hs2 = jnp.dot(v2, w_ref[...], preferred_element_type=jnp.float32) + b_ref[...]
    h2 = _expmap_proj(hs2, K_HID)
    u2 = _logmap_tan(h2, K_HID)
    ut_ref[...] = u2 * dinv


def _post_body(p_ref, degp_ref, out_ref):
    dinv = _dinv_from(degp_ref[...])
    pv = p_ref[...]
    agg = (pv[0] + pv[1]) * dinv
    z = jnp.maximum(agg, 0.0)
    out_ref[...] = _expmap_proj(z, K_OUT)


def _tc_calls(n):
    rblk = 1000
    grid = (n // rblk,)
    row_spec = pl.BlockSpec((rblk, D), lambda i: (i, 0))
    degp_spec = pl.BlockSpec((rblk, NW), lambda i: (i, 0))
    part_spec = pl.BlockSpec((NC, rblk, D), lambda i: (0, i, 0))
    w_spec = pl.BlockSpec((D, D), lambda i: (0, 0))
    b_spec = pl.BlockSpec((1, D), lambda i: (0, 0))
    out_sd = jax.ShapeDtypeStruct((n, D), jnp.float32)
    pre1 = pl.pallas_call(
        _pre1_body, grid=grid,
        in_specs=[row_spec, degp_spec, w_spec, b_spec],
        out_specs=row_spec, out_shape=out_sd)
    mid = pl.pallas_call(
        _mid_body, grid=grid,
        in_specs=[part_spec, degp_spec, w_spec, b_spec],
        out_specs=row_spec, out_shape=out_sd)
    post = pl.pallas_call(
        _post_body, grid=grid,
        in_specs=[part_spec, degp_spec],
        out_specs=row_spec, out_shape=out_sd)
    return pre1, mid, post



def kernel(x, edge_index, W1, b1, W2, b2):
    n = x.shape[0]
    e = edge_index.shape[1]
    src = edge_index[0].astype(jnp.int32)
    dst = edge_index[1].astype(jnp.int32)
    nodes = jnp.arange(n, dtype=jnp.int32)
    e_tot = e + n
    ktot = -(-e_tot // (NS * B))
    k0 = (ktot * 58) // 100
    k1 = ktot - k0
    n_chunks = max(k0, k1)
    cap = NS * ktot * B
    srcp = jnp.concatenate(
        [src, nodes, jnp.zeros((cap - e_tot,), jnp.int32)])
    dstp = jnp.concatenate(
        [dst, nodes, jnp.full((cap - e_tot,), n, jnp.int32)])
    half = NS * k0 * B

    def _slab(flat, kc, fill):
        part = flat.reshape(NS, kc, B)
        if kc == n_chunks:
            return part
        pad = jnp.full((NS, n_chunks - kc, B), fill, jnp.int32)
        return jnp.concatenate([part, pad], axis=1)

    src3 = jnp.concatenate(
        [_slab(srcp[:half], k0, 0), _slab(srcp[half:], k1, 0)], axis=0)
    dst3 = jnp.concatenate(
        [_slab(dstp[:half], k0, n), _slab(dstp[half:], k1, n)], axis=0)

    W1p = jnp.pad(W1, ((0, 0), (1, 0)))
    b1p = jnp.pad(b1, (1, 0))[None, :]
    W2p = jnp.pad(W2, ((1, 0), (1, 0)))
    b2p = jnp.pad(b2, (1, 0))[None, :]

    deg_fn, agg_fn = _make_sc_kernels(n_chunks, k0, k1)
    pre1, mid, post = _tc_calls(n)

    degp = deg_fn(dst3)
    degt = jnp.transpose(degp[:, 0, :])
    ut1 = pre1(x, degt, W1p, b1p)
    p1 = agg_fn(ut1, src3, dst3)
    ut2 = mid(p1, degt, W2p, b2p)
    p2 = agg_fn(ut2, src3, dst3)
    return post(p2, degt)

# --- scband reference (transcript-rebuilt; emitter-appended) ---
"""Pipeline reference for scband-lgcn-22136261444117 (READ-ONLY COPY).

The authoritative reference and input builder live on the scoring server;
editing this copy changes nothing except your own understanding.
"""

import jax, jax.numpy as jnp
import numpy as np

K_IN, K_HID, K_OUT = 1.0, 1.1, 1.2
N_NODES = 10000
D_FEAT = 128
HIDDEN = 128
N_EDGES = 320000


def _pad0(vs):
    return jnp.concatenate([jnp.zeros_like(vs[:, :1]), vs], axis=1)


def _proj_tan0(u):
    # zero out the time coordinate (tangent space at Lorentz origin)
    return _pad0(u[:, 1:])


def _expmap0(v, k):
    # v has time coord 0; hyperboloid <x,x>_L = -k
    sqrtk = jnp.sqrt(k)
    vs = v[:, 1:]
    norm = jnp.clip(jnp.sqrt(jnp.sum(vs * vs, axis=1, keepdims=True) + 1e-12), 1e-7, None)
    x0 = sqrtk * jnp.cosh(norm / sqrtk)
    xs = sqrtk * jnp.sinh(norm / sqrtk) * vs / norm
    return jnp.concatenate([x0, xs], axis=1)


def _logmap0(x, k):
    sqrtk = jnp.sqrt(k)
    xs = x[:, 1:]
    norm = jnp.clip(jnp.sqrt(jnp.sum(xs * xs, axis=1, keepdims=True) + 1e-12), 1e-7, None)
    theta = jnp.arccosh(jnp.clip(x[:, :1] / sqrtk, 1.0 + 1e-7, None))
    vs = sqrtk * theta * xs / norm
    return jnp.concatenate([jnp.zeros_like(x[:, :1]), vs], axis=1)


def _proj(x, k):
    # re-project onto hyperboloid: x0 = sqrt(k + ||x_s||^2)
    xs = x[:, 1:]
    x0 = jnp.sqrt(k + jnp.sum(xs * xs, axis=1, keepdims=True))
    return jnp.concatenate([x0, xs], axis=1)


def _lgcn_conv(x, src, dst, W, b, k_in, k_out, n):
    # hyperbolic linear: tangent-space matmul + bias, back to manifold_in
    v = _logmap0(x, k_in)[:, 1:]
    hs = v @ W + b
    h = _proj(_expmap0(_pad0(hs), k_in), k_in)
    # GCN-style neighborhood aggregation in tangent space (sym-normalized + self loop)
    u = _logmap0(h, k_in)
    deg = jax.ops.segment_sum(jnp.ones(src.shape[0], x.dtype), dst, num_segments=n) + 1.0
    dinv = 1.0 / jnp.sqrt(deg)
    w = (dinv[src] * dinv[dst])[:, None]
    agg = jax.ops.segment_sum(u[src] * w, dst, num_segments=n) + u * (1.0 / deg)[:, None]
    # activation in tangent space + manifold switch (curvature k_in -> k_out)
    zs = jax.nn.relu(agg[:, 1:])
    return _proj(_expmap0(_pad0(zs), k_out), k_out)


def setup_inputs(seed: int = 0) -> dict:
    key = jax.random.key(seed)
    k1, k2, k3, k4, k5, k6 = jax.random.split(key, 6)
    x = jax.random.normal(k1, (N_NODES, D_FEAT), dtype=jnp.float32)
    edge_index = jax.random.randint(k2, (2, N_EDGES), 0, N_NODES)
    W1 = jax.random.normal(k3, (D_FEAT, HIDDEN - 1), dtype=jnp.float32) / np.sqrt(D_FEAT)
    b1 = jax.random.normal(k4, (HIDDEN - 1,), dtype=jnp.float32) * 0.01
    W2 = jax.random.normal(k5, (HIDDEN - 1, HIDDEN - 1), dtype=jnp.float32) / np.sqrt(HIDDEN - 1)
    b2 = jax.random.normal(k6, (HIDDEN - 1,), dtype=jnp.float32) * 0.01
    return {"x": x, "edge_index": edge_index, "W1": W1, "b1": b1, "W2": W2, "b2": b2}


def reference(x, edge_index, W1, b1, W2, b2):
    n = x.shape[0]
    # encode(): prepend zero time coord, lift to Lorentz manifold_in
    xa = jnp.concatenate([jnp.zeros((n, 1), x.dtype), x], axis=1)
    x_h = _proj(_expmap0(_proj_tan0(xa), K_IN), K_IN)
    src, dst = edge_index[0], edge_index[1]
    h1 = _lgcn_conv(x_h, src, dst, W1, b1, K_IN, K_HID, n)
    h2 = _lgcn_conv(h1, src, dst, W2, b2, K_HID, K_OUT, n)
    return h2

if __name__ == "__main__":
    import jax
    _d = setup_inputs()
    print(jax.jit(kernel)(*tuple(_d.values())))

</pallas_src>

<mosaic_0001>
#map = affine_map<(d0, d1) -> (0, 0, 0)>
module attributes {stable_mosaic.version = 14 : i64} {
  func.func @_deg_body(%arg0: i32, %arg1: i32, %arg2: memref<32x93x128xi32, #tpu.memory_space<hbm>>, %arg3: memref<32x1x10016xf32, #tpu.memory_space<hbm>>, %arg4: memref<93x128xi32, #tpu.memory_space<vmem>>, %arg5: memref<10016xf32, #tpu.memory_space<vmem>>) attributes {dimension_semantics = [#tpu.dimension_semantics<core_parallel>, #tpu.dimension_semantics<subcore_parallel>], iteration_bounds = array<i64: 2, 16>, scalar_prefetch = 0 : i64, scratch_operands = 2 : i64, tpu.core_type = #tpu.core_type<sc_vector_subcore>, window_params = [{transform_indices = #map}, {transform_indices = #map}]} {
    %mul3A = arith.constant 16 : i32
    %mul3A_0 = arith.muli %arg0, %mul3A : i32
    %add3A = arith.addi %mul3A_0, %arg1 : i32
    "tpu.region"() ({
      %run_scoped3A_17 = tpu.sem_alloc : memref<!tpu.dma_semaphore, #tpu.memory_space<semaphore_mem>>
      %dma_start3A = arith.constant 0 : i32
      %dma_start3A_18 = arith.constant 0 : i32
      %dma_start3A_19 = tpu.memref_slice %arg2[%add3A, %dma_start3A, %dma_start3A_18] : memref<32x93x128xi32, #tpu.memory_space<hbm>> -> memref<1x93x128xi32, #tpu.memory_space<hbm>>
      %dma_start3A_20 = tpu.memref_squeeze %dma_start3A_19 : memref<1x93x128xi32, #tpu.memory_space<hbm>> -> memref<93x128xi32, #tpu.memory_space<hbm>>
      %dma_start3A_21 = arith.constant 0 : i32
      %dma_start3A_22 = arith.constant 0 : i32
      %dma_start3A_23 = tpu.memref_slice %arg2[%add3A, %dma_start3A_21, %dma_start3A_22] : memref<32x93x128xi32, #tpu.memory_space<hbm>> -> memref<1x93x128xi32, #tpu.memory_space<hbm>>
      %dma_start3A_24 = tpu.memref_squeeze %dma_start3A_23 : memref<1x93x128xi32, #tpu.memory_space<hbm>> -> memref<93x128xi32, #tpu.memory_space<hbm>>
      tpu.enqueue_dma source(%dma_start3A_24 : memref<93x128xi32, #tpu.memory_space<hbm>>) target(%arg4 : memref<93x128xi32, #tpu.memory_space<vmem>>) target_semaphore(%run_scoped3A_17 : memref<!tpu.dma_semaphore, #tpu.memory_space<semaphore_mem>>)
      %dma_wait3A = arith.constant 0 : i32
      %dma_wait3A_25 = arith.constant 0 : i32
      %dma_wait3A_26 = tpu.memref_slice %arg2[%add3A, %dma_wait3A, %dma_wait3A_25] : memref<32x93x128xi32, #tpu.memory_space<hbm>> -> memref<1x93x128xi32, #tpu.memory_space<hbm>>
      %dma_wait3A_27 = tpu.memref_squeeze %dma_wait3A_26 : memref<1x93x128xi32, #tpu.memory_space<hbm>> -> memref<93x128xi32, #tpu.memory_space<hbm>>
      %dma_wait3A_28 = arith.constant 0 : i32
      %dma_wait3A_29 = arith.constant 0 : i32
      %dma_wait3A_30 = tpu.memref_slice %arg2[%add3A, %dma_wait3A_28, %dma_wait3A_29] : memref<32x93x128xi32, #tpu.memory_space<hbm>> -> memref<1x93x128xi32, #tpu.memory_space<hbm>>
      %dma_wait3A_31 = tpu.memref_squeeze %dma_wait3A_30 : memref<1x93x128xi32, #tpu.memory_space<hbm>> -> memref<93x128xi32, #tpu.memory_space<hbm>>
      tpu.wait_dma2 semaphore(%run_scoped3A_17 : memref<!tpu.dma_semaphore, #tpu.memory_space<semaphore_mem>>) src(%dma_wait3A_31 : memref<93x128xi32, #tpu.memory_space<hbm>>) dst(%arg4 : memref<93x128xi32, #tpu.memory_space<vmem>>)
      tpu.yield
    }) : () -> ()
    %broadcast_in_dim3A = arith.constant 0.000000e+00 : f32
    %broadcast_in_dim3A_1 = vector.broadcast %broadcast_in_dim3A : f32 to vector<16xf32>
    %scan3A = arith.constant 0 : i32
    %scan3A_2 = arith.constant 0 : i32
    %scan3A_3 = arith.constant 626 : i32
    %scan3A_4 = arith.addi %scan3A_2, %scan3A_3 : i32
    %scan3A_5 = arith.constant 1 : i32
    %scan3A_6 = scf.for %scan3A_17 = %scan3A_2 to %scan3A_4 step %scan3A_5 iter_args(%scan3A_18 = %scan3A) -> (i32)  : i32 {
      %mul3A_19 = arith.constant 16 : i32
      %mul3A_20 = arith.muli %scan3A_17, %mul3A_19 : i32
      %swap3A = arith.index_cast %mul3A_20 : i32 to index
      %swap3A_21 = tpu.vector_load %arg5[%swap3A] {strides = array<i32>} : memref<10016xf32, #tpu.memory_space<vmem>>, vector<16xf32>,
      tpu.vector_store %arg5[%swap3A], %broadcast_in_dim3A_1 {strides = array<i32>} : memref<10016xf32, #tpu.memory_space<vmem>>, vector<16xf32>,
      %scan3A_22 = arith.constant 0 : i32
      scf.yield %scan3A_22 : i32
    }
    %scan3A_7 = arith.constant 626 : i32
    %broadcast_in_dim3A_8 = arith.constant 1.000000e+00 : f32
    %broadcast_in_dim3A_9 = vector.broadcast %broadcast_in_dim3A_8 : f32 to vector<16xf32>
    %scan3A_10 = arith.constant 0 : i32
    %scan3A_11 = arith.constant 0 : i32
    %scan3A_12 = arith.constant 93 : i32
    %scan3A_13 = arith.addi %scan3A_11, %scan3A_12 : i32
    %scan3A_14 = arith.constant 1 : i32
    %scan3A_15 = scf.for %scan3A_17 = %scan3A_11 to %scan3A_13 step %scan3A_14 iter_args(%scan3A_18 = %scan3A_10) -> (i32)  : i32 {
      %get3A = arith.index_cast %scan3A_17 : i32 to index
      %get3A_19 = arith.constant 0 : index
      %get3A_20 = tpu.vector_load %arg4[%get3A, %get3A_19] {strides = array<i32>} : memref<93x128xi32, #tpu.memory_space<vmem>>, vector<16xi32>,
      tpu.vector_store_idx %arg5[%get3A_20], %broadcast_in_dim3A_9 {add = true} : memref<10016xf32, #tpu.memory_space<vmem>>[vector<16xi32>], vector<16xf32>,
      %get3A_21 = arith.index_cast %scan3A_17 : i32 to index
      %get3A_22 = arith.constant 16 : index
      %get3A_23 = tpu.vector_load %arg4[%get3A_21, %get3A_22] {strides = array<i32>} : memref<93x128xi32, #tpu.memory_space<vmem>>, vector<16xi32>,
      tpu.vector_store_idx %arg5[%get3A_23], %broadcast_in_dim3A_9 {add = true} : memref<10016xf32, #tpu.memory_space<vmem>>[vector<16xi32>], vector<16xf32>,
      %get3A_24 = arith.index_cast %scan3A_17 : i32 to index
      %get3A_25 = arith.constant 32 : index
      %get3A_26 = tpu.vector_load %arg4[%get3A_24, %get3A_25] {strides = array<i32>} : memref<93x128xi32, #tpu.memory_space<vmem>>, vector<16xi32>,
      tpu.vector_store_idx %arg5[%get3A_26], %broadcast_in_dim3A_9 {add = true} : memref<10016xf32, #tpu.memory_space<vmem>>[vector<16xi32>], vector<16xf32>,
      %get3A_27 = arith.index_cast %scan3A_17 : i32 to index
      %get3A_28 = arith.constant 48 : index
      %get3A_29 = tpu.vector_load %arg4[%get3A_27, %get3A_28] {strides = array<i32>} : memref<93x128xi32, #tpu.memory_space<vmem>>, vector<16xi32>,
      tpu.vector_store_idx %arg5[%get3A_29], %broadcast_in_dim3A_9 {add = true} : memref<10016xf32, #tpu.memory_space<vmem>>[vector<16xi32>], vector<16xf32>,
      %get3A_30 = arith.index_cast %scan3A_17 : i32 to index
      %get3A_31 = arith.constant 64 : index
      %get3A_32 = tpu.vector_load %arg4[%get3A_30, %get3A_31] {strides = array<i32>} : memref<93x128xi32, #tpu.memory_space<vmem>>, vector<16xi32>,
      tpu.vector_store_idx %arg5[%get3A_32], %broadcast_in_dim3A_9 {add = true} : memref<10016xf32, #tpu.memory_space<vmem>>[vector<16xi32>], vector<16xf32>,
      %get3A_33 = arith.index_cast %scan3A_17 : i32 to index
      %get3A_34 = arith.constant 80 : index
      %get3A_35 = tpu.vector_load %arg4[%get3A_33, %get3A_34] {strides = array<i32>} : memref<93x128xi32, #tpu.memory_space<vmem>>, vector<16xi32>,
      tpu.vector_store_idx %arg5[%get3A_35], %broadcast_in_dim3A_9 {add = true} : memref<10016xf32, #tpu.memory_space<vmem>>[vector<16xi32>], vector<16xf32>,
      %get3A_36 = arith.index_cast %scan3A_17 : i32 to index
      %get3A_37 = arith.constant 96 : index
      %get3A_38 = tpu.vector_load %arg4[%get3A_36, %get3A_37] {strides = array<i32>} : memref<93x128xi32, #tpu.memory_space<vmem>>, vector<16xi32>,
      tpu.vector_store_idx %arg5[%get3A_38], %broadcast_in_dim3A_9 {add = true} : memref<10016xf32, #tpu.memory_space<vmem>>[vector<16xi32>], vector<16xf32>,
      %get3A_39 = arith.index_cast %scan3A_17 : i32 to index
      %get3A_40 = arith.constant 112 : index
      %get3A_41 = tpu.vector_load %arg4[%get3A_39, %get3A_40] {strides = array<i32>} : memref<93x128xi32, #tpu.memory_space<vmem>>, vector<16xi32>,
      tpu.vector_store_idx %arg5[%get3A_41], %broadcast_in_dim3A_9 {add = true} : memref<10016xf32, #tpu.memory_space<vmem>>[vector<16xi32>], vector<16xf32>,
      %scan3A_42 = arith.constant 0 : i32
      scf.yield %scan3A_42 : i32
    }
    %scan3A_16 = arith.constant 93 : i32
    %run_scoped3A = arith.constant 0 : i32
    "tpu.region"() ({
      %run_scoped3A_17 = tpu.sem_alloc : memref<!tpu.dma_semaphore, #tpu.memory_space<semaphore_mem>>
      %dma_start3A = arith.constant 0 : i32
      %dma_start3A_18 = tpu.memref_slice %arg3[%add3A, %run_scoped3A, %dma_start3A] : memref<32x1x10016xf32, #tpu.memory_space<hbm>> -> memref<1x1x10016xf32, #tpu.memory_space<hbm>>
      %dma_start3A_19 = tpu.memref_squeeze %dma_start3A_18 : memref<1x1x10016xf32, #tpu.memory_space<hbm>> -> memref<10016xf32, #tpu.memory_space<hbm>>
      %dma_start3A_20 = arith.constant 0 : i32
      %dma_start3A_21 = tpu.memref_slice %arg3[%add3A, %run_scoped3A, %dma_start3A_20] : memref<32x1x10016xf32, #tpu.memory_space<hbm>> -> memref<1x1x10016xf32, #tpu.memory_space<hbm>>
      %dma_start3A_22 = tpu.memref_squeeze %dma_start3A_21 : memref<1x1x10016xf32, #tpu.memory_space<hbm>> -> memref<10016xf32, #tpu.memory_space<hbm>>
      tpu.enqueue_dma source(%arg5 : memref<10016xf32, #tpu.memory_space<vmem>>) target(%dma_start3A_22 : memref<10016xf32, #tpu.memory_space<hbm>>) target_semaphore(%run_scoped3A_17 : memref<!tpu.dma_semaphore, #tpu.memory_space<semaphore_mem>>)
      %dma_wait3A = arith.constant 0 : i32
      %dma_wait3A_23 = tpu.memref_slice %arg3[%add3A, %run_scoped3A, %dma_wait3A] : memref<32x1x10016xf32, #tpu.memory_space<hbm>> -> memref<1x1x10016xf32, #tpu.memory_space<hbm>>
      %dma_wait3A_24 = tpu.memref_squeeze %dma_wait3A_23 : memref<1x1x10016xf32, #tpu.memory_space<hbm>> -> memref<10016xf32, #tpu.memory_space<hbm>>
      %dma_wait3A_25 = arith.constant 0 : i32
      %dma_wait3A_26 = tpu.memref_slice %arg3[%add3A, %run_scoped3A, %dma_wait3A_25] : memref<32x1x10016xf32, #tpu.memory_space<hbm>> -> memref<1x1x10016xf32, #tpu.memory_space<hbm>>
      %dma_wait3A_27 = tpu.memref_squeeze %dma_wait3A_26 : memref<1x1x10016xf32, #tpu.memory_space<hbm>> -> memref<10016xf32, #tpu.memory_space<hbm>>
      tpu.wait_dma2 semaphore(%run_scoped3A_17 : memref<!tpu.dma_semaphore, #tpu.memory_space<semaphore_mem>>) src(%arg5 : memref<10016xf32, #tpu.memory_space<vmem>>) dst(%dma_wait3A_27 : memref<10016xf32, #tpu.memory_space<hbm>>)
      tpu.yield
    }) : () -> ()
    return
  }
}

#map = affine_map<(d0, d1) -> (0, 0)>
#map1 = affine_map<(d0, d1) -> (0, 0, 0)>
module attributes {stable_mosaic.version = 14 : i64} {
  func.func @_agg_body(%arg0: i32, %arg1: i32, %arg2: memref<10000x128xf32, #tpu.memory_space<hbm>>, %arg3: memref<32x93x128xi32, #tpu.memory_space<hbm>>, %arg4: memref<32x93x128xi32, #tpu.memory_space<hbm>>, %arg5: memref<2x10240x128xf32, #tpu.memory_space<hbm>>, %arg6: memref<93x128xi32, #tpu.memory_space<vmem>>, %arg7: memref<93x128xi32, #tpu.memory_space<vmem>>, %arg8: memref<128x128xf32, #tpu.memory_space<vmem>>, %arg9: memref<5x128xi32, #tpu.memory_space<vmem>>, %arg10: memref<10240x128xf32, #tpu.memory_space<vmem_shared>>, %arg11: memref<!tpu.dma_semaphore, #tpu.memory_space<semaphore_mem>>) attributes {dimension_semantics = [#tpu.dimension_semantics<core_parallel>, #tpu.dimension_semantics<subcore_parallel>], iteration_bounds = array<i64: 2, 16>, scalar_prefetch = 0 : i64, scratch_operands = 6 : i64, tpu.core_type = #tpu.core_type<sc_vector_subcore>, window_params = [{transform_indices = #map}, {transform_indices = #map1}, {transform_indices = #map1}, {transform_indices = #map1}]} {
    %mul3A = arith.constant 16 : i32
    %mul3A_0 = arith.muli %arg0, %mul3A : i32
    %add3A = arith.addi %mul3A_0, %arg1 : i32
    "tpu.region"() ({
      %run_scoped3A_585 = tpu.sem_alloc : memref<!tpu.dma_semaphore, #tpu.memory_space<semaphore_mem>>
      %dma_start3A_586 = arith.constant 0 : i32
      %dma_start3A_587 = arith.constant 0 : i32
      %dma_start3A_588 = tpu.memref_slice %arg3[%add3A, %dma_start3A_586, %dma_start3A_587] : memref<32x93x128xi32, #tpu.memory_space<hbm>> -> memref<1x93x128xi32, #tpu.memory_space<hbm>>
      %dma_start3A_589 = tpu.memref_squeeze %dma_start3A_588 : memref<1x93x128xi32, #tpu.memory_space<hbm>> -> memref<93x128xi32, #tpu.memory_space<hbm>>
      %dma_start3A_590 = arith.constant 0 : i32
      %dma_start3A_591 = arith.constant 0 : i32
      %dma_start3A_592 = tpu.memref_slice %arg3[%add3A, %dma_start3A_590, %dma_start3A_591] : memref<32x93x128xi32, #tpu.memory_space<hbm>> -> memref<1x93x128xi32, #tpu.memory_space<hbm>>
      %dma_start3A_593 = tpu.memref_squeeze %dma_start3A_592 : memref<1x93x128xi32, #tpu.memory_space<hbm>> -> memref<93x128xi32, #tpu.memory_space<hbm>>
      tpu.enqueue_dma source(%dma_start3A_593 : memref<93x128xi32, #tpu.memory_space<hbm>>) target(%arg6 : memref<93x128xi32, #tpu.memory_space<vmem>>) target_semaphore(%run_scoped3A_585 : memref<!tpu.dma_semaphore, #tpu.memory_space<semaphore_mem>>)
      %dma_wait3A_594 = arith.constant 0 : i32
      %dma_wait3A_595 = arith.constant 0 : i32
      %dma_wait3A_596 = tpu.memref_slice %arg3[%add3A, %dma_wait3A_594, %dma_wait3A_595] : memref<32x93x128xi32, #tpu.memory_space<hbm>> -> memref<1x93x128xi32, #tpu.memory_space<hbm>>
      %dma_wait3A_597 = tpu.memref_squeeze %dma_wait3A_596 : memref<1x93x128xi32, #tpu.memory_space<hbm>> -> memref<93x128xi32, #tpu.memory_space<hbm>>
      %dma_wait3A_598 = arith.constant 0 : i32
      %dma_wait3A_599 = arith.constant 0 : i32
      %dma_wait3A_600 = tpu.memref_slice %arg3[%add3A, %dma_wait3A_598, %dma_wait3A_599] : memref<32x93x128xi32, #tpu.memory_space<hbm>> -> memref<1x93x128xi32, #tpu.memory_space<hbm>>
      %dma_wait3A_601 = tpu.memref_squeeze %dma_wait3A_600 : memref<1x93x128xi32, #tpu.memory_space<hbm>> -> memref<93x128xi32, #tpu.memory_space<hbm>>
      tpu.wait_dma2 semaphore(%run_scoped3A_585 : memref<!tpu.dma_semaphore, #tpu.memory_space<semaphore_mem>>) src(%dma_wait3A_601 : memref<93x128xi32, #tpu.memory_space<hbm>>) dst(%arg6 : memref<93x128xi32, #tpu.memory_space<vmem>>)
      tpu.yield
    }) : () -> ()
    "tpu.region"() ({
      %run_scoped3A_585 = tpu.sem_alloc : memref<!tpu.dma_semaphore, #tpu.memory_space<semaphore_mem>>
      %dma_start3A_586 = arith.constant 0 : i32
      %dma_start3A_587 = arith.constant 0 : i32
      %dma_start3A_588 = tpu.memref_slice %arg4[%add3A, %dma_start3A_586, %dma_start3A_587] : memref<32x93x128xi32, #tpu.memory_space<hbm>> -> memref<1x93x128xi32, #tpu.memory_space<hbm>>
      %dma_start3A_589 = tpu.memref_squeeze %dma_start3A_588 : memref<1x93x128xi32, #tpu.memory_space<hbm>> -> memref<93x128xi32, #tpu.memory_space<hbm>>
      %dma_start3A_590 = arith.constant 0 : i32
      %dma_start3A_591 = arith.constant 0 : i32
      %dma_start3A_592 = tpu.memref_slice %arg4[%add3A, %dma_start3A_590, %dma_start3A_591] : memref<32x93x128xi32, #tpu.memory_space<hbm>> -> memref<1x93x128xi32, #tpu.memory_space<hbm>>
      %dma_start3A_593 = tpu.memref_squeeze %dma_start3A_592 : memref<1x93x128xi32, #tpu.memory_space<hbm>> -> memref<93x128xi32, #tpu.memory_space<hbm>>
      tpu.enqueue_dma source(%dma_start3A_593 : memref<93x128xi32, #tpu.memory_space<hbm>>) target(%arg7 : memref<93x128xi32, #tpu.memory_space<vmem>>) target_semaphore(%run_scoped3A_585 : memref<!tpu.dma_semaphore, #tpu.memory_space<semaphore_mem>>)
      %dma_wait3A_594 = arith.constant 0 : i32
      %dma_wait3A_595 = arith.constant 0 : i32
      %dma_wait3A_596 = tpu.memref_slice %arg4[%add3A, %dma_wait3A_594, %dma_wait3A_595] : memref<32x93x128xi32, #tpu.memory_space<hbm>> -> memref<1x93x128xi32, #tpu.memory_space<hbm>>
      %dma_wait3A_597 = tpu.memref_squeeze %dma_wait3A_596 : memref<1x93x128xi32, #tpu.memory_space<hbm>> -> memref<93x128xi32, #tpu.memory_space<hbm>>
      %dma_wait3A_598 = arith.constant 0 : i32
      %dma_wait3A_599 = arith.constant 0 : i32
      %dma_wait3A_600 = tpu.memref_slice %arg4[%add3A, %dma_wait3A_598, %dma_wait3A_599] : memref<32x93x128xi32, #tpu.memory_space<hbm>> -> memref<1x93x128xi32, #tpu.memory_space<hbm>>
      %dma_wait3A_601 = tpu.memref_squeeze %dma_wait3A_600 : memref<1x93x128xi32, #tpu.memory_space<hbm>> -> memref<93x128xi32, #tpu.memory_space<hbm>>
      tpu.wait_dma2 semaphore(%run_scoped3A_585 : memref<!tpu.dma_semaphore, #tpu.memory_space<semaphore_mem>>) src(%dma_wait3A_601 : memref<93x128xi32, #tpu.memory_space<hbm>>) dst(%arg7 : memref<93x128xi32, #tpu.memory_space<vmem>>)
      tpu.yield
    }) : () -> ()
    %broadcast_in_dim3A = arith.constant 0.000000e+00 : f32
    %broadcast_in_dim3A_1 = vector.broadcast %broadcast_in_dim3A : f32 to vector<16xf32>
    %scan3A = arith.constant 0 : i32
    %scan3A_2 = arith.constant 0 : i32
    %scan3A_3 = arith.constant 128 : i32
    %scan3A_4 = arith.addi %scan3A_2, %scan3A_3 : i32
    %scan3A_5 = arith.constant 1 : i32
    %scan3A_6 = scf.for %scan3A_585 = %scan3A_2 to %scan3A_4 step %scan3A_5 iter_args(%scan3A_586 = %scan3A) -> (i32)  : i32 {
      %swap3A_587 = arith.index_cast %scan3A_585 : i32 to index
      %swap3A_588 = arith.constant 0 : index
      %swap3A_589 = tpu.vector_load %arg8[%swap3A_587, %swap3A_588] {strides = array<i32>} : memref<128x128xf32, #tpu.memory_space<vmem>>, vector<1x16xf32>,
      %swap3A_590 = vector.shape_cast %swap3A_589 : vector<1x16xf32> to vector<16xf32>
      %swap3A_591 = vector.shape_cast %broadcast_in_dim3A_1 : vector<16xf32> to vector<1x16xf32>
      tpu.vector_store %arg8[%swap3A_587, %swap3A_588], %swap3A_591 {strides = array<i32>} : memref<128x128xf32, #tpu.memory_space<vmem>>, vector<1x16xf32>,
      %swap3A_592 = arith.index_cast %scan3A_585 : i32 to index
      %swap3A_593 = arith.constant 16 : index
      %swap3A_594 = tpu.vector_load %arg8[%swap3A_592, %swap3A_593] {strides = array<i32>} : memref<128x128xf32, #tpu.memory_space<vmem>>, vector<1x16xf32>,
      %swap3A_595 = vector.shape_cast %swap3A_594 : vector<1x16xf32> to vector<16xf32>
      %swap3A_596 = vector.shape_cast %broadcast_in_dim3A_1 : vector<16xf32> to vector<1x16xf32>
      tpu.vector_store %arg8[%swap3A_592, %swap3A_593], %swap3A_596 {strides = array<i32>} : memref<128x128xf32, #tpu.memory_space<vmem>>, vector<1x16xf32>,
      %swap3A_597 = arith.index_cast %scan3A_585 : i32 to index
      %swap3A_598 = arith.constant 32 : index
      %swap3A_599 = tpu.vector_load %arg8[%swap3A_597, %swap3A_598] {strides = array<i32>} : memref<128x128xf32, #tpu.memory_space<vmem>>, vector<1x16xf32>,
      %swap3A_600 = vector.shape_cast %swap3A_599 : vector<1x16xf32> to vector<16xf32>
      %swap3A_601 = vector.shape_cast %broadcast_in_dim3A_1 : vector<16xf32> to vector<1x16xf32>
      tpu.vector_store %arg8[%swap3A_597, %swap3A_598], %swap3A_601 {strides = array<i32>} : memref<128x128xf32, #tpu.memory_space<vmem>>, vector<1x16xf32>,
      %swap3A_602 = arith.index_cast %scan3A_585 : i32 to index
      %swap3A_603 = arith.constant 48 : index
      %swap3A_604 = tpu.vector_load %arg8[%swap3A_602, %swap3A_603] {strides = array<i32>} : memref<128x128xf32, #tpu.memory_space<vmem>>, vector<1x16xf32>,
      %swap3A_605 = vector.shape_cast %swap3A_604 : vector<1x16xf32> to vector<16xf32>
      %swap3A_606 = vector.shape_cast %broadcast_in_dim3A_1 : vector<16xf32> to vector<1x16xf32>
      tpu.vector_store %arg8[%swap3A_602, %swap3A_603], %swap3A_606 {strides = array<i32>} : memref<128x128xf32, #tpu.memory_space<vmem>>, vector<1x16xf32>,
      %swap3A_607 = arith.index_cast %scan3A_585 : i32 to index
      %swap3A_608 = arith.constant 64 : index
      %swap3A_609 = tpu.vector_load %arg8[%swap3A_607, %swap3A_608] {strides = array<i32>} : memref<128x128xf32, #tpu.memory_space<vmem>>, vector<1x16xf32>,
      %swap3A_610 = vector.shape_cast %swap3A_609 : vector<1x16xf32> to vector<16xf32>
      %swap3A_611 = vector.shape_cast %broadcast_in_dim3A_1 : vector<16xf32> to vector<1x16xf32>
      tpu.vector_store %arg8[%swap3A_607, %swap3A_608], %swap3A_611 {strides = array<i32>} : memref<128x128xf32, #tpu.memory_space<vmem>>, vector<1x16xf32>,
      %swap3A_612 = arith.index_cast %scan3A_585 : i32 to index
      %swap3A_613 = arith.constant 80 : index
      %swap3A_614 = tpu.vector_load %arg8[%swap3A_612, %swap3A_613] {strides = array<i32>} : memref<128x128xf32, #tpu.memory_space<vmem>>, vector<1x16xf32>,
      %swap3A_615 = vector.shape_cast %swap3A_614 : vector<1x16xf32> to vector<16xf32>
      %swap3A_616 = vector.shape_cast %broadcast_in_dim3A_1 : vector<16xf32> to vector<1x16xf32>
      tpu.vector_store %arg8[%swap3A_612, %swap3A_613], %swap3A_616 {strides = array<i32>} : memref<128x128xf32, #tpu.memory_space<vmem>>, vector<1x16xf32>,
      %swap3A_617 = arith.index_cast %scan3A_585 : i32 to index
      %swap3A_618 = arith.constant 96 : index
      %swap3A_619 = tpu.vector_load %arg8[%swap3A_617, %swap3A_618] {strides = array<i32>} : memref<128x128xf32, #tpu.memory_space<vmem>>, vector<1x16xf32>,
      %swap3A_620 = vector.shape_cast %swap3A_619 : vector<1x16xf32> to vector<16xf32>
      %swap3A_621 = vector.shape_cast %broadcast_in_dim3A_1 : vector<16xf32> to vector<1x16xf32>
      tpu.vector_store %arg8[%swap3A_617, %swap3A_618], %swap3A_621 {strides = array<i32>} : memref<128x128xf32, #tpu.memory_space<vmem>>, vector<1x16xf32>,
      %swap3A_622 = arith.index_cast %scan3A_585 : i32 to index
      %swap3A_623 = arith.constant 112 : index
      %swap3A_624 = tpu.vector_load %arg8[%swap3A_622, %swap3A_623] {strides = array<i32>} : memref<128x128xf32, #tpu.memory_space<vmem>>, vector<1x16xf32>,
      %swap3A_625 = vector.shape_cast %swap3A_624 : vector<1x16xf32> to vector<16xf32>
      %swap3A_626 = vector.shape_cast %broadcast_in_dim3A_1 : vector<16xf32> to vector<1x16xf32>
      tpu.vector_store %arg8[%swap3A_622, %swap3A_623], %swap3A_626 {strides = array<i32>} : memref<128x128xf32, #tpu.memory_space<vmem>>, vector<1x16xf32>,
      %scan3A_627 = arith.constant 0 : i32
      scf.yield %scan3A_627 : i32
    }
    %scan3A_7 = arith.constant 128 : i32
    %mul3A_8 = arith.constant 640 : i32
    %mul3A_9 = arith.muli %arg1, %mul3A_8 : i32
    %iota3A = tpu.iota {dimensions = array<i32: 0>} : vector<16xi32>
    %add3A_10 = arith.constant 0 : i32
    %add3A_11 = arith.addi %mul3A_9, %add3A_10 : i32
    %add3A_12 = arith.constant 0 : i32
    %add3A_13 = arith.addi %add3A_11, %add3A_12 : i32
    %add3A_14 = vector.broadcast %add3A_13 : i32 to vector<16xi32>
    %add3A_15 = arith.addi %iota3A, %add3A_14 : vector<16xi32>
    %swap3A = arith.constant 0 : i32
    %swap3A_16 = arith.index_cast %swap3A : i32 to index
    %swap3A_17 = arith.constant 0 : index
    %swap3A_18 = tpu.vector_load %arg9[%swap3A_16, %swap3A_17] {strides = array<i32>} : memref<5x128xi32, #tpu.memory_space<vmem>>, vector<1x16xi32>,
    %swap3A_19 = vector.shape_cast %swap3A_18 : vector<1x16xi32> to vector<16xi32>
    %swap3A_20 = vector.shape_cast %add3A_15 : vector<16xi32> to vector<1x16xi32>
    tpu.vector_store %arg9[%swap3A_16, %swap3A_17], %swap3A_20 {strides = array<i32>} : memref<5x128xi32, #tpu.memory_space<vmem>>, vector<1x16xi32>,
    %add3A_21 = arith.constant 0 : i32
    %add3A_22 = arith.addi %mul3A_9, %add3A_21 : i32
    %add3A_23 = arith.constant 16 : i32
    %add3A_24 = arith.addi %add3A_22, %add3A_23 : i32
    %add3A_25 = vector.broadcast %add3A_24 : i32 to vector<16xi32>
    %add3A_26 = arith.addi %iota3A, %add3A_25 : vector<16xi32>
    %swap3A_27 = arith.constant 0 : i32
    %swap3A_28 = arith.index_cast %swap3A_27 : i32 to index
    %swap3A_29 = arith.constant 16 : index
    %swap3A_30 = tpu.vector_load %arg9[%swap3A_28, %swap3A_29] {strides = array<i32>} : memref<5x128xi32, #tpu.memory_space<vmem>>, vector<1x16xi32>,
    %swap3A_31 = vector.shape_cast %swap3A_30 : vector<1x16xi32> to vector<16xi32>
    %swap3A_32 = vector.shape_cast %add3A_26 : vector<16xi32> to vector<1x16xi32>
    tpu.vector_store %arg9[%swap3A_28, %swap3A_29], %swap3A_32 {strides = array<i32>} : memref<5x128xi32, #tpu.memory_space<vmem>>, vector<1x16xi32>,
    %add3A_33 = arith.constant 0 : i32
    %add3A_34 = arith.addi %mul3A_9, %add3A_33 : i32
    %add3A_35 = arith.constant 32 : i32
    %add3A_36 = arith.addi %add3A_34, %add3A_35 : i32
    %add3A_37 = vector.broadcast %add3A_36 : i32 to vector<16xi32>
    %add3A_38 = arith.addi %iota3A, %add3A_37 : vector<16xi32>
    %swap3A_39 = arith.constant 0 : i32
    %swap3A_40 = arith.index_cast %swap3A_39 : i32 to index
    %swap3A_41 = arith.constant 32 : index
    %swap3A_42 = tpu.vector_load %arg9[%swap3A_40, %swap3A_41] {strides = array<i32>} : memref<5x128xi32, #tpu.memory_space<vmem>>, vector<1x16xi32>,
    %swap3A_43 = vector.shape_cast %swap3A_42 : vector<1x16xi32> to vector<16xi32>
    %swap3A_44 = vector.shape_cast %add3A_38 : vector<16xi32> to vector<1x16xi32>
    tpu.vector_store %arg9[%swap3A_40, %swap3A_41], %swap3A_44 {strides = array<i32>} : memref<5x128xi32, #tpu.memory_space<vmem>>, vector<1x16xi32>,
    %add3A_45 = arith.constant 0 : i32
    %add3A_46 = arith.addi %mul3A_9, %add3A_45 : i32
    %add3A_47 = arith.constant 48 : i32
    %add3A_48 = arith.addi %add3A_46, %add3A_47 : i32
    %add3A_49 = vector.broadcast %add3A_48 : i32 to vector<16xi32>
    %add3A_50 = arith.addi %iota3A, %add3A_49 : vector<16xi32>
    %swap3A_51 = arith.constant 0 : i32
    %swap3A_52 = arith.index_cast %swap3A_51 : i32 to index
    %swap3A_53 = arith.constant 48 : index
    %swap3A_54 = tpu.vector_load %arg9[%swap3A_52, %swap3A_53] {strides = array<i32>} : memref<5x128xi32, #tpu.memory_space<vmem>>, vector<1x16xi32>,
    %swap3A_55 = vector.shape_cast %swap3A_54 : vector<1x16xi32> to vector<16xi32>
    %swap3A_56 = vector.shape_cast %add3A_50 : vector<16xi32> to vector<1x16xi32>
    tpu.vector_store %arg9[%swap3A_52, %swap3A_53], %swap3A_56 {strides = array<i32>} : memref<5x128xi32, #tpu.memory_space<vmem>>, vector<1x16xi32>,
    %add3A_57 = arith.constant 0 : i32
    %add3A_58 = arith.addi %mul3A_9, %add3A_57 : i32
    %add3A_59 = arith.constant 64 : i32
    %add3A_60 = arith.addi %add3A_58, %add3A_59 : i32
    %add3A_61 = vector.broadcast %add3A_60 : i32 to vector<16xi32>
    %add3A_62 = arith.addi %iota3A, %add3A_61 : vector<16xi32>
    %swap3A_63 = arith.constant 0 : i32
    %swap3A_64 = arith.index_cast %swap3A_63 : i32 to index
    %swap3A_65 = arith.constant 64 : index
    %swap3A_66 = tpu.vector_load %arg9[%swap3A_64, %swap3A_65] {strides = array<i32>} : memref<5x128xi32, #tpu.memory_space<vmem>>, vector<1x16xi32>,
    %swap3A_67 = vector.shape_cast %swap3A_66 : vector<1x16xi32> to vector<16xi32>
    %swap3A_68 = vector.shape_cast %add3A_62 : vector<16xi32> to vector<1x16xi32>
    tpu.vector_store %arg9[%swap3A_64, %swap3A_65], %swap3A_68 {strides = array<i32>} : memref<5x128xi32, #tpu.memory_space<vmem>>, vector<1x16xi32>,
    %add3A_69 = arith.constant 0 : i32
    %add3A_70 = arith.addi %mul3A_9, %add3A_69 : i32
    %add3A_71 = arith.constant 80 : i32
    %add3A_72 = arith.addi %add3A_70, %add3A_71 : i32
    %add3A_73 = vector.broadcast %add3A_72 : i32 to vector<16xi32>
    %add3A_74 = arith.addi %iota3A, %add3A_73 : vector<16xi32>
    %swap3A_75 = arith.constant 0 : i32
    %swap3A_76 = arith.index_cast %swap3A_75 : i32 to index
    %swap3A_77 = arith.constant 80 : index
    %swap3A_78 = tpu.vector_load %arg9[%swap3A_76, %swap3A_77] {strides = array<i32>} : memref<5x128xi32, #tpu.memory_space<vmem>>, vector<1x16xi32>,
    %swap3A_79 = vector.shape_cast %swap3A_78 : vector<1x16xi32> to vector<16xi32>
    %swap3A_80 = vector.shape_cast %add3A_74 : vector<16xi32> to vector<1x16xi32>
    tpu.vector_store %arg9[%swap3A_76, %swap3A_77], %swap3A_80 {strides = array<i32>} : memref<5x128xi32, #tpu.memory_space<vmem>>, vector<1x16xi32>,
    %add3A_81 = arith.constant 0 : i32
    %add3A_82 = arith.addi %mul3A_9, %add3A_81 : i32
    %add3A_83 = arith.constant 96 : i32
    %add3A_84 = arith.addi %add3A_82, %add3A_83 : i32
    %add3A_85 = vector.broadcast %add3A_84 : i32 to vector<16xi32>
    %add3A_86 = arith.addi %iota3A, %add3A_85 : vector<16xi32>
    %swap3A_87 = arith.constant 0 : i32
    %swap3A_88 = arith.index_cast %swap3A_87 : i32 to index
    %swap3A_89 = arith.constant 96 : index
    %swap3A_90 = tpu.vector_load %arg9[%swap3A_88, %swap3A_89] {strides = array<i32>} : memref<5x128xi32, #tpu.memory_space<vmem>>, vector<1x16xi32>,
    %swap3A_91 = vector.shape_cast %swap3A_90 : vector<1x16xi32> to vector<16xi32>
    %swap3A_92 = vector.shape_cast %add3A_86 : vector<16xi32> to vector<1x16xi32>
    tpu.vector_store %arg9[%swap3A_88, %swap3A_89], %swap3A_92 {strides = array<i32>} : memref<5x128xi32, #tpu.memory_space<vmem>>, vector<1x16xi32>,
    %add3A_93 = arith.constant 0 : i32
    %add3A_94 = arith.addi %mul3A_9, %add3A_93 : i32
    %add3A_95 = arith.constant 112 : i32
    %add3A_96 = arith.addi %add3A_94, %add3A_95 : i32
    %add3A_97 = vector.broadcast %add3A_96 : i32 to vector<16xi32>
    %add3A_98 = arith.addi %iota3A, %add3A_97 : vector<16xi32>
    %swap3A_99 = arith.constant 0 : i32
    %swap3A_100 = arith.index_cast %swap3A_99 : i32 to index
    %swap3A_101 = arith.constant 112 : index
    %swap3A_102 = tpu.vector_load %arg9[%swap3A_100, %swap3A_101] {strides = array<i32>} : memref<5x128xi32, #tpu.memory_space<vmem>>, vector<1x16xi32>,
    %swap3A_103 = vector.shape_cast %swap3A_102 : vector<1x16xi32> to vector<16xi32>
    %swap3A_104 = vector.shape_cast %add3A_98 : vector<16xi32> to vector<1x16xi32>
    tpu.vector_store %arg9[%swap3A_100, %swap3A_101], %swap3A_104 {strides = array<i32>} : memref<5x128xi32, #tpu.memory_space<vmem>>, vector<1x16xi32>,
    %add3A_105 = arith.constant 128 : i32
    %add3A_106 = arith.addi %mul3A_9, %add3A_105 : i32
    %add3A_107 = arith.constant 0 : i32
    %add3A_108 = arith.addi %add3A_106, %add3A_107 : i32
    %add3A_109 = vector.broadcast %add3A_108 : i32 to vector<16xi32>
    %add3A_110 = arith.addi %iota3A, %add3A_109 : vector<16xi32>
    %swap3A_111 = arith.constant 1 : i32
    %swap3A_112 = arith.index_cast %swap3A_111 : i32 to index
    %swap3A_113 = arith.constant 0 : index
    %swap3A_114 = tpu.vector_load %arg9[%swap3A_112, %swap3A_113] {strides = array<i32>} : memref<5x128xi32, #tpu.memory_space<vmem>>, vector<1x16xi32>,
    %swap3A_115 = vector.shape_cast %swap3A_114 : vector<1x16xi32> to vector<16xi32>
    %swap3A_116 = vector.shape_cast %add3A_110 : vector<16xi32> to vector<1x16xi32>
    tpu.vector_store %arg9[%swap3A_112, %swap3A_113], %swap3A_116 {strides = array<i32>} : memref<5x128xi32, #tpu.memory_space<vmem>>, vector<1x16xi32>,
    %add3A_117 = arith.constant 128 : i32
    %add3A_118 = arith.addi %mul3A_9, %add3A_117 : i32
    %add3A_119 = arith.constant 16 : i32
    %add3A_120 = arith.addi %add3A_118, %add3A_119 : i32
    %add3A_121 = vector.broadcast %add3A_120 : i32 to vector<16xi32>
    %add3A_122 = arith.addi %iota3A, %add3A_121 : vector<16xi32>
    %swap3A_123 = arith.constant 1 : i32
    %swap3A_124 = arith.index_cast %swap3A_123 : i32 to index
    %swap3A_125 = arith.constant 16 : index
    %swap3A_126 = tpu.vector_load %arg9[%swap3A_124, %swap3A_125] {strides = array<i32>} : memref<5x128xi32, #tpu.memory_space<vmem>>, vector<1x16xi32>,
    %swap3A_127 = vector.shape_cast %swap3A_126 : vector<1x16xi32> to vector<16xi32>
    %swap3A_128 = vector.shape_cast %add3A_122 : vector<16xi32> to vector<1x16xi32>
    tpu.vector_store %arg9[%swap3A_124, %swap3A_125], %swap3A_128 {strides = array<i32>} : memref<5x128xi32, #tpu.memory_space<vmem>>, vector<1x16xi32>,
    %add3A_129 = arith.constant 128 : i32
    %add3A_130 = arith.addi %mul3A_9, %add3A_129 : i32
    %add3A_131 = arith.constant 32 : i32
    %add3A_132 = arith.addi %add3A_130, %add3A_131 : i32
    %add3A_133 = vector.broadcast %add3A_132 : i32 to vector<16xi32>
    %add3A_134 = arith.addi %iota3A, %add3A_133 : vector<16xi32>
    %swap3A_135 = arith.constant 1 : i32
    %swap3A_136 = arith.index_cast %swap3A_135 : i32 to index
    %swap3A_137 = arith.constant 32 : index
    %swap3A_138 = tpu.vector_load %arg9[%swap3A_136, %swap3A_137] {strides = array<i32>} : memref<5x128xi32, #tpu.memory_space<vmem>>, vector<1x16xi32>,
    %swap3A_139 = vector.shape_cast %swap3A_138 : vector<1x16xi32> to vector<16xi32>
    %swap3A_140 = vector.shape_cast %add3A_134 : vector<16xi32> to vector<1x16xi32>
    tpu.vector_store %arg9[%swap3A_136, %swap3A_137], %swap3A_140 {strides = array<i32>} : memref<5x128xi32, #tpu.memory_space<vmem>>, vector<1x16xi32>,
    %add3A_141 = arith.constant 128 : i32
    %add3A_142 = arith.addi %mul3A_9, %add3A_141 : i32
    %add3A_143 = arith.constant 48 : i32
    %add3A_144 = arith.addi %add3A_142, %add3A_143 : i32
    %add3A_145 = vector.broadcast %add3A_144 : i32 to vector<16xi32>
    %add3A_146 = arith.addi %iota3A, %add3A_145 : vector<16xi32>
    %swap3A_147 = arith.constant 1 : i32
    %swap3A_148 = arith.index_cast %swap3A_147 : i32 to index
    %swap3A_149 = arith.constant 48 : index
    %swap3A_150 = tpu.vector_load %arg9[%swap3A_148, %swap3A_149] {strides = array<i32>} : memref<5x128xi32, #tpu.memory_space<vmem>>, vector<1x16xi32>,
    %swap3A_151 = vector.shape_cast %swap3A_150 : vector<1x16xi32> to vector<16xi32>
    %swap3A_152 = vector.shape_cast %add3A_146 : vector<16xi32> to vector<1x16xi32>
    tpu.vector_store %arg9[%swap3A_148, %swap3A_149], %swap3A_152 {strides = array<i32>} : memref<5x128xi32, #tpu.memory_space<vmem>>, vector<1x16xi32>,
    %add3A_153 = arith.constant 128 : i32
    %add3A_154 = arith.addi %mul3A_9, %add3A_153 : i32
    %add3A_155 = arith.constant 64 : i32
    %add3A_156 = arith.addi %add3A_154, %add3A_155 : i32
    %add3A_157 = vector.broadcast %add3A_156 : i32 to vector<16xi32>
    %add3A_158 = arith.addi %iota3A, %add3A_157 : vector<16xi32>
    %swap3A_159 = arith.constant 1 : i32
    %swap3A_160 = arith.index_cast %swap3A_159 : i32 to index
    %swap3A_161 = arith.constant 64 : index
    %swap3A_162 = tpu.vector_load %arg9[%swap3A_160, %swap3A_161] {strides = array<i32>} : memref<5x128xi32, #tpu.memory_space<vmem>>, vector<1x16xi32>,
    %swap3A_163 = vector.shape_cast %swap3A_162 : vector<1x16xi32> to vector<16xi32>
    %swap3A_164 = vector.shape_cast %add3A_158 : vector<16xi32> to vector<1x16xi32>
    tpu.vector_store %arg9[%swap3A_160, %swap3A_161], %swap3A_164 {strides = array<i32>} : memref<5x128xi32, #tpu.memory_space<vmem>>, vector<1x16xi32>,
    %add3A_165 = arith.constant 128 : i32
    %add3A_166 = arith.addi %mul3A_9, %add3A_165 : i32
    %add3A_167 = arith.constant 80 : i32
    %add3A_168 = arith.addi %add3A_166, %add3A_167 : i32
    %add3A_169 = vector.broadcast %add3A_168 : i32 to vector<16xi32>
    %add3A_170 = arith.addi %iota3A, %add3A_169 : vector<16xi32>
    %swap3A_171 = arith.constant 1 : i32
    %swap3A_172 = arith.index_cast %swap3A_171 : i32 to index
    %swap3A_173 = arith.constant 80 : index
    %swap3A_174 = tpu.vector_load %arg9[%swap3A_172, %swap3A_173] {strides = array<i32>} : memref<5x128xi32, #tpu.memory_space<vmem>>, vector<1x16xi32>,
    %swap3A_175 = vector.shape_cast %swap3A_174 : vector<1x16xi32> to vector<16xi32>
    %swap3A_176 = vector.shape_cast %add3A_170 : vector<16xi32> to vector<1x16xi32>
    tpu.vector_store %arg9[%swap3A_172, %swap3A_173], %swap3A_176 {strides = array<i32>} : memref<5x128xi32, #tpu.memory_space<vmem>>, vector<1x16xi32>,
    %add3A_177 = arith.constant 128 : i32
    %add3A_178 = arith.addi %mul3A_9, %add3A_177 : i32
    %add3A_179 = arith.constant 96 : i32
    %add3A_180 = arith.addi %add3A_178, %add3A_179 : i32
    %add3A_181 = vector.broadcast %add3A_180 : i32 to vector<16xi32>
    %add3A_182 = arith.addi %iota3A, %add3A_181 : vector<16xi32>
    %swap3A_183 = arith.constant 1 : i32
    %swap3A_184 = arith.index_cast %swap3A_183 : i32 to index
    %swap3A_185 = arith.constant 96 : index
    %swap3A_186 = tpu.vector_load %arg9[%swap3A_184, %swap3A_185] {strides = array<i32>} : memref<5x128xi32, #tpu.memory_space<vmem>>, vector<1x16xi32>,
    %swap3A_187 = vector.shape_cast %swap3A_186 : vector<1x16xi32> to vector<16xi32>
    %swap3A_188 = vector.shape_cast %add3A_182 : vector<16xi32> to vector<1x16xi32>
    tpu.vector_store %arg9[%swap3A_184, %swap3A_185], %swap3A_188 {strides = array<i32>} : memref<5x128xi32, #tpu.memory_space<vmem>>, vector<1x16xi32>,
    %add3A_189 = arith.constant 128 : i32
    %add3A_190 = arith.addi %mul3A_9, %add3A_189 : i32
    %add3A_191 = arith.constant 112 : i32
    %add3A_192 = arith.addi %add3A_190, %add3A_191 : i32
    %add3A_193 = vector.broadcast %add3A_192 : i32 to vector<16xi32>
    %add3A_194 = arith.addi %iota3A, %add3A_193 : vector<16xi32>
    %swap3A_195 = arith.constant 1 : i32
    %swap3A_196 = arith.index_cast %swap3A_195 : i32 to index
    %swap3A_197 = arith.constant 112 : index
    %swap3A_198 = tpu.vector_load %arg9[%swap3A_196, %swap3A_197] {strides = array<i32>} : memref<5x128xi32, #tpu.memory_space<vmem>>, vector<1x16xi32>,
    %swap3A_199 = vector.shape_cast %swap3A_198 : vector<1x16xi32> to vector<16xi32>
    %swap3A_200 = vector.shape_cast %add3A_194 : vector<16xi32> to vector<1x16xi32>
    tpu.vector_store %arg9[%swap3A_196, %swap3A_197], %swap3A_200 {strides = array<i32>} : memref<5x128xi32, #tpu.memory_space<vmem>>, vector<1x16xi32>,
    %add3A_201 = arith.constant 256 : i32
    %add3A_202 = arith.addi %mul3A_9, %add3A_201 : i32
    %add3A_203 = arith.constant 0 : i32
    %add3A_204 = arith.addi %add3A_202, %add3A_203 : i32
    %add3A_205 = vector.broadcast %add3A_204 : i32 to vector<16xi32>
    %add3A_206 = arith.addi %iota3A, %add3A_205 : vector<16xi32>
    %swap3A_207 = arith.constant 2 : i32
    %swap3A_208 = arith.index_cast %swap3A_207 : i32 to index
    %swap3A_209 = arith.constant 0 : index
    %swap3A_210 = tpu.vector_load %arg9[%swap3A_208, %swap3A_209] {strides = array<i32>} : memref<5x128xi32, #tpu.memory_space<vmem>>, vector<1x16xi32>,
    %swap3A_211 = vector.shape_cast %swap3A_210 : vector<1x16xi32> to vector<16xi32>
    %swap3A_212 = vector.shape_cast %add3A_206 : vector<16xi32> to vector<1x16xi32>
    tpu.vector_store %arg9[%swap3A_208, %swap3A_209], %swap3A_212 {strides = array<i32>} : memref<5x128xi32, #tpu.memory_space<vmem>>, vector<1x16xi32>,
    %add3A_213 = arith.constant 256 : i32
    %add3A_214 = arith.addi %mul3A_9, %add3A_213 : i32
    %add3A_215 = arith.constant 16 : i32
    %add3A_216 = arith.addi %add3A_214, %add3A_215 : i32
    %add3A_217 = vector.broadcast %add3A_216 : i32 to vector<16xi32>
    %add3A_218 = arith.addi %iota3A, %add3A_217 : vector<16xi32>
    %swap3A_219 = arith.constant 2 : i32
    %swap3A_220 = arith.index_cast %swap3A_219 : i32 to index
    %swap3A_221 = arith.constant 16 : index
    %swap3A_222 = tpu.vector_load %arg9[%swap3A_220, %swap3A_221] {strides = array<i32>} : memref<5x128xi32, #tpu.memory_space<vmem>>, vector<1x16xi32>,
    %swap3A_223 = vector.shape_cast %swap3A_222 : vector<1x16xi32> to vector<16xi32>
    %swap3A_224 = vector.shape_cast %add3A_218 : vector<16xi32> to vector<1x16xi32>
    tpu.vector_store %arg9[%swap3A_220, %swap3A_221], %swap3A_224 {strides = array<i32>} : memref<5x128xi32, #tpu.memory_space<vmem>>, vector<1x16xi32>,
    %add3A_225 = arith.constant 256 : i32
    %add3A_226 = arith.addi %mul3A_9, %add3A_225 : i32
    %add3A_227 = arith.constant 32 : i32
    %add3A_228 = arith.addi %add3A_226, %add3A_227 : i32
    %add3A_229 = vector.broadcast %add3A_228 : i32 to vector<16xi32>
    %add3A_230 = arith.addi %iota3A, %add3A_229 : vector<16xi32>
    %swap3A_231 = arith.constant 2 : i32
    %swap3A_232 = arith.index_cast %swap3A_231 : i32 to index
    %swap3A_233 = arith.constant 32 : index
    %swap3A_234 = tpu.vector_load %arg9[%swap3A_232, %swap3A_233] {strides = array<i32>} : memref<5x128xi32, #tpu.memory_space<vmem>>, vector<1x16xi32>,
    %swap3A_235 = vector.shape_cast %swap3A_234 : vector<1x16xi32> to vector<16xi32>
    %swap3A_236 = vector.shape_cast %add3A_230 : vector<16xi32> to vector<1x16xi32>
    tpu.vector_store %arg9[%swap3A_232, %swap3A_233], %swap3A_236 {strides = array<i32>} : memref<5x128xi32, #tpu.memory_space<vmem>>, vector<1x16xi32>,
    %add3A_237 = arith.constant 256 : i32
    %add3A_238 = arith.addi %mul3A_9, %add3A_237 : i32
    %add3A_239 = arith.constant 48 : i32
    %add3A_240 = arith.addi %add3A_238, %add3A_239 : i32
    %add3A_241 = vector.broadcast %add3A_240 : i32 to vector<16xi32>
    %add3A_242 = arith.addi %iota3A, %add3A_241 : vector<16xi32>
    %swap3A_243 = arith.constant 2 : i32
    %swap3A_244 = arith.index_cast %swap3A_243 : i32 to index
    %swap3A_245 = arith.constant 48 : index
    %swap3A_246 = tpu.vector_load %arg9[%swap3A_244, %swap3A_245] {strides = array<i32>} : memref<5x128xi32, #tpu.memory_space<vmem>>, vector<1x16xi32>,
    %swap3A_247 = vector.shape_cast %swap3A_246 : vector<1x16xi32> to vector<16xi32>
    %swap3A_248 = vector.shape_cast %add3A_242 : vector<16xi32> to vector<1x16xi32>
    tpu.vector_store %arg9[%swap3A_244, %swap3A_245], %swap3A_248 {strides = array<i32>} : memref<5x128xi32, #tpu.memory_space<vmem>>, vector<1x16xi32>,
    %add3A_249 = arith.constant 256 : i32
    %add3A_250 = arith.addi %mul3A_9, %add3A_249 : i32
    %add3A_251 = arith.constant 64 : i32
    %add3A_252 = arith.addi %add3A_250, %add3A_251 : i32
    %add3A_253 = vector.broadcast %add3A_252 : i32 to vector<16xi32>
    %add3A_254 = arith.addi %iota3A, %add3A_253 : vector<16xi32>
    %swap3A_255 = arith.constant 2 : i32
    %swap3A_256 = arith.index_cast %swap3A_255 : i32 to index
    %swap3A_257 = arith.constant 64 : index
    %swap3A_258 = tpu.vector_load %arg9[%swap3A_256, %swap3A_257] {strides = array<i32>} : memref<5x128xi32, #tpu.memory_space<vmem>>, vector<1x16xi32>,
    %swap3A_259 = vector.shape_cast %swap3A_258 : vector<1x16xi32> to vector<16xi32>
    %swap3A_260 = vector.shape_cast %add3A_254 : vector<16xi32> to vector<1x16xi32>
    tpu.vector_store %arg9[%swap3A_256, %swap3A_257], %swap3A_260 {strides = array<i32>} : memref<5x128xi32, #tpu.memory_space<vmem>>, vector<1x16xi32>,
    %add3A_261 = arith.constant 256 : i32
    %add3A_262 = arith.addi %mul3A_9, %add3A_261 : i32
    %add3A_263 = arith.constant 80 : i32
    %add3A_264 = arith.addi %add3A_262, %add3A_263 : i32
    %add3A_265 = vector.broadcast %add3A_264 : i32 to vector<16xi32>
    %add3A_266 = arith.addi %iota3A, %add3A_265 : vector<16xi32>
    %swap3A_267 = arith.constant 2 : i32
    %swap3A_268 = arith.index_cast %swap3A_267 : i32 to index
    %swap3A_269 = arith.constant 80 : index
    %swap3A_270 = tpu.vector_load %arg9[%swap3A_268, %swap3A_269] {strides = array<i32>} : memref<5x128xi32, #tpu.memory_space<vmem>>, vector<1x16xi32>,
    %swap3A_271 = vector.shape_cast %swap3A_270 : vector<1x16xi32> to vector<16xi32>
    %swap3A_272 = vector.shape_cast %add3A_266 : vector<16xi32> to vector<1x16xi32>
    tpu.vector_store %arg9[%swap3A_268, %swap3A_269], %swap3A_272 {strides = array<i32>} : memref<5x128xi32, #tpu.memory_space<vmem>>, vector<1x16xi32>,
    %add3A_273 = arith.constant 256 : i32
    %add3A_274 = arith.addi %mul3A_9, %add3A_273 : i32
    %add3A_275 = arith.constant 96 : i32
    %add3A_276 = arith.addi %add3A_274, %add3A_275 : i32
    %add3A_277 = vector.broadcast %add3A_276 : i32 to vector<16xi32>
    %add3A_278 = arith.addi %iota3A, %add3A_277 : vector<16xi32>
    %swap3A_279 = arith.constant 2 : i32
    %swap3A_280 = arith.index_cast %swap3A_279 : i32 to index
    %swap3A_281 = arith.constant 96 : index
    %swap3A_282 = tpu.vector_load %arg9[%swap3A_280, %swap3A_281] {strides = array<i32>} : memref<5x128xi32, #tpu.memory_space<vmem>>, vector<1x16xi32>,
    %swap3A_283 = vector.shape_cast %swap3A_282 : vector<1x16xi32> to vector<16xi32>
    %swap3A_284 = vector.shape_cast %add3A_278 : vector<16xi32> to vector<1x16xi32>
    tpu.vector_store %arg9[%swap3A_280, %swap3A_281], %swap3A_284 {strides = array<i32>} : memref<5x128xi32, #tpu.memory_space<vmem>>, vector<1x16xi32>,
    %add3A_285 = arith.constant 256 : i32
    %add3A_286 = arith.addi %mul3A_9, %add3A_285 : i32
    %add3A_287 = arith.constant 112 : i32
    %add3A_288 = arith.addi %add3A_286, %add3A_287 : i32
    %add3A_289 = vector.broadcast %add3A_288 : i32 to vector<16xi32>
    %add3A_290 = arith.addi %iota3A, %add3A_289 : vector<16xi32>
    %swap3A_291 = arith.constant 2 : i32
    %swap3A_292 = arith.index_cast %swap3A_291 : i32 to index
    %swap3A_293 = arith.constant 112 : index
    %swap3A_294 = tpu.vector_load %arg9[%swap3A_292, %swap3A_293] {strides = array<i32>} : memref<5x128xi32, #tpu.memory_space<vmem>>, vector<1x16xi32>,
    %swap3A_295 = vector.shape_cast %swap3A_294 : vector<1x16xi32> to vector<16xi32>
    %swap3A_296 = vector.shape_cast %add3A_290 : vector<16xi32> to vector<1x16xi32>
    tpu.vector_store %arg9[%swap3A_292, %swap3A_293], %swap3A_296 {strides = array<i32>} : memref<5x128xi32, #tpu.memory_space<vmem>>, vector<1x16xi32>,
    %add3A_297 = arith.constant 384 : i32
    %add3A_298 = arith.addi %mul3A_9, %add3A_297 : i32
    %add3A_299 = arith.constant 0 : i32
    %add3A_300 = arith.addi %add3A_298, %add3A_299 : i32
    %add3A_301 = vector.broadcast %add3A_300 : i32 to vector<16xi32>
    %add3A_302 = arith.addi %iota3A, %add3A_301 : vector<16xi32>
    %swap3A_303 = arith.constant 3 : i32
    %swap3A_304 = arith.index_cast %swap3A_303 : i32 to index
    %swap3A_305 = arith.constant 0 : index
    %swap3A_306 = tpu.vector_load %arg9[%swap3A_304, %swap3A_305] {strides = array<i32>} : memref<5x128xi32, #tpu.memory_space<vmem>>, vector<1x16xi32>,
    %swap3A_307 = vector.shape_cast %swap3A_306 : vector<1x16xi32> to vector<16xi32>
    %swap3A_308 = vector.shape_cast %add3A_302 : vector<16xi32> to vector<1x16xi32>
    tpu.vector_store %arg9[%swap3A_304, %swap3A_305], %swap3A_308 {strides = array<i32>} : memref<5x128xi32, #tpu.memory_space<vmem>>, vector<1x16xi32>,
    %add3A_309 = arith.constant 384 : i32
    %add3A_310 = arith.addi %mul3A_9, %add3A_309 : i32
    %add3A_311 = arith.constant 16 : i32
    %add3A_312 = arith.addi %add3A_310, %add3A_311 : i32
    %add3A_313 = vector.broadcast %add3A_312 : i32 to vector<16xi32>
    %add3A_314 = arith.addi %iota3A, %add3A_313 : vector<16xi32>
    %swap3A_315 = arith.constant 3 : i32
    %swap3A_316 = arith.index_cast %swap3A_315 : i32 to index
    %swap3A_317 = arith.constant 16 : index
    %swap3A_318 = tpu.vector_load %arg9[%swap3A_316, %swap3A_317] {strides = array<i32>} : memref<5x128xi32, #tpu.memory_space<vmem>>, vector<1x16xi32>,
    %swap3A_319 = vector.shape_cast %swap3A_318 : vector<1x16xi32> to vector<16xi32>
    %swap3A_320 = vector.shape_cast %add3A_314 : vector<16xi32> to vector<1x16xi32>
    tpu.vector_store %arg9[%swap3A_316, %swap3A_317], %swap3A_320 {strides = array<i32>} : memref<5x128xi32, #tpu.memory_space<vmem>>, vector<1x16xi32>,
    %add3A_321 = arith.constant 384 : i32
    %add3A_322 = arith.addi %mul3A_9, %add3A_321 : i32
    %add3A_323 = arith.constant 32 : i32
    %add3A_324 = arith.addi %add3A_322, %add3A_323 : i32
    %add3A_325 = vector.broadcast %add3A_324 : i32 to vector<16xi32>
    %add3A_326 = arith.addi %iota3A, %add3A_325 : vector<16xi32>
    %swap3A_327 = arith.constant 3 : i32
    %swap3A_328 = arith.index_cast %swap3A_327 : i32 to index
    %swap3A_329 = arith.constant 32 : index
    %swap3A_330 = tpu.vector_load %arg9[%swap3A_328, %swap3A_329] {strides = array<i32>} : memref<5x128xi32, #tpu.memory_space<vmem>>, vector<1x16xi32>,
    %swap3A_331 = vector.shape_cast %swap3A_330 : vector<1x16xi32> to vector<16xi32>
    %swap3A_332 = vector.shape_cast %add3A_326 : vector<16xi32> to vector<1x16xi32>
    tpu.vector_store %arg9[%swap3A_328, %swap3A_329], %swap3A_332 {strides = array<i32>} : memref<5x128xi32, #tpu.memory_space<vmem>>, vector<1x16xi32>,
    %add3A_333 = arith.constant 384 : i32
    %add3A_334 = arith.addi %mul3A_9, %add3A_333 : i32
    %add3A_335 = arith.constant 48 : i32
    %add3A_336 = arith.addi %add3A_334, %add3A_335 : i32
    %add3A_337 = vector.broadcast %add3A_336 : i32 to vector<16xi32>
    %add3A_338 = arith.addi %iota3A, %add3A_337 : vector<16xi32>
    %swap3A_339 = arith.constant 3 : i32
    %swap3A_340 = arith.index_cast %swap3A_339 : i32 to index
    %swap3A_341 = arith.constant 48 : index
    %swap3A_342 = tpu.vector_load %arg9[%swap3A_340, %swap3A_341] {strides = array<i32>} : memref<5x128xi32, #tpu.memory_space<vmem>>, vector<1x16xi32>,
    %swap3A_343 = vector.shape_cast %swap3A_342 : vector<1x16xi32> to vector<16xi32>
    %swap3A_344 = vector.shape_cast %add3A_338 : vector<16xi32> to vector<1x16xi32>
    tpu.vector_store %arg9[%swap3A_340, %swap3A_341], %swap3A_344 {strides = array<i32>} : memref<5x128xi32, #tpu.memory_space<vmem>>, vector<1x16xi32>,
    %add3A_345 = arith.constant 384 : i32
    %add3A_346 = arith.addi %mul3A_9, %add3A_345 : i32
    %add3A_347 = arith.constant 64 : i32
    %add3A_348 = arith.addi %add3A_346, %add3A_347 : i32
    %add3A_349 = vector.broadcast %add3A_348 : i32 to vector<16xi32>
    %add3A_350 = arith.addi %iota3A, %add3A_349 : vector<16xi32>
    %swap3A_351 = arith.constant 3 : i32
    %swap3A_352 = arith.index_cast %swap3A_351 : i32 to index
    %swap3A_353 = arith.constant 64 : index
    %swap3A_354 = tpu.vector_load %arg9[%swap3A_352, %swap3A_353] {strides = array<i32>} : memref<5x128xi32, #tpu.memory_space<vmem>>, vector<1x16xi32>,
    %swap3A_355 = vector.shape_cast %swap3A_354 : vector<1x16xi32> to vector<16xi32>
    %swap3A_356 = vector.shape_cast %add3A_350 : vector<16xi32> to vector<1x16xi32>
    tpu.vector_store %arg9[%swap3A_352, %swap3A_353], %swap3A_356 {strides = array<i32>} : memref<5x128xi32, #tpu.memory_space<vmem>>, vector<1x16xi32>,
    %add3A_357 = arith.constant 384 : i32
    %add3A_358 = arith.addi %mul3A_9, %add3A_357 : i32
    %add3A_359 = arith.constant 80 : i32
    %add3A_360 = arith.addi %add3A_358, %add3A_359 : i32
    %add3A_361 = vector.broadcast %add3A_360 : i32 to vector<16xi32>
    %add3A_362 = arith.addi %iota3A, %add3A_361 : vector<16xi32>
    %swap3A_363 = arith.constant 3 : i32
    %swap3A_364 = arith.index_cast %swap3A_363 : i32 to index
    %swap3A_365 = arith.constant 80 : index
    %swap3A_366 = tpu.vector_load %arg9[%swap3A_364, %swap3A_365] {strides = array<i32>} : memref<5x128xi32, #tpu.memory_space<vmem>>, vector<1x16xi32>,
    %swap3A_367 = vector.shape_cast %swap3A_366 : vector<1x16xi32> to vector<16xi32>
    %swap3A_368 = vector.shape_cast %add3A_362 : vector<16xi32> to vector<1x16xi32>
    tpu.vector_store %arg9[%swap3A_364, %swap3A_365], %swap3A_368 {strides = array<i32>} : memref<5x128xi32, #tpu.memory_space<vmem>>, vector<1x16xi32>,
    %add3A_369 = arith.constant 384 : i32
    %add3A_370 = arith.addi %mul3A_9, %add3A_369 : i32
    %add3A_371 = arith.constant 96 : i32
    %add3A_372 = arith.addi %add3A_370, %add3A_371 : i32
    %add3A_373 = vector.broadcast %add3A_372 : i32 to vector<16xi32>
    %add3A_374 = arith.addi %iota3A, %add3A_373 : vector<16xi32>
    %swap3A_375 = arith.constant 3 : i32
    %swap3A_376 = arith.index_cast %swap3A_375 : i32 to index
    %swap3A_377 = arith.constant 96 : index
    %swap3A_378 = tpu.vector_load %arg9[%swap3A_376, %swap3A_377] {strides = array<i32>} : memref<5x128xi32, #tpu.memory_space<vmem>>, vector<1x16xi32>,
    %swap3A_379 = vector.shape_cast %swap3A_378 : vector<1x16xi32> to vector<16xi32>
    %swap3A_380 = vector.shape_cast %add3A_374 : vector<16xi32> to vector<1x16xi32>
    tpu.vector_store %arg9[%swap3A_376, %swap3A_377], %swap3A_380 {strides = array<i32>} : memref<5x128xi32, #tpu.memory_space<vmem>>, vector<1x16xi32>,
    %add3A_381 = arith.constant 384 : i32
    %add3A_382 = arith.addi %mul3A_9, %add3A_381 : i32
    %add3A_383 = arith.constant 112 : i32
    %add3A_384 = arith.addi %add3A_382, %add3A_383 : i32
    %add3A_385 = vector.broadcast %add3A_384 : i32 to vector<16xi32>
    %add3A_386 = arith.addi %iota3A, %add3A_385 : vector<16xi32>
    %swap3A_387 = arith.constant 3 : i32
    %swap3A_388 = arith.index_cast %swap3A_387 : i32 to index
    %swap3A_389 = arith.constant 112 : index
    %swap3A_390 = tpu.vector_load %arg9[%swap3A_388, %swap3A_389] {strides = array<i32>} : memref<5x128xi32, #tpu.memory_space<vmem>>, vector<1x16xi32>,
    %swap3A_391 = vector.shape_cast %swap3A_390 : vector<1x16xi32> to vector<16xi32>
    %swap3A_392 = vector.shape_cast %add3A_386 : vector<16xi32> to vector<1x16xi32>
    tpu.vector_store %arg9[%swap3A_388, %swap3A_389], %swap3A_392 {strides = array<i32>} : memref<5x128xi32, #tpu.memory_space<vmem>>, vector<1x16xi32>,
    %add3A_393 = arith.constant 512 : i32
    %add3A_394 = arith.addi %mul3A_9, %add3A_393 : i32
    %add3A_395 = arith.constant 0 : i32
    %add3A_396 = arith.addi %add3A_394, %add3A_395 : i32
    %add3A_397 = vector.broadcast %add3A_396 : i32 to vector<16xi32>
    %add3A_398 = arith.addi %iota3A, %add3A_397 : vector<16xi32>
    %swap3A_399 = arith.constant 4 : i32
    %swap3A_400 = arith.index_cast %swap3A_399 : i32 to index
    %swap3A_401 = arith.constant 0 : index
    %swap3A_402 = tpu.vector_load %arg9[%swap3A_400, %swap3A_401] {strides = array<i32>} : memref<5x128xi32, #tpu.memory_space<vmem>>, vector<1x16xi32>,
    %swap3A_403 = vector.shape_cast %swap3A_402 : vector<1x16xi32> to vector<16xi32>
    %swap3A_404 = vector.shape_cast %add3A_398 : vector<16xi32> to vector<1x16xi32>
    tpu.vector_store %arg9[%swap3A_400, %swap3A_401], %swap3A_404 {strides = array<i32>} : memref<5x128xi32, #tpu.memory_space<vmem>>, vector<1x16xi32>,
    %add3A_405 = arith.constant 512 : i32
    %add3A_406 = arith.addi %mul3A_9, %add3A_405 : i32
    %add3A_407 = arith.constant 16 : i32
    %add3A_408 = arith.addi %add3A_406, %add3A_407 : i32
    %add3A_409 = vector.broadcast %add3A_408 : i32 to vector<16xi32>
    %add3A_410 = arith.addi %iota3A, %add3A_409 : vector<16xi32>
    %swap3A_411 = arith.constant 4 : i32
    %swap3A_412 = arith.index_cast %swap3A_411 : i32 to index
    %swap3A_413 = arith.constant 16 : index
    %swap3A_414 = tpu.vector_load %arg9[%swap3A_412, %swap3A_413] {strides = array<i32>} : memref<5x128xi32, #tpu.memory_space<vmem>>, vector<1x16xi32>,
    %swap3A_415 = vector.shape_cast %swap3A_414 : vector<1x16xi32> to vector<16xi32>
    %swap3A_416 = vector.shape_cast %add3A_410 : vector<16xi32> to vector<1x16xi32>
    tpu.vector_store %arg9[%swap3A_412, %swap3A_413], %swap3A_416 {strides = array<i32>} : memref<5x128xi32, #tpu.memory_space<vmem>>, vector<1x16xi32>,
    %add3A_417 = arith.constant 512 : i32
    %add3A_418 = arith.addi %mul3A_9, %add3A_417 : i32
    %add3A_419 = arith.constant 32 : i32
    %add3A_420 = arith.addi %add3A_418, %add3A_419 : i32
    %add3A_421 = vector.broadcast %add3A_420 : i32 to vector<16xi32>
    %add3A_422 = arith.addi %iota3A, %add3A_421 : vector<16xi32>
    %swap3A_423 = arith.constant 4 : i32
    %swap3A_424 = arith.index_cast %swap3A_423 : i32 to index
    %swap3A_425 = arith.constant 32 : index
    %swap3A_426 = tpu.vector_load %arg9[%swap3A_424, %swap3A_425] {strides = array<i32>} : memref<5x128xi32, #tpu.memory_space<vmem>>, vector<1x16xi32>,
    %swap3A_427 = vector.shape_cast %swap3A_426 : vector<1x16xi32> to vector<16xi32>
    %swap3A_428 = vector.shape_cast %add3A_422 : vector<16xi32> to vector<1x16xi32>
    tpu.vector_store %arg9[%swap3A_424, %swap3A_425], %swap3A_428 {strides = array<i32>} : memref<5x128xi32, #tpu.memory_space<vmem>>, vector<1x16xi32>,
    %add3A_429 = arith.constant 512 : i32
    %add3A_430 = arith.addi %mul3A_9, %add3A_429 : i32
    %add3A_431 = arith.constant 48 : i32
    %add3A_432 = arith.addi %add3A_430, %add3A_431 : i32
    %add3A_433 = vector.broadcast %add3A_432 : i32 to vector<16xi32>
    %add3A_434 = arith.addi %iota3A, %add3A_433 : vector<16xi32>
    %swap3A_435 = arith.constant 4 : i32
    %swap3A_436 = arith.index_cast %swap3A_435 : i32 to index
    %swap3A_437 = arith.constant 48 : index
    %swap3A_438 = tpu.vector_load %arg9[%swap3A_436, %swap3A_437] {strides = array<i32>} : memref<5x128xi32, #tpu.memory_space<vmem>>, vector<1x16xi32>,
    %swap3A_439 = vector.shape_cast %swap3A_438 : vector<1x16xi32> to vector<16xi32>
    %swap3A_440 = vector.shape_cast %add3A_434 : vector<16xi32> to vector<1x16xi32>
    tpu.vector_store %arg9[%swap3A_436, %swap3A_437], %swap3A_440 {strides = array<i32>} : memref<5x128xi32, #tpu.memory_space<vmem>>, vector<1x16xi32>,
    %add3A_441 = arith.constant 512 : i32
    %add3A_442 = arith.addi %mul3A_9, %add3A_441 : i32
    %add3A_443 = arith.constant 64 : i32
    %add3A_444 = arith.addi %add3A_442, %add3A_443 : i32
    %add3A_445 = vector.broadcast %add3A_444 : i32 to vector<16xi32>
    %add3A_446 = arith.addi %iota3A, %add3A_445 : vector<16xi32>
    %swap3A_447 = arith.constant 4 : i32
    %swap3A_448 = arith.index_cast %swap3A_447 : i32 to index
    %swap3A_449 = arith.constant 64 : index
    %swap3A_450 = tpu.vector_load %arg9[%swap3A_448, %swap3A_449] {strides = array<i32>} : memref<5x128xi32, #tpu.memory_space<vmem>>, vector<1x16xi32>,
    %swap3A_451 = vector.shape_cast %swap3A_450 : vector<1x16xi32> to vector<16xi32>
    %swap3A_452 = vector.shape_cast %add3A_446 : vector<16xi32> to vector<1x16xi32>
    tpu.vector_store %arg9[%swap3A_448, %swap3A_449], %swap3A_452 {strides = array<i32>} : memref<5x128xi32, #tpu.memory_space<vmem>>, vector<1x16xi32>,
    %add3A_453 = arith.constant 512 : i32
    %add3A_454 = arith.addi %mul3A_9, %add3A_453 : i32
    %add3A_455 = arith.constant 80 : i32
    %add3A_456 = arith.addi %add3A_454, %add3A_455 : i32
    %add3A_457 = vector.broadcast %add3A_456 : i32 to vector<16xi32>
    %add3A_458 = arith.addi %iota3A, %add3A_457 : vector<16xi32>
    %swap3A_459 = arith.constant 4 : i32
    %swap3A_460 = arith.index_cast %swap3A_459 : i32 to index
    %swap3A_461 = arith.constant 80 : index
    %swap3A_462 = tpu.vector_load %arg9[%swap3A_460, %swap3A_461] {strides = array<i32>} : memref<5x128xi32, #tpu.memory_space<vmem>>, vector<1x16xi32>,
    %swap3A_463 = vector.shape_cast %swap3A_462 : vector<1x16xi32> to vector<16xi32>
    %swap3A_464 = vector.shape_cast %add3A_458 : vector<16xi32> to vector<1x16xi32>
    tpu.vector_store %arg9[%swap3A_460, %swap3A_461], %swap3A_464 {strides = array<i32>} : memref<5x128xi32, #tpu.memory_space<vmem>>, vector<1x16xi32>,
    %add3A_465 = arith.constant 512 : i32
    %add3A_466 = arith.addi %mul3A_9, %add3A_465 : i32
    %add3A_467 = arith.constant 96 : i32
    %add3A_468 = arith.addi %add3A_466, %add3A_467 : i32
    %add3A_469 = vector.broadcast %add3A_468 : i32 to vector<16xi32>
    %add3A_470 = arith.addi %iota3A, %add3A_469 : vector<16xi32>
    %swap3A_471 = arith.constant 4 : i32
    %swap3A_472 = arith.index_cast %swap3A_471 : i32 to index
    %swap3A_473 = arith.constant 96 : index
    %swap3A_474 = tpu.vector_load %arg9[%swap3A_472, %swap3A_473] {strides = array<i32>} : memref<5x128xi32, #tpu.memory_space<vmem>>, vector<1x16xi32>,
    %swap3A_475 = vector.shape_cast %swap3A_474 : vector<1x16xi32> to vector<16xi32>
    %swap3A_476 = vector.shape_cast %add3A_470 : vector<16xi32> to vector<1x16xi32>
    tpu.vector_store %arg9[%swap3A_472, %swap3A_473], %swap3A_476 {strides = array<i32>} : memref<5x128xi32, #tpu.memory_space<vmem>>, vector<1x16xi32>,
    %add3A_477 = arith.constant 512 : i32
    %add3A_478 = arith.addi %mul3A_9, %add3A_477 : i32
    %add3A_479 = arith.constant 112 : i32
    %add3A_480 = arith.addi %add3A_478, %add3A_479 : i32
    %add3A_481 = vector.broadcast %add3A_480 : i32 to vector<16xi32>
    %add3A_482 = arith.addi %iota3A, %add3A_481 : vector<16xi32>
    %swap3A_483 = arith.constant 4 : i32
    %swap3A_484 = arith.index_cast %swap3A_483 : i32 to index
    %swap3A_485 = arith.constant 112 : index
    %swap3A_486 = tpu.vector_load %arg9[%swap3A_484, %swap3A_485] {strides = array<i32>} : memref<5x128xi32, #tpu.memory_space<vmem>>, vector<1x16xi32>,
    %swap3A_487 = vector.shape_cast %swap3A_486 : vector<1x16xi32> to vector<16xi32>
    %swap3A_488 = vector.shape_cast %add3A_482 : vector<16xi32> to vector<1x16xi32>
    tpu.vector_store %arg9[%swap3A_484, %swap3A_485], %swap3A_488 {strides = array<i32>} : memref<5x128xi32, #tpu.memory_space<vmem>>, vector<1x16xi32>,
    %run_scoped3A = arith.constant 0 : i32
    "tpu.region"() ({
      %run_scoped3A_585 = tpu.sem_alloc : memref<!tpu.dma_semaphore, #tpu.memory_space<semaphore_mem>>
      %dma_start3A_586 = arith.constant 0 : i32
      %dma_start3A_587 = tpu.memref_slice %arg9[%run_scoped3A, %dma_start3A_586] : memref<5x128xi32, #tpu.memory_space<vmem>> -> memref<1x128xi32, #tpu.memory_space<vmem>>
      %dma_start3A_588 = tpu.memref_squeeze %dma_start3A_587 : memref<1x128xi32, #tpu.memory_space<vmem>> -> memref<128xi32, #tpu.memory_space<vmem>>
      %dma_start3A_589 = arith.constant 0 : i32
      %dma_start3A_590 = arith.constant 0 : i32
      %dma_start3A_591 = tpu.memref_slice %arg10[%dma_start3A_589, %dma_start3A_590] : memref<10240x128xf32, #tpu.memory_space<vmem_shared>> -> memref<10240x128xf32, #tpu.memory_space<vmem_shared>>
      tpu.enqueue_indirect_dma source(%arg8 : memref<128x128xf32, #tpu.memory_space<vmem>>) target(%dma_start3A_591 : memref<10240x128xf32, #tpu.memory_space<vmem_shared>>) offsets(%dma_start3A_588 : memref<128xi32, #tpu.memory_space<vmem>>) semaphore(%run_scoped3A_585 : memref<!tpu.dma_semaphore, #tpu.memory_space<semaphore_mem>>)
      %dma_wait3A_592 = arith.constant 0 : i32
      %dma_wait3A_593 = tpu.memref_slice %arg9[%run_scoped3A, %dma_wait3A_592] : memref<5x128xi32, #tpu.memory_space<vmem>> -> memref<1x128xi32, #tpu.memory_space<vmem>>
      %dma_wait3A_594 = tpu.memref_squeeze %dma_wait3A_593 : memref<1x128xi32, #tpu.memory_space<vmem>> -> memref<128xi32, #tpu.memory_space<vmem>>
      %dma_wait3A_595 = arith.constant 0 : i32
      %dma_wait3A_596 = arith.constant 0 : i32
      %dma_wait3A_597 = tpu.memref_slice %arg10[%dma_wait3A_595, %dma_wait3A_596] : memref<10240x128xf32, #tpu.memory_space<vmem_shared>> -> memref<10240x128xf32, #tpu.memory_space<vmem_shared>>
      tpu.wait_indirect_dma semaphore(%run_scoped3A_585 : memref<!tpu.dma_semaphore, #tpu.memory_space<semaphore_mem>>) src(%arg8 : memref<128x128xf32, #tpu.memory_space<vmem>>) dst(%dma_wait3A_597 : memref<10240x128xf32, #tpu.memory_space<vmem_shared>>)
      tpu.yield
    }) : () -> ()
    %run_scoped3A_489 = arith.constant 1 : i32
    "tpu.region"() ({
      %run_scoped3A_585 = tpu.sem_alloc : memref<!tpu.dma_semaphore, #tpu.memory_space<semaphore_mem>>
      %dma_start3A_586 = arith.constant 0 : i32
      %dma_start3A_587 = tpu.memref_slice %arg9[%run_scoped3A_489, %dma_start3A_586] : memref<5x128xi32, #tpu.memory_space<vmem>> -> memref<1x128xi32, #tpu.memory_space<vmem>>
      %dma_start3A_588 = tpu.memref_squeeze %dma_start3A_587 : memref<1x128xi32, #tpu.memory_space<vmem>> -> memref<128xi32, #tpu.memory_space<vmem>>
      %dma_start3A_589 = arith.constant 0 : i32
      %dma_start3A_590 = arith.constant 0 : i32
      %dma_start3A_591 = tpu.memref_slice %arg10[%dma_start3A_589, %dma_start3A_590] : memref<10240x128xf32, #tpu.memory_space<vmem_shared>> -> memref<10240x128xf32, #tpu.memory_space<vmem_shared>>
      tpu.enqueue_indirect_dma source(%arg8 : memref<128x128xf32, #tpu.memory_space<vmem>>) target(%dma_start3A_591 : memref<10240x128xf32, #tpu.memory_space<vmem_shared>>) offsets(%dma_start3A_588 : memref<128xi32, #tpu.memory_space<vmem>>) semaphore(%run_scoped3A_585 : memref<!tpu.dma_semaphore, #tpu.memory_space<semaphore_mem>>)
      %dma_wait3A_592 = arith.constant 0 : i32
      %dma_wait3A_593 = tpu.memref_slice %arg9[%run_scoped3A_489, %dma_wait3A_592] : memref<5x128xi32, #tpu.memory_space<vmem>> -> memref<1x128xi32, #tpu.memory_space<vmem>>
      %dma_wait3A_594 = tpu.memref_squeeze %dma_wait3A_593 : memref<1x128xi32, #tpu.memory_space<vmem>> -> memref<128xi32, #tpu.memory_space<vmem>>
      %dma_wait3A_595 = arith.constant 0 : i32
      %dma_wait3A_596 = arith.constant 0 : i32
      %dma_wait3A_597 = tpu.memref_slice %arg10[%dma_wait3A_595, %dma_wait3A_596] : memref<10240x128xf32, #tpu.memory_space<vmem_shared>> -> memref<10240x128xf32, #tpu.memory_space<vmem_shared>>
      tpu.wait_indirect_dma semaphore(%run_scoped3A_585 : memref<!tpu.dma_semaphore, #tpu.memory_space<semaphore_mem>>) src(%arg8 : memref<128x128xf32, #tpu.memory_space<vmem>>) dst(%dma_wait3A_597 : memref<10240x128xf32, #tpu.memory_space<vmem_shared>>)
      tpu.yield
    }) : () -> ()
    %run_scoped3A_490 = arith.constant 2 : i32
    "tpu.region"() ({
      %run_scoped3A_585 = tpu.sem_alloc : memref<!tpu.dma_semaphore, #tpu.memory_space<semaphore_mem>>
      %dma_start3A_586 = arith.constant 0 : i32
      %dma_start3A_587 = tpu.memref_slice %arg9[%run_scoped3A_490, %dma_start3A_586] : memref<5x128xi32, #tpu.memory_space<vmem>> -> memref<1x128xi32, #tpu.memory_space<vmem>>
      %dma_start3A_588 = tpu.memref_squeeze %dma_start3A_587 : memref<1x128xi32, #tpu.memory_space<vmem>> -> memref<128xi32, #tpu.memory_space<vmem>>
      %dma_start3A_589 = arith.constant 0 : i32
      %dma_start3A_590 = arith.constant 0 : i32
      %dma_start3A_591 = tpu.memref_slice %arg10[%dma_start3A_589, %dma_start3A_590] : memref<10240x128xf32, #tpu.memory_space<vmem_shared>> -> memref<10240x128xf32, #tpu.memory_space<vmem_shared>>
      tpu.enqueue_indirect_dma source(%arg8 : memref<128x128xf32, #tpu.memory_space<vmem>>) target(%dma_start3A_591 : memref<10240x128xf32, #tpu.memory_space<vmem_shared>>) offsets(%dma_start3A_588 : memref<128xi32, #tpu.memory_space<vmem>>) semaphore(%run_scoped3A_585 : memref<!tpu.dma_semaphore, #tpu.memory_space<semaphore_mem>>)
      %dma_wait3A_592 = arith.constant 0 : i32
      %dma_wait3A_593 = tpu.memref_slice %arg9[%run_scoped3A_490, %dma_wait3A_592] : memref<5x128xi32, #tpu.memory_space<vmem>> -> memref<1x128xi32, #tpu.memory_space<vmem>>
      %dma_wait3A_594 = tpu.memref_squeeze %dma_wait3A_593 : memref<1x128xi32, #tpu.memory_space<vmem>> -> memref<128xi32, #tpu.memory_space<vmem>>
      %dma_wait3A_595 = arith.constant 0 : i32
      %dma_wait3A_596 = arith.constant 0 : i32
      %dma_wait3A_597 = tpu.memref_slice %arg10[%dma_wait3A_595, %dma_wait3A_596] : memref<10240x128xf32, #tpu.memory_space<vmem_shared>> -> memref<10240x128xf32, #tpu.memory_space<vmem_shared>>
      tpu.wait_indirect_dma semaphore(%run_scoped3A_585 : memref<!tpu.dma_semaphore, #tpu.memory_space<semaphore_mem>>) src(%arg8 : memref<128x128xf32, #tpu.memory_space<vmem>>) dst(%dma_wait3A_597 : memref<10240x128xf32, #tpu.memory_space<vmem_shared>>)
      tpu.yield
    }) : () -> ()
    %run_scoped3A_491 = arith.constant 3 : i32
    "tpu.region"() ({
      %run_scoped3A_585 = tpu.sem_alloc : memref<!tpu.dma_semaphore, #tpu.memory_space<semaphore_mem>>
      %dma_start3A_586 = arith.constant 0 : i32
      %dma_start3A_587 = tpu.memref_slice %arg9[%run_scoped3A_491, %dma_start3A_586] : memref<5x128xi32, #tpu.memory_space<vmem>> -> memref<1x128xi32, #tpu.memory_space<vmem>>
      %dma_start3A_588 = tpu.memref_squeeze %dma_start3A_587 : memref<1x128xi32, #tpu.memory_space<vmem>> -> memref<128xi32, #tpu.memory_space<vmem>>
      %dma_start3A_589 = arith.constant 0 : i32
      %dma_start3A_590 = arith.constant 0 : i32
      %dma_start3A_591 = tpu.memref_slice %arg10[%dma_start3A_589, %dma_start3A_590] : memref<10240x128xf32, #tpu.memory_space<vmem_shared>> -> memref<10240x128xf32, #tpu.memory_space<vmem_shared>>
      tpu.enqueue_indirect_dma source(%arg8 : memref<128x128xf32, #tpu.memory_space<vmem>>) target(%dma_start3A_591 : memref<10240x128xf32, #tpu.memory_space<vmem_shared>>) offsets(%dma_start3A_588 : memref<128xi32, #tpu.memory_space<vmem>>) semaphore(%run_scoped3A_585 : memref<!tpu.dma_semaphore, #tpu.memory_space<semaphore_mem>>)
      %dma_wait3A_592 = arith.constant 0 : i32
      %dma_wait3A_593 = tpu.memref_slice %arg9[%run_scoped3A_491, %dma_wait3A_592] : memref<5x128xi32, #tpu.memory_space<vmem>> -> memref<1x128xi32, #tpu.memory_space<vmem>>
      %dma_wait3A_594 = tpu.memref_squeeze %dma_wait3A_593 : memref<1x128xi32, #tpu.memory_space<vmem>> -> memref<128xi32, #tpu.memory_space<vmem>>
      %dma_wait3A_595 = arith.constant 0 : i32
      %dma_wait3A_596 = arith.constant 0 : i32
      %dma_wait3A_597 = tpu.memref_slice %arg10[%dma_wait3A_595, %dma_wait3A_596] : memref<10240x128xf32, #tpu.memory_space<vmem_shared>> -> memref<10240x128xf32, #tpu.memory_space<vmem_shared>>
      tpu.wait_indirect_dma semaphore(%run_scoped3A_585 : memref<!tpu.dma_semaphore, #tpu.memory_space<semaphore_mem>>) src(%arg8 : memref<128x128xf32, #tpu.memory_space<vmem>>) dst(%dma_wait3A_597 : memref<10240x128xf32, #tpu.memory_space<vmem_shared>>)
      tpu.yield
    }) : () -> ()
    %run_scoped3A_492 = arith.constant 4 : i32
    "tpu.region"() ({
      %run_scoped3A_585 = tpu.sem_alloc : memref<!tpu.dma_semaphore, #tpu.memory_space<semaphore_mem>>
      %dma_start3A_586 = arith.constant 0 : i32
      %dma_start3A_587 = tpu.memref_slice %arg9[%run_scoped3A_492, %dma_start3A_586] : memref<5x128xi32, #tpu.memory_space<vmem>> -> memref<1x128xi32, #tpu.memory_space<vmem>>
      %dma_start3A_588 = tpu.memref_squeeze %dma_start3A_587 : memref<1x128xi32, #tpu.memory_space<vmem>> -> memref<128xi32, #tpu.memory_space<vmem>>
      %dma_start3A_589 = arith.constant 0 : i32
      %dma_start3A_590 = arith.constant 0 : i32
      %dma_start3A_591 = tpu.memref_slice %arg10[%dma_start3A_589, %dma_start3A_590] : memref<10240x128xf32, #tpu.memory_space<vmem_shared>> -> memref<10240x128xf32, #tpu.memory_space<vmem_shared>>
      tpu.enqueue_indirect_dma source(%arg8 : memref<128x128xf32, #tpu.memory_space<vmem>>) target(%dma_start3A_591 : memref<10240x128xf32, #tpu.memory_space<vmem_shared>>) offsets(%dma_start3A_588 : memref<128xi32, #tpu.memory_space<vmem>>) semaphore(%run_scoped3A_585 : memref<!tpu.dma_semaphore, #tpu.memory_space<semaphore_mem>>)
      %dma_wait3A_592 = arith.constant 0 : i32
      %dma_wait3A_593 = tpu.memref_slice %arg9[%run_scoped3A_492, %dma_wait3A_592] : memref<5x128xi32, #tpu.memory_space<vmem>> -> memref<1x128xi32, #tpu.memory_space<vmem>>
      %dma_wait3A_594 = tpu.memref_squeeze %dma_wait3A_593 : memref<1x128xi32, #tpu.memory_space<vmem>> -> memref<128xi32, #tpu.memory_space<vmem>>
      %dma_wait3A_595 = arith.constant 0 : i32
      %dma_wait3A_596 = arith.constant 0 : i32
      %dma_wait3A_597 = tpu.memref_slice %arg10[%dma_wait3A_595, %dma_wait3A_596] : memref<10240x128xf32, #tpu.memory_space<vmem_shared>> -> memref<10240x128xf32, #tpu.memory_space<vmem_shared>>
      tpu.wait_indirect_dma semaphore(%run_scoped3A_585 : memref<!tpu.dma_semaphore, #tpu.memory_space<semaphore_mem>>) src(%arg8 : memref<128x128xf32, #tpu.memory_space<vmem>>) dst(%dma_wait3A_597 : memref<10240x128xf32, #tpu.memory_space<vmem_shared>>)
      tpu.yield
    }) : () -> ()
    %barrier3A = arith.constant 0 : index
    tpu.barrier barrier_id(%barrier3A)
    %eq3A = arith.constant 0 : i32
    %eq3A_493 = arith.cmpi eq, %arg0, %eq3A : i32
    %jit3A = arith.constant 93 : i32
    %jit3A_494 = arith.constant 69 : i32
    %select_n3A = arith.select %eq3A_493, %jit3A, %jit3A_494 : i32
    %while3A = arith.constant 0 : i32
    %while3A_495 = arith.constant 0 : i32
    %while3A_496 = arith.subi %select_n3A, %while3A : i32
    %while3A_497 = arith.addi %while3A, %while3A_496 : i32
    %while3A_498 = arith.constant 1 : i32
    %while3A_499 = arith.divsi %while3A_496, %while3A_498 : i32
    %while3A_500 = arith.muli %while3A_499, %while3A_498 : i32
    %while3A_501 = arith.addi %while3A, %while3A_500 : i32
    %while3A_502 = arith.constant 1 : i32
    %while3A_503 = scf.for %while3A_585 = %while3A to %while3A_501 step %while3A_502 iter_args(%while3A_586 = %while3A_495) -> (i32)  : i32 {
      %dma_start3A_587 = arith.constant 0 : i32
      %dma_start3A_588 = tpu.memref_slice %arg6[%while3A_585, %dma_start3A_587] : memref<93x128xi32, #tpu.memory_space<vmem>> -> memref<1x128xi32, #tpu.memory_space<vmem>>
      %dma_start3A_589 = tpu.memref_squeeze %dma_start3A_588 : memref<1x128xi32, #tpu.memory_space<vmem>> -> memref<128xi32, #tpu.memory_space<vmem>>
      %dma_start3A_590 = arith.constant 0 : i32
      %dma_start3A_591 = arith.constant 0 : i32
      %dma_start3A_592 = tpu.memref_slice %arg2[%dma_start3A_590, %dma_start3A_591] : memref<10000x128xf32, #tpu.memory_space<hbm>> -> memref<10000x128xf32, #tpu.memory_space<hbm>>
      tpu.enqueue_indirect_dma source(%dma_start3A_592 : memref<10000x128xf32, #tpu.memory_space<hbm>>) target(%arg8 : memref<128x128xf32, #tpu.memory_space<vmem>>) offsets(%dma_start3A_589 : memref<128xi32, #tpu.memory_space<vmem>>) semaphore(%arg11 : memref<!tpu.dma_semaphore, #tpu.memory_space<semaphore_mem>>)
      %dma_wait3A_593 = arith.constant 0 : i32
      %dma_wait3A_594 = tpu.memref_slice %arg6[%while3A_585, %dma_wait3A_593] : memref<93x128xi32, #tpu.memory_space<vmem>> -> memref<1x128xi32, #tpu.memory_space<vmem>>
      %dma_wait3A_595 = tpu.memref_squeeze %dma_wait3A_594 : memref<1x128xi32, #tpu.memory_space<vmem>> -> memref<128xi32, #tpu.memory_space<vmem>>
      %dma_wait3A_596 = arith.constant 0 : i32
      %dma_wait3A_597 = arith.constant 0 : i32
      %dma_wait3A_598 = tpu.memref_slice %arg2[%dma_wait3A_596, %dma_wait3A_597] : memref<10000x128xf32, #tpu.memory_space<hbm>> -> memref<10000x128xf32, #tpu.memory_space<hbm>>
      tpu.wait_indirect_dma semaphore(%arg11 : memref<!tpu.dma_semaphore, #tpu.memory_space<semaphore_mem>>) src(%dma_wait3A_598 : memref<10000x128xf32, #tpu.memory_space<hbm>>) dst(%arg8 : memref<128x128xf32, #tpu.memory_space<vmem>>)
      "tpu.region"() ({
        %run_scoped3A_600 = tpu.sem_alloc : memref<!tpu.dma_semaphore, #tpu.memory_space<semaphore_mem>>
        %dma_start3A_601 = arith.constant 0 : i32
        %dma_start3A_602 = tpu.memref_slice %arg7[%while3A_585, %dma_start3A_601] : memref<93x128xi32, #tpu.memory_space<vmem>> -> memref<1x128xi32, #tpu.memory_space<vmem>>
        %dma_start3A_603 = tpu.memref_squeeze %dma_start3A_602 : memref<1x128xi32, #tpu.memory_space<vmem>> -> memref<128xi32, #tpu.memory_space<vmem>>
        %dma_start3A_604 = arith.constant 0 : i32
        %dma_start3A_605 = arith.constant 0 : i32
        %dma_start3A_606 = tpu.memref_slice %arg10[%dma_start3A_604, %dma_start3A_605] : memref<10240x128xf32, #tpu.memory_space<vmem_shared>> -> memref<10240x128xf32, #tpu.memory_space<vmem_shared>>
        tpu.enqueue_indirect_dma source(%arg8 : memref<128x128xf32, #tpu.memory_space<vmem>>) target(%dma_start3A_606 : memref<10240x128xf32, #tpu.memory_space<vmem_shared>>) offsets(%dma_start3A_603 : memref<128xi32, #tpu.memory_space<vmem>>) semaphore(%run_scoped3A_600 : memref<!tpu.dma_semaphore, #tpu.memory_space<semaphore_mem>>) {add = true}
        %dma_wait3A_607 = arith.constant 0 : i32
        %dma_wait3A_608 = tpu.memref_slice %arg7[%while3A_585, %dma_wait3A_607] : memref<93x128xi32, #tpu.memory_space<vmem>> -> memref<1x128xi32, #tpu.memory_space<vmem>>
        %dma_wait3A_609 = tpu.memref_squeeze %dma_wait3A_608 : memref<1x128xi32, #tpu.memory_space<vmem>> -> memref<128xi32, #tpu.memory_space<vmem>>
        %dma_wait3A_610 = arith.constant 0 : i32
        %dma_wait3A_611 = arith.constant 0 : i32
        %dma_wait3A_612 = tpu.memref_slice %arg10[%dma_wait3A_610, %dma_wait3A_611] : memref<10240x128xf32, #tpu.memory_space<vmem_shared>> -> memref<10240x128xf32, #tpu.memory_space<vmem_shared>>
        tpu.wait_indirect_dma semaphore(%run_scoped3A_600 : memref<!tpu.dma_semaphore, #tpu.memory_space<semaphore_mem>>) src(%arg8 : memref<128x128xf32, #tpu.memory_space<vmem>>) dst(%dma_wait3A_612 : memref<10240x128xf32, #tpu.memory_space<vmem_shared>>)
        tpu.yield
      }) : () -> ()
      %while3A_599 = arith.constant 0 : i32
      scf.yield %while3A_599 : i32
    }
    %while3A_504 = arith.constant 1 : i32
    %while3A_505 = scf.for %while3A_585 = %while3A_501 to %while3A_497 step %while3A_504 iter_args(%while3A_586 = %while3A_503) -> (i32)  : i32 {
      %dma_start3A_587 = arith.constant 0 : i32
      %dma_start3A_588 = tpu.memref_slice %arg6[%while3A_585, %dma_start3A_587] : memref<93x128xi32, #tpu.memory_space<vmem>> -> memref<1x128xi32, #tpu.memory_space<vmem>>
      %dma_start3A_589 = tpu.memref_squeeze %dma_start3A_588 : memref<1x128xi32, #tpu.memory_space<vmem>> -> memref<128xi32, #tpu.memory_space<vmem>>
      %dma_start3A_590 = arith.constant 0 : i32
      %dma_start3A_591 = arith.constant 0 : i32
      %dma_start3A_592 = tpu.memref_slice %arg2[%dma_start3A_590, %dma_start3A_591] : memref<10000x128xf32, #tpu.memory_space<hbm>> -> memref<10000x128xf32, #tpu.memory_space<hbm>>
      tpu.enqueue_indirect_dma source(%dma_start3A_592 : memref<10000x128xf32, #tpu.memory_space<hbm>>) target(%arg8 : memref<128x128xf32, #tpu.memory_space<vmem>>) offsets(%dma_start3A_589 : memref<128xi32, #tpu.memory_space<vmem>>) semaphore(%arg11 : memref<!tpu.dma_semaphore, #tpu.memory_space<semaphore_mem>>)
      %dma_wait3A_593 = arith.constant 0 : i32
      %dma_wait3A_594 = tpu.memref_slice %arg6[%while3A_585, %dma_wait3A_593] : memref<93x128xi32, #tpu.memory_space<vmem>> -> memref<1x128xi32, #tpu.memory_space<vmem>>
      %dma_wait3A_595 = tpu.memref_squeeze %dma_wait3A_594 : memref<1x128xi32, #tpu.memory_space<vmem>> -> memref<128xi32, #tpu.memory_space<vmem>>
      %dma_wait3A_596 = arith.constant 0 : i32
      %dma_wait3A_597 = arith.constant 0 : i32
      %dma_wait3A_598 = tpu.memref_slice %arg2[%dma_wait3A_596, %dma_wait3A_597] : memref<10000x128xf32, #tpu.memory_space<hbm>> -> memref<10000x128xf32, #tpu.memory_space<hbm>>
      tpu.wait_indirect_dma semaphore(%arg11 : memref<!tpu.dma_semaphore, #tpu.memory_space<semaphore_mem>>) src(%dma_wait3A_598 : memref<10000x128xf32, #tpu.memory_space<hbm>>) dst(%arg8 : memref<128x128xf32, #tpu.memory_space<vmem>>)
      "tpu.region"() ({
        %run_scoped3A_600 = tpu.sem_alloc : memref<!tpu.dma_semaphore, #tpu.memory_space<semaphore_mem>>
        %dma_start3A_601 = arith.constant 0 : i32
        %dma_start3A_602 = tpu.memref_slice %arg7[%while3A_585, %dma_start3A_601] : memref<93x128xi32, #tpu.memory_space<vmem>> -> memref<1x128xi32, #tpu.memory_space<vmem>>
        %dma_start3A_603 = tpu.memref_squeeze %dma_start3A_602 : memref<1x128xi32, #tpu.memory_space<vmem>> -> memref<128xi32, #tpu.memory_space<vmem>>
        %dma_start3A_604 = arith.constant 0 : i32
        %dma_start3A_605 = arith.constant 0 : i32
        %dma_start3A_606 = tpu.memref_slice %arg10[%dma_start3A_604, %dma_start3A_605] : memref<10240x128xf32, #tpu.memory_space<vmem_shared>> -> memref<10240x128xf32, #tpu.memory_space<vmem_shared>>
        tpu.enqueue_indirect_dma source(%arg8 : memref<128x128xf32, #tpu.memory_space<vmem>>) target(%dma_start3A_606 : memref<10240x128xf32, #tpu.memory_space<vmem_shared>>) offsets(%dma_start3A_603 : memref<128xi32, #tpu.memory_space<vmem>>) semaphore(%run_scoped3A_600 : memref<!tpu.dma_semaphore, #tpu.memory_space<semaphore_mem>>) {add = true}
        %dma_wait3A_607 = arith.constant 0 : i32
        %dma_wait3A_608 = tpu.memref_slice %arg7[%while3A_585, %dma_wait3A_607] : memref<93x128xi32, #tpu.memory_space<vmem>> -> memref<1x128xi32, #tpu.memory_space<vmem>>
        %dma_wait3A_609 = tpu.memref_squeeze %dma_wait3A_608 : memref<1x128xi32, #tpu.memory_space<vmem>> -> memref<128xi32, #tpu.memory_space<vmem>>
        %dma_wait3A_610 = arith.constant 0 : i32
        %dma_wait3A_611 = arith.constant 0 : i32
        %dma_wait3A_612 = tpu.memref_slice %arg10[%dma_wait3A_610, %dma_wait3A_611] : memref<10240x128xf32, #tpu.memory_space<vmem_shared>> -> memref<10240x128xf32, #tpu.memory_space<vmem_shared>>
        tpu.wait_indirect_dma semaphore(%run_scoped3A_600 : memref<!tpu.dma_semaphore, #tpu.memory_space<semaphore_mem>>) src(%arg8 : memref<128x128xf32, #tpu.memory_space<vmem>>) dst(%dma_wait3A_612 : memref<10240x128xf32, #tpu.memory_space<vmem_shared>>)
        tpu.yield
      }) : () -> ()
      %while3A_599 = arith.constant 0 : i32
      scf.yield %while3A_599 : i32
    }
    %barrier3A_506 = arith.constant 0 : index
    tpu.barrier barrier_id(%barrier3A_506)
    %dma_start3A = arith.constant 0 : i32
    %dma_start3A_507 = arith.constant 0 : i32
    %dma_start3A_508 = tpu.memref_slice %arg9[%dma_start3A, %dma_start3A_507] : memref<5x128xi32, #tpu.memory_space<vmem>> -> memref<1x128xi32, #tpu.memory_space<vmem>>
    %dma_start3A_509 = tpu.memref_squeeze %dma_start3A_508 : memref<1x128xi32, #tpu.memory_space<vmem>> -> memref<128xi32, #tpu.memory_space<vmem>>
    %dma_start3A_510 = arith.constant 0 : i32
    %dma_start3A_511 = arith.constant 0 : i32
    %dma_start3A_512 = tpu.memref_slice %arg10[%dma_start3A_510, %dma_start3A_511] : memref<10240x128xf32, #tpu.memory_space<vmem_shared>> -> memref<10240x128xf32, #tpu.memory_space<vmem_shared>>
    tpu.enqueue_indirect_dma source(%dma_start3A_512 : memref<10240x128xf32, #tpu.memory_space<vmem_shared>>) target(%arg8 : memref<128x128xf32, #tpu.memory_space<vmem>>) offsets(%dma_start3A_509 : memref<128xi32, #tpu.memory_space<vmem>>) semaphore(%arg11 : memref<!tpu.dma_semaphore, #tpu.memory_space<semaphore_mem>>)
    %dma_wait3A = arith.constant 0 : i32
    %dma_wait3A_513 = arith.constant 0 : i32
    %dma_wait3A_514 = tpu.memref_slice %arg9[%dma_wait3A, %dma_wait3A_513] : memref<5x128xi32, #tpu.memory_space<vmem>> -> memref<1x128xi32, #tpu.memory_space<vmem>>
    %dma_wait3A_515 = tpu.memref_squeeze %dma_wait3A_514 : memref<1x128xi32, #tpu.memory_space<vmem>> -> memref<128xi32, #tpu.memory_space<vmem>>
    %dma_wait3A_516 = arith.constant 0 : i32
    %dma_wait3A_517 = arith.constant 0 : i32
    %dma_wait3A_518 = tpu.memref_slice %arg10[%dma_wait3A_516, %dma_wait3A_517] : memref<10240x128xf32, #tpu.memory_space<vmem_shared>> -> memref<10240x128xf32, #tpu.memory_space<vmem_shared>>
    tpu.wait_indirect_dma semaphore(%arg11 : memref<!tpu.dma_semaphore, #tpu.memory_space<semaphore_mem>>) src(%dma_wait3A_518 : memref<10240x128xf32, #tpu.memory_space<vmem_shared>>) dst(%arg8 : memref<128x128xf32, #tpu.memory_space<vmem>>)
    %add3A_519 = arith.constant 0 : i32
    %add3A_520 = arith.addi %mul3A_9, %add3A_519 : i32
    "tpu.region"() ({
      %run_scoped3A_585 = tpu.sem_alloc : memref<!tpu.dma_semaphore, #tpu.memory_space<semaphore_mem>>
      %dma_start3A_586 = arith.constant 0 : i32
      %dma_start3A_587 = tpu.memref_slice %arg5[%arg0, %add3A_520, %dma_start3A_586] : memref<2x10240x128xf32, #tpu.memory_space<hbm>> -> memref<1x128x128xf32, #tpu.memory_space<hbm>>
      %dma_start3A_588 = tpu.memref_squeeze %dma_start3A_587 : memref<1x128x128xf32, #tpu.memory_space<hbm>> -> memref<128x128xf32, #tpu.memory_space<hbm>>
      %dma_start3A_589 = arith.constant 0 : i32
      %dma_start3A_590 = tpu.memref_slice %arg5[%arg0, %add3A_520, %dma_start3A_589] : memref<2x10240x128xf32, #tpu.memory_space<hbm>> -> memref<1x128x128xf32, #tpu.memory_space<hbm>>
      %dma_start3A_591 = tpu.memref_squeeze %dma_start3A_590 : memref<1x128x128xf32, #tpu.memory_space<hbm>> -> memref<128x128xf32, #tpu.memory_space<hbm>>
      tpu.enqueue_dma source(%arg8 : memref<128x128xf32, #tpu.memory_space<vmem>>) target(%dma_start3A_591 : memref<128x128xf32, #tpu.memory_space<hbm>>) target_semaphore(%run_scoped3A_585 : memref<!tpu.dma_semaphore, #tpu.memory_space<semaphore_mem>>)
      %dma_wait3A_592 = arith.constant 0 : i32
      %dma_wait3A_593 = tpu.memref_slice %arg5[%arg0, %add3A_520, %dma_wait3A_592] : memref<2x10240x128xf32, #tpu.memory_space<hbm>> -> memref<1x128x128xf32, #tpu.memory_space<hbm>>
      %dma_wait3A_594 = tpu.memref_squeeze %dma_wait3A_593 : memref<1x128x128xf32, #tpu.memory_space<hbm>> -> memref<128x128xf32, #tpu.memory_space<hbm>>
      %dma_wait3A_595 = arith.constant 0 : i32
      %dma_wait3A_596 = tpu.memref_slice %arg5[%arg0, %add3A_520, %dma_wait3A_595] : memref<2x10240x128xf32, #tpu.memory_space<hbm>> -> memref<1x128x128xf32, #tpu.memory_space<hbm>>
      %dma_wait3A_597 = tpu.memref_squeeze %dma_wait3A_596 : memref<1x128x128xf32, #tpu.memory_space<hbm>> -> memref<128x128xf32, #tpu.memory_space<hbm>>
      tpu.wait_dma2 semaphore(%run_scoped3A_585 : memref<!tpu.dma_semaphore, #tpu.memory_space<semaphore_mem>>) src(%arg8 : memref<128x128xf32, #tpu.memory_space<vmem>>) dst(%dma_wait3A_597 : memref<128x128xf32, #tpu.memory_space<hbm>>)
      tpu.yield
    }) : () -> ()
    %dma_start3A_521 = arith.constant 1 : i32
    %dma_start3A_522 = arith.constant 0 : i32
    %dma_start3A_523 = tpu.memref_slice %arg9[%dma_start3A_521, %dma_start3A_522] : memref<5x128xi32, #tpu.memory_space<vmem>> -> memref<1x128xi32, #tpu.memory_space<vmem>>
    %dma_start3A_524 = tpu.memref_squeeze %dma_start3A_523 : memref<1x128xi32, #tpu.memory_space<vmem>> -> memref<128xi32, #tpu.memory_space<vmem>>
    %dma_start3A_525 = arith.constant 0 : i32
    %dma_start3A_526 = arith.constant 0 : i32
    %dma_start3A_527 = tpu.memref_slice %arg10[%dma_start3A_525, %dma_start3A_526] : memref<10240x128xf32, #tpu.memory_space<vmem_shared>> -> memref<10240x128xf32, #tpu.memory_space<vmem_shared>>
    tpu.enqueue_indirect_dma source(%dma_start3A_527 : memref<10240x128xf32, #tpu.memory_space<vmem_shared>>) target(%arg8 : memref<128x128xf32, #tpu.memory_space<vmem>>) offsets(%dma_start3A_524 : memref<128xi32, #tpu.memory_space<vmem>>) semaphore(%arg11 : memref<!tpu.dma_semaphore, #tpu.memory_space<semaphore_mem>>)
    %dma_wait3A_528 = arith.constant 1 : i32
    %dma_wait3A_529 = arith.constant 0 : i32
    %dma_wait3A_530 = tpu.memref_slice %arg9[%dma_wait3A_528, %dma_wait3A_529] : memref<5x128xi32, #tpu.memory_space<vmem>> -> memref<1x128xi32, #tpu.memory_space<vmem>>
    %dma_wait3A_531 = tpu.memref_squeeze %dma_wait3A_530 : memref<1x128xi32, #tpu.memory_space<vmem>> -> memref<128xi32, #tpu.memory_space<vmem>>
    %dma_wait3A_532 = arith.constant 0 : i32
    %dma_wait3A_533 = arith.constant 0 : i32
    %dma_wait3A_534 = tpu.memref_slice %arg10[%dma_wait3A_532, %dma_wait3A_533] : memref<10240x128xf32, #tpu.memory_space<vmem_shared>> -> memref<10240x128xf32, #tpu.memory_space<vmem_shared>>
    tpu.wait_indirect_dma semaphore(%arg11 : memref<!tpu.dma_semaphore, #tpu.memory_space<semaphore_mem>>) src(%dma_wait3A_534 : memref<10240x128xf32, #tpu.memory_space<vmem_shared>>) dst(%arg8 : memref<128x128xf32, #tpu.memory_space<vmem>>)
    %add3A_535 = arith.constant 128 : i32
    %add3A_536 = arith.addi %mul3A_9, %add3A_535 : i32
    "tpu.region"() ({
      %run_scoped3A_585 = tpu.sem_alloc : memref<!tpu.dma_semaphore, #tpu.memory_space<semaphore_mem>>
      %dma_start3A_586 = arith.constant 0 : i32
      %dma_start3A_587 = tpu.memref_slice %arg5[%arg0, %add3A_536, %dma_start3A_586] : memref<2x10240x128xf32, #tpu.memory_space<hbm>> -> memref<1x128x128xf32, #tpu.memory_space<hbm>>
      %dma_start3A_588 = tpu.memref_squeeze %dma_start3A_587 : memref<1x128x128xf32, #tpu.memory_space<hbm>> -> memref<128x128xf32, #tpu.memory_space<hbm>>
      %dma_start3A_589 = arith.constant 0 : i32
      %dma_start3A_590 = tpu.memref_slice %arg5[%arg0, %add3A_536, %dma_start3A_589] : memref<2x10240x128xf32, #tpu.memory_space<hbm>> -> memref<1x128x128xf32, #tpu.memory_space<hbm>>
      %dma_start3A_591 = tpu.memref_squeeze %dma_start3A_590 : memref<1x128x128xf32, #tpu.memory_space<hbm>> -> memref<128x128xf32, #tpu.memory_space<hbm>>
      tpu.enqueue_dma source(%arg8 : memref<128x128xf32, #tpu.memory_space<vmem>>) target(%dma_start3A_591 : memref<128x128xf32, #tpu.memory_space<hbm>>) target_semaphore(%run_scoped3A_585 : memref<!tpu.dma_semaphore, #tpu.memory_space<semaphore_mem>>)
      %dma_wait3A_592 = arith.constant 0 : i32
      %dma_wait3A_593 = tpu.memref_slice %arg5[%arg0, %add3A_536, %dma_wait3A_592] : memref<2x10240x128xf32, #tpu.memory_space<hbm>> -> memref<1x128x128xf32, #tpu.memory_space<hbm>>
      %dma_wait3A_594 = tpu.memref_squeeze %dma_wait3A_593 : memref<1x128x128xf32, #tpu.memory_space<hbm>> -> memref<128x128xf32, #tpu.memory_space<hbm>>
      %dma_wait3A_595 = arith.constant 0 : i32
      %dma_wait3A_596 = tpu.memref_slice %arg5[%arg0, %add3A_536, %dma_wait3A_595] : memref<2x10240x128xf32, #tpu.memory_space<hbm>> -> memref<1x128x128xf32, #tpu.memory_space<hbm>>
      %dma_wait3A_597 = tpu.memref_squeeze %dma_wait3A_596 : memref<1x128x128xf32, #tpu.memory_space<hbm>> -> memref<128x128xf32, #tpu.memory_space<hbm>>
      tpu.wait_dma2 semaphore(%run_scoped3A_585 : memref<!tpu.dma_semaphore, #tpu.memory_space<semaphore_mem>>) src(%arg8 : memref<128x128xf32, #tpu.memory_space<vmem>>) dst(%dma_wait3A_597 : memref<128x128xf32, #tpu.memory_space<hbm>>)
      tpu.yield
    }) : () -> ()
    %dma_start3A_537 = arith.constant 2 : i32
    %dma_start3A_538 = arith.constant 0 : i32
    %dma_start3A_539 = tpu.memref_slice %arg9[%dma_start3A_537, %dma_start3A_538] : memref<5x128xi32, #tpu.memory_space<vmem>> -> memref<1x128xi32, #tpu.memory_space<vmem>>
    %dma_start3A_540 = tpu.memref_squeeze %dma_start3A_539 : memref<1x128xi32, #tpu.memory_space<vmem>> -> memref<128xi32, #tpu.memory_space<vmem>>
    %dma_start3A_541 = arith.constant 0 : i32
    %dma_start3A_542 = arith.constant 0 : i32
    %dma_start3A_543 = tpu.memref_slice %arg10[%dma_start3A_541, %dma_start3A_542] : memref<10240x128xf32, #tpu.memory_space<vmem_shared>> -> memref<10240x128xf32, #tpu.memory_space<vmem_shared>>
    tpu.enqueue_indirect_dma source(%dma_start3A_543 : memref<10240x128xf32, #tpu.memory_space<vmem_shared>>) target(%arg8 : memref<128x128xf32, #tpu.memory_space<vmem>>) offsets(%dma_start3A_540 : memref<128xi32, #tpu.memory_space<vmem>>) semaphore(%arg11 : memref<!tpu.dma_semaphore, #tpu.memory_space<semaphore_mem>>)
    %dma_wait3A_544 = arith.constant 2 : i32
    %dma_wait3A_545 = arith.constant 0 : i32
    %dma_wait3A_546 = tpu.memref_slice %arg9[%dma_wait3A_544, %dma_wait3A_545] : memref<5x128xi32, #tpu.memory_space<vmem>> -> memref<1x128xi32, #tpu.memory_space<vmem>>
    %dma_wait3A_547 = tpu.memref_squeeze %dma_wait3A_546 : memref<1x128xi32, #tpu.memory_space<vmem>> -> memref<128xi32, #tpu.memory_space<vmem>>
    %dma_wait3A_548 = arith.constant 0 : i32
    %dma_wait3A_549 = arith.constant 0 : i32
    %dma_wait3A_550 = tpu.memref_slice %arg10[%dma_wait3A_548, %dma_wait3A_549] : memref<10240x128xf32, #tpu.memory_space<vmem_shared>> -> memref<10240x128xf32, #tpu.memory_space<vmem_shared>>
    tpu.wait_indirect_dma semaphore(%arg11 : memref<!tpu.dma_semaphore, #tpu.memory_space<semaphore_mem>>) src(%dma_wait3A_550 : memref<10240x128xf32, #tpu.memory_space<vmem_shared>>) dst(%arg8 : memref<128x128xf32, #tpu.memory_space<vmem>>)
    %add3A_551 = arith.constant 256 : i32
    %add3A_552 = arith.addi %mul3A_9, %add3A_551 : i32
    "tpu.region"() ({
      %run_scoped3A_585 = tpu.sem_alloc : memref<!tpu.dma_semaphore, #tpu.memory_space<semaphore_mem>>
      %dma_start3A_586 = arith.constant 0 : i32
      %dma_start3A_587 = tpu.memref_slice %arg5[%arg0, %add3A_552, %dma_start3A_586] : memref<2x10240x128xf32, #tpu.memory_space<hbm>> -> memref<1x128x128xf32, #tpu.memory_space<hbm>>
      %dma_start3A_588 = tpu.memref_squeeze %dma_start3A_587 : memref<1x128x128xf32, #tpu.memory_space<hbm>> -> memref<128x128xf32, #tpu.memory_space<hbm>>
      %dma_start3A_589 = arith.constant 0 : i32
      %dma_start3A_590 = tpu.memref_slice %arg5[%arg0, %add3A_552, %dma_start3A_589] : memref<2x10240x128xf32, #tpu.memory_space<hbm>> -> memref<1x128x128xf32, #tpu.memory_space<hbm>>
      %dma_start3A_591 = tpu.memref_squeeze %dma_start3A_590 : memref<1x128x128xf32, #tpu.memory_space<hbm>> -> memref<128x128xf32, #tpu.memory_space<hbm>>
      tpu.enqueue_dma source(%arg8 : memref<128x128xf32, #tpu.memory_space<vmem>>) target(%dma_start3A_591 : memref<128x128xf32, #tpu.memory_space<hbm>>) target_semaphore(%run_scoped3A_585 : memref<!tpu.dma_semaphore, #tpu.memory_space<semaphore_mem>>)
      %dma_wait3A_592 = arith.constant 0 : i32
      %dma_wait3A_593 = tpu.memref_slice %arg5[%arg0, %add3A_552, %dma_wait3A_592] : memref<2x10240x128xf32, #tpu.memory_space<hbm>> -> memref<1x128x128xf32, #tpu.memory_space<hbm>>
      %dma_wait3A_594 = tpu.memref_squeeze %dma_wait3A_593 : memref<1x128x128xf32, #tpu.memory_space<hbm>> -> memref<128x128xf32, #tpu.memory_space<hbm>>
      %dma_wait3A_595 = arith.constant 0 : i32
      %dma_wait3A_596 = tpu.memref_slice %arg5[%arg0, %add3A_552, %dma_wait3A_595] : memref<2x10240x128xf32, #tpu.memory_space<hbm>> -> memref<1x128x128xf32, #tpu.memory_space<hbm>>
      %dma_wait3A_597 = tpu.memref_squeeze %dma_wait3A_596 : memref<1x128x128xf32, #tpu.memory_space<hbm>> -> memref<128x128xf32, #tpu.memory_space<hbm>>
      tpu.wait_dma2 semaphore(%run_scoped3A_585 : memref<!tpu.dma_semaphore, #tpu.memory_space<semaphore_mem>>) src(%arg8 : memref<128x128xf32, #tpu.memory_space<vmem>>) dst(%dma_wait3A_597 : memref<128x128xf32, #tpu.memory_space<hbm>>)
      tpu.yield
    }) : () -> ()
    %dma_start3A_553 = arith.constant 3 : i32
    %dma_start3A_554 = arith.constant 0 : i32
    %dma_start3A_555 = tpu.memref_slice %arg9[%dma_start3A_553, %dma_start3A_554] : memref<5x128xi32, #tpu.memory_space<vmem>> -> memref<1x128xi32, #tpu.memory_space<vmem>>
    %dma_start3A_556 = tpu.memref_squeeze %dma_start3A_555 : memref<1x128xi32, #tpu.memory_space<vmem>> -> memref<128xi32, #tpu.memory_space<vmem>>
    %dma_start3A_557 = arith.constant 0 : i32
    %dma_start3A_558 = arith.constant 0 : i32
    %dma_start3A_559 = tpu.memref_slice %arg10[%dma_start3A_557, %dma_start3A_558] : memref<10240x128xf32, #tpu.memory_space<vmem_shared>> -> memref<10240x128xf32, #tpu.memory_space<vmem_shared>>
    tpu.enqueue_indirect_dma source(%dma_start3A_559 : memref<10240x128xf32, #tpu.memory_space<vmem_shared>>) target(%arg8 : memref<128x128xf32, #tpu.memory_space<vmem>>) offsets(%dma_start3A_556 : memref<128xi32, #tpu.memory_space<vmem>>) semaphore(%arg11 : memref<!tpu.dma_semaphore, #tpu.memory_space<semaphore_mem>>)
    %dma_wait3A_560 = arith.constant 3 : i32
    %dma_wait3A_561 = arith.constant 0 : i32
    %dma_wait3A_562 = tpu.memref_slice %arg9[%dma_wait3A_560, %dma_wait3A_561] : memref<5x128xi32, #tpu.memory_space<vmem>> -> memref<1x128xi32, #tpu.memory_space<vmem>>
    %dma_wait3A_563 = tpu.memref_squeeze %dma_wait3A_562 : memref<1x128xi32, #tpu.memory_space<vmem>> -> memref<128xi32, #tpu.memory_space<vmem>>
    %dma_wait3A_564 = arith.constant 0 : i32
    %dma_wait3A_565 = arith.constant 0 : i32
    %dma_wait3A_566 = tpu.memref_slice %arg10[%dma_wait3A_564, %dma_wait3A_565] : memref<10240x128xf32, #tpu.memory_space<vmem_shared>> -> memref<10240x128xf32, #tpu.memory_space<vmem_shared>>
    tpu.wait_indirect_dma semaphore(%arg11 : memref<!tpu.dma_semaphore, #tpu.memory_space<semaphore_mem>>) src(%dma_wait3A_566 : memref<10240x128xf32, #tpu.memory_space<vmem_shared>>) dst(%arg8 : memref<128x128xf32, #tpu.memory_space<vmem>>)
    %add3A_567 = arith.constant 384 : i32
    %add3A_568 = arith.addi %mul3A_9, %add3A_567 : i32
    "tpu.region"() ({
      %run_scoped3A_585 = tpu.sem_alloc : memref<!tpu.dma_semaphore, #tpu.memory_space<semaphore_mem>>
      %dma_start3A_586 = arith.constant 0 : i32
      %dma_start3A_587 = tpu.memref_slice %arg5[%arg0, %add3A_568, %dma_start3A_586] : memref<2x10240x128xf32, #tpu.memory_space<hbm>> -> memref<1x128x128xf32, #tpu.memory_space<hbm>>
      %dma_start3A_588 = tpu.memref_squeeze %dma_start3A_587 : memref<1x128x128xf32, #tpu.memory_space<hbm>> -> memref<128x128xf32, #tpu.memory_space<hbm>>
      %dma_start3A_589 = arith.constant 0 : i32
      %dma_start3A_590 = tpu.memref_slice %arg5[%arg0, %add3A_568, %dma_start3A_589] : memref<2x10240x128xf32, #tpu.memory_space<hbm>> -> memref<1x128x128xf32, #tpu.memory_space<hbm>>
      %dma_start3A_591 = tpu.memref_squeeze %dma_start3A_590 : memref<1x128x128xf32, #tpu.memory_space<hbm>> -> memref<128x128xf32, #tpu.memory_space<hbm>>
      tpu.enqueue_dma source(%arg8 : memref<128x128xf32, #tpu.memory_space<vmem>>) target(%dma_start3A_591 : memref<128x128xf32, #tpu.memory_space<hbm>>) target_semaphore(%run_scoped3A_585 : memref<!tpu.dma_semaphore, #tpu.memory_space<semaphore_mem>>)
      %dma_wait3A_592 = arith.constant 0 : i32
      %dma_wait3A_593 = tpu.memref_slice %arg5[%arg0, %add3A_568, %dma_wait3A_592] : memref<2x10240x128xf32, #tpu.memory_space<hbm>> -> memref<1x128x128xf32, #tpu.memory_space<hbm>>
      %dma_wait3A_594 = tpu.memref_squeeze %dma_wait3A_593 : memref<1x128x128xf32, #tpu.memory_space<hbm>> -> memref<128x128xf32, #tpu.memory_space<hbm>>
      %dma_wait3A_595 = arith.constant 0 : i32
      %dma_wait3A_596 = tpu.memref_slice %arg5[%arg0, %add3A_568, %dma_wait3A_595] : memref<2x10240x128xf32, #tpu.memory_space<hbm>> -> memref<1x128x128xf32, #tpu.memory_space<hbm>>
      %dma_wait3A_597 = tpu.memref_squeeze %dma_wait3A_596 : memref<1x128x128xf32, #tpu.memory_space<hbm>> -> memref<128x128xf32, #tpu.memory_space<hbm>>
      tpu.wait_dma2 semaphore(%run_scoped3A_585 : memref<!tpu.dma_semaphore, #tpu.memory_space<semaphore_mem>>) src(%arg8 : memref<128x128xf32, #tpu.memory_space<vmem>>) dst(%dma_wait3A_597 : memref<128x128xf32, #tpu.memory_space<hbm>>)
      tpu.yield
    }) : () -> ()
    %dma_start3A_569 = arith.constant 4 : i32
    %dma_start3A_570 = arith.constant 0 : i32
    %dma_start3A_571 = tpu.memref_slice %arg9[%dma_start3A_569, %dma_start3A_570] : memref<5x128xi32, #tpu.memory_space<vmem>> -> memref<1x128xi32, #tpu.memory_space<vmem>>
    %dma_start3A_572 = tpu.memref_squeeze %dma_start3A_571 : memref<1x128xi32, #tpu.memory_space<vmem>> -> memref<128xi32, #tpu.memory_space<vmem>>
    %dma_start3A_573 = arith.constant 0 : i32
    %dma_start3A_574 = arith.constant 0 : i32
    %dma_start3A_575 = tpu.memref_slice %arg10[%dma_start3A_573, %dma_start3A_574] : memref<10240x128xf32, #tpu.memory_space<vmem_shared>> -> memref<10240x128xf32, #tpu.memory_space<vmem_shared>>
    tpu.enqueue_indirect_dma source(%dma_start3A_575 : memref<10240x128xf32, #tpu.memory_space<vmem_shared>>) target(%arg8 : memref<128x128xf32, #tpu.memory_space<vmem>>) offsets(%dma_start3A_572 : memref<128xi32, #tpu.memory_space<vmem>>) semaphore(%arg11 : memref<!tpu.dma_semaphore, #tpu.memory_space<semaphore_mem>>)
    %dma_wait3A_576 = arith.constant 4 : i32
    %dma_wait3A_577 = arith.constant 0 : i32
    %dma_wait3A_578 = tpu.memref_slice %arg9[%dma_wait3A_576, %dma_wait3A_577] : memref<5x128xi32, #tpu.memory_space<vmem>> -> memref<1x128xi32, #tpu.memory_space<vmem>>
    %dma_wait3A_579 = tpu.memref_squeeze %dma_wait3A_578 : memref<1x128xi32, #tpu.memory_space<vmem>> -> memref<128xi32, #tpu.memory_space<vmem>>
    %dma_wait3A_580 = arith.constant 0 : i32
    %dma_wait3A_581 = arith.constant 0 : i32
    %dma_wait3A_582 = tpu.memref_slice %arg10[%dma_wait3A_580, %dma_wait3A_581] : memref<10240x128xf32, #tpu.memory_space<vmem_shared>> -> memref<10240x128xf32, #tpu.memory_space<vmem_shared>>
    tpu.wait_indirect_dma semaphore(%arg11 : memref<!tpu.dma_semaphore, #tpu.memory_space<semaphore_mem>>) src(%dma_wait3A_582 : memref<10240x128xf32, #tpu.memory_space<vmem_shared>>) dst(%arg8 : memref<128x128xf32, #tpu.memory_space<vmem>>)
    %add3A_583 = arith.constant 512 : i32
    %add3A_584 = arith.addi %mul3A_9, %add3A_583 : i32
    "tpu.region"() ({
      %run_scoped3A_585 = tpu.sem_alloc : memref<!tpu.dma_semaphore, #tpu.memory_space<semaphore_mem>>
      %dma_start3A_586 = arith.constant 0 : i32
      %dma_start3A_587 = tpu.memref_slice %arg5[%arg0, %add3A_584, %dma_start3A_586] : memref<2x10240x128xf32, #tpu.memory_space<hbm>> -> memref<1x128x128xf32, #tpu.memory_space<hbm>>
      %dma_start3A_588 = tpu.memref_squeeze %dma_start3A_587 : memref<1x128x128xf32, #tpu.memory_space<hbm>> -> memref<128x128xf32, #tpu.memory_space<hbm>>
      %dma_start3A_589 = arith.constant 0 : i32
      %dma_start3A_590 = tpu.memref_slice %arg5[%arg0, %add3A_584, %dma_start3A_589] : memref<2x10240x128xf32, #tpu.memory_space<hbm>> -> memref<1x128x128xf32, #tpu.memory_space<hbm>>
      %dma_start3A_591 = tpu.memref_squeeze %dma_start3A_590 : memref<1x128x128xf32, #tpu.memory_space<hbm>> -> memref<128x128xf32, #tpu.memory_space<hbm>>
      tpu.enqueue_dma source(%arg8 : memref<128x128xf32, #tpu.memory_space<vmem>>) target(%dma_start3A_591 : memref<128x128xf32, #tpu.memory_space<hbm>>) target_semaphore(%run_scoped3A_585 : memref<!tpu.dma_semaphore, #tpu.memory_space<semaphore_mem>>)
      %dma_wait3A_592 = arith.constant 0 : i32
      %dma_wait3A_593 = tpu.memref_slice %arg5[%arg0, %add3A_584, %dma_wait3A_592] : memref<2x10240x128xf32, #tpu.memory_space<hbm>> -> memref<1x128x128xf32, #tpu.memory_space<hbm>>
      %dma_wait3A_594 = tpu.memref_squeeze %dma_wait3A_593 : memref<1x128x128xf32, #tpu.memory_space<hbm>> -> memref<128x128xf32, #tpu.memory_space<hbm>>
      %dma_wait3A_595 = arith.constant 0 : i32
      %dma_wait3A_596 = tpu.memref_slice %arg5[%arg0, %add3A_584, %dma_wait3A_595] : memref<2x10240x128xf32, #tpu.memory_space<hbm>> -> memref<1x128x128xf32, #tpu.memory_space<hbm>>
      %dma_wait3A_597 = tpu.memref_squeeze %dma_wait3A_596 : memref<1x128x128xf32, #tpu.memory_space<hbm>> -> memref<128x128xf32, #tpu.memory_space<hbm>>
      tpu.wait_dma2 semaphore(%run_scoped3A_585 : memref<!tpu.dma_semaphore, #tpu.memory_space<semaphore_mem>>) src(%arg8 : memref<128x128xf32, #tpu.memory_space<vmem>>) dst(%dma_wait3A_597 : memref<128x128xf32, #tpu.memory_space<hbm>>)
      tpu.yield
    }) : () -> ()
    return
  }
}

#map = affine_map<(d0, d1) -> (0, 0)>
#map1 = affine_map<(d0, d1) -> (0, 0, 0)>
module attributes {stable_mosaic.version = 14 : i64} {
  func.func @_agg_body(%arg0: i32, %arg1: i32, %arg2: memref<10000x128xf32, #tpu.memory_space<hbm>>, %arg3: memref<32x93x128xi32, #tpu.memory_space<hbm>>, %arg4: memref<32x93x128xi32, #tpu.memory_space<hbm>>, %arg5: memref<2x10240x128xf32, #tpu.memory_space<hbm>>, %arg6: memref<93x128xi32, #tpu.memory_space<vmem>>, %arg7: memref<93x128xi32, #tpu.memory_space<vmem>>, %arg8: memref<128x128xf32, #tpu.memory_space<vmem>>, %arg9: memref<5x128xi32, #tpu.memory_space<vmem>>, %arg10: memref<10240x128xf32, #tpu.memory_space<vmem_shared>>, %arg11: memref<!tpu.dma_semaphore, #tpu.memory_space<semaphore_mem>>) attributes {dimension_semantics = [#tpu.dimension_semantics<core_parallel>, #tpu.dimension_semantics<subcore_parallel>], iteration_bounds = array<i64: 2, 16>, scalar_prefetch = 0 : i64, scratch_operands = 6 : i64, tpu.core_type = #tpu.core_type<sc_vector_subcore>, window_params = [{transform_indices = #map}, {transform_indices = #map1}, {transform_indices = #map1}, {transform_indices = #map1}]} {
    %mul3A = arith.constant 16 : i32
    %mul3A_0 = arith.muli %arg0, %mul3A : i32
    %add3A = arith.addi %mul3A_0, %arg1 : i32
    "tpu.region"() ({
      %run_scoped3A_585 = tpu.sem_alloc : memref<!tpu.dma_semaphore, #tpu.memory_space<semaphore_mem>>
      %dma_start3A_586 = arith.constant 0 : i32
      %dma_start3A_587 = arith.constant 0 : i32
      %dma_start3A_588 = tpu.memref_slice %arg3[%add3A, %dma_start3A_586, %dma_start3A_587] : memref<32x93x128xi32, #tpu.memory_space<hbm>> -> memref<1x93x128xi32, #tpu.memory_space<hbm>>
      %dma_start3A_589 = tpu.memref_squeeze %dma_start3A_588 : memref<1x93x128xi32, #tpu.memory_space<hbm>> -> memref<93x128xi32, #tpu.memory_space<hbm>>
      %dma_start3A_590 = arith.constant 0 : i32
      %dma_start3A_591 = arith.constant 0 : i32
      %dma_start3A_592 = tpu.memref_slice %arg3[%add3A, %dma_start3A_590, %dma_start3A_591] : memref<32x93x128xi32, #tpu.memory_space<hbm>> -> memref<1x93x128xi32, #tpu.memory_space<hbm>>
      %dma_start3A_593 = tpu.memref_squeeze %dma_start3A_592 : memref<1x93x128xi32, #tpu.memory_space<hbm>> -> memref<93x128xi32, #tpu.memory_space<hbm>>
      tpu.enqueue_dma source(%dma_start3A_593 : memref<93x128xi32, #tpu.memory_space<hbm>>) target(%arg6 : memref<93x128xi32, #tpu.memory_space<vmem>>) target_semaphore(%run_scoped3A_585 : memref<!tpu.dma_semaphore, #tpu.memory_space<semaphore_mem>>)
      %dma_wait3A_594 = arith.constant 0 : i32
      %dma_wait3A_595 = arith.constant 0 : i32
      %dma_wait3A_596 = tpu.memref_slice %arg3[%add3A, %dma_wait3A_594, %dma_wait3A_595] : memref<32x93x128xi32, #tpu.memory_space<hbm>> -> memref<1x93x128xi32, #tpu.memory_space<hbm>>
      %dma_wait3A_597 = tpu.memref_squeeze %dma_wait3A_596 : memref<1x93x128xi32, #tpu.memory_space<hbm>> -> memref<93x128xi32, #tpu.memory_space<hbm>>
      %dma_wait3A_598 = arith.constant 0 : i32
      %dma_wait3A_599 = arith.constant 0 : i32
      %dma_wait3A_600 = tpu.memref_slice %arg3[%add3A, %dma_wait3A_598, %dma_wait3A_599] : memref<32x93x128xi32, #tpu.memory_space<hbm>> -> memref<1x93x128xi32, #tpu.memory_space<hbm>>
      %dma_wait3A_601 = tpu.memref_squeeze %dma_wait3A_600 : memref<1x93x128xi32, #tpu.memory_space<hbm>> -> memref<93x128xi32, #tpu.memory_space<hbm>>
      tpu.wait_dma2 semaphore(%run_scoped3A_585 : memref<!tpu.dma_semaphore, #tpu.memory_space<semaphore_mem>>) src(%dma_wait3A_601 : memref<93x128xi32, #tpu.memory_space<hbm>>) dst(%arg6 : memref<93x128xi32, #tpu.memory_space<vmem>>)
      tpu.yield
    }) : () -> ()
    "tpu.region"() ({
      %run_scoped3A_585 = tpu.sem_alloc : memref<!tpu.dma_semaphore, #tpu.memory_space<semaphore_mem>>
      %dma_start3A_586 = arith.constant 0 : i32
      %dma_start3A_587 = arith.constant 0 : i32
      %dma_start3A_588 = tpu.memref_slice %arg4[%add3A, %dma_start3A_586, %dma_start3A_587] : memref<32x93x128xi32, #tpu.memory_space<hbm>> -> memref<1x93x128xi32, #tpu.memory_space<hbm>>
      %dma_start3A_589 = tpu.memref_squeeze %dma_start3A_588 : memref<1x93x128xi32, #tpu.memory_space<hbm>> -> memref<93x128xi32, #tpu.memory_space<hbm>>
      %dma_start3A_590 = arith.constant 0 : i32
      %dma_start3A_591 = arith.constant 0 : i32
      %dma_start3A_592 = tpu.memref_slice %arg4[%add3A, %dma_start3A_590, %dma_start3A_591] : memref<32x93x128xi32, #tpu.memory_space<hbm>> -> memref<1x93x128xi32, #tpu.memory_space<hbm>>
      %dma_start3A_593 = tpu.memref_squeeze %dma_start3A_592 : memref<1x93x128xi32, #tpu.memory_space<hbm>> -> memref<93x128xi32, #tpu.memory_space<hbm>>
      tpu.enqueue_dma source(%dma_start3A_593 : memref<93x128xi32, #tpu.memory_space<hbm>>) target(%arg7 : memref<93x128xi32, #tpu.memory_space<vmem>>) target_semaphore(%run_scoped3A_585 : memref<!tpu.dma_semaphore, #tpu.memory_space<semaphore_mem>>)
      %dma_wait3A_594 = arith.constant 0 : i32
      %dma_wait3A_595 = arith.constant 0 : i32
      %dma_wait3A_596 = tpu.memref_slice %arg4[%add3A, %dma_wait3A_594, %dma_wait3A_595] : memref<32x93x128xi32, #tpu.memory_space<hbm>> -> memref<1x93x128xi32, #tpu.memory_space<hbm>>
      %dma_wait3A_597 = tpu.memref_squeeze %dma_wait3A_596 : memref<1x93x128xi32, #tpu.memory_space<hbm>> -> memref<93x128xi32, #tpu.memory_space<hbm>>
      %dma_wait3A_598 = arith.constant 0 : i32
      %dma_wait3A_599 = arith.constant 0 : i32
      %dma_wait3A_600 = tpu.memref_slice %arg4[%add3A, %dma_wait3A_598, %dma_wait3A_599] : memref<32x93x128xi32, #tpu.memory_space<hbm>> -> memref<1x93x128xi32, #tpu.memory_space<hbm>>
      %dma_wait3A_601 = tpu.memref_squeeze %dma_wait3A_600 : memref<1x93x128xi32, #tpu.memory_space<hbm>> -> memref<93x128xi32, #tpu.memory_space<hbm>>
      tpu.wait_dma2 semaphore(%run_scoped3A_585 : memref<!tpu.dma_semaphore, #tpu.memory_space<semaphore_mem>>) src(%dma_wait3A_601 : memref<93x128xi32, #tpu.memory_space<hbm>>) dst(%arg7 : memref<93x128xi32, #tpu.memory_space<vmem>>)
      tpu.yield
    }) : () -> ()
    %broadcast_in_dim3A = arith.constant 0.000000e+00 : f32
    %broadcast_in_dim3A_1 = vector.broadcast %broadcast_in_dim3A : f32 to vector<16xf32>
    %scan3A = arith.constant 0 : i32
    %scan3A_2 = arith.constant 0 : i32
    %scan3A_3 = arith.constant 128 : i32
    %scan3A_4 = arith.addi %scan3A_2, %scan3A_3 : i32
    %scan3A_5 = arith.constant 1 : i32
    %scan3A_6 = scf.for %scan3A_585 = %scan3A_2 to %scan3A_4 step %scan3A_5 iter_args(%scan3A_586 = %scan3A) -> (i32)  : i32 {
      %swap3A_587 = arith.index_cast %scan3A_585 : i32 to index
      %swap3A_588 = arith.constant 0 : index
      %swap3A_589 = tpu.vector_load %arg8[%swap3A_587, %swap3A_588] {strides = array<i32>} : memref<128x128xf32, #tpu.memory_space<vmem>>, vector<1x16xf32>,
      %swap3A_590 = vector.shape_cast %swap3A_589 : vector<1x16xf32> to vector<16xf32>
      %swap3A_591 = vector.shape_cast %broadcast_in_dim3A_1 : vector<16xf32> to vector<1x16xf32>
      tpu.vector_store %arg8[%swap3A_587, %swap3A_588], %swap3A_591 {strides = array<i32>} : memref<128x128xf32, #tpu.memory_space<vmem>>, vector<1x16xf32>,
      %swap3A_592 = arith.index_cast %scan3A_585 : i32 to index
      %swap3A_593 = arith.constant 16 : index
      %swap3A_594 = tpu.vector_load %arg8[%swap3A_592, %swap3A_593] {strides = array<i32>} : memref<128x128xf32, #tpu.memory_space<vmem>>, vector<1x16xf32>,
      %swap3A_595 = vector.shape_cast %swap3A_594 : vector<1x16xf32> to vector<16xf32>
      %swap3A_596 = vector.shape_cast %broadcast_in_dim3A_1 : vector<16xf32> to vector<1x16xf32>
      tpu.vector_store %arg8[%swap3A_592, %swap3A_593], %swap3A_596 {strides = array<i32>} : memref<128x128xf32, #tpu.memory_space<vmem>>, vector<1x16xf32>,
      %swap3A_597 = arith.index_cast %scan3A_585 : i32 to index
      %swap3A_598 = arith.constant 32 : index
      %swap3A_599 = tpu.vector_load %arg8[%swap3A_597, %swap3A_598] {strides = array<i32>} : memref<128x128xf32, #tpu.memory_space<vmem>>, vector<1x16xf32>,
      %swap3A_600 = vector.shape_cast %swap3A_599 : vector<1x16xf32> to vector<16xf32>
      %swap3A_601 = vector.shape_cast %broadcast_in_dim3A_1 : vector<16xf32> to vector<1x16xf32>
      tpu.vector_store %arg8[%swap3A_597, %swap3A_598], %swap3A_601 {strides = array<i32>} : memref<128x128xf32, #tpu.memory_space<vmem>>, vector<1x16xf32>,
      %swap3A_602 = arith.index_cast %scan3A_585 : i32 to index
      %swap3A_603 = arith.constant 48 : index
      %swap3A_604 = tpu.vector_load %arg8[%swap3A_602, %swap3A_603] {strides = array<i32>} : memref<128x128xf32, #tpu.memory_space<vmem>>, vector<1x16xf32>,
      %swap3A_605 = vector.shape_cast %swap3A_604 : vector<1x16xf32> to vector<16xf32>
      %swap3A_606 = vector.shape_cast %broadcast_in_dim3A_1 : vector<16xf32> to vector<1x16xf32>
      tpu.vector_store %arg8[%swap3A_602, %swap3A_603], %swap3A_606 {strides = array<i32>} : memref<128x128xf32, #tpu.memory_space<vmem>>, vector<1x16xf32>,
      %swap3A_607 = arith.index_cast %scan3A_585 : i32 to index
      %swap3A_608 = arith.constant 64 : index
      %swap3A_609 = tpu.vector_load %arg8[%swap3A_607, %swap3A_608] {strides = array<i32>} : memref<128x128xf32, #tpu.memory_space<vmem>>, vector<1x16xf32>,
      %swap3A_610 = vector.shape_cast %swap3A_609 : vector<1x16xf32> to vector<16xf32>
      %swap3A_611 = vector.shape_cast %broadcast_in_dim3A_1 : vector<16xf32> to vector<1x16xf32>
      tpu.vector_store %arg8[%swap3A_607, %swap3A_608], %swap3A_611 {strides = array<i32>} : memref<128x128xf32, #tpu.memory_space<vmem>>, vector<1x16xf32>,
      %swap3A_612 = arith.index_cast %scan3A_585 : i32 to index
      %swap3A_613 = arith.constant 80 : index
      %swap3A_614 = tpu.vector_load %arg8[%swap3A_612, %swap3A_613] {strides = array<i32>} : memref<128x128xf32, #tpu.memory_space<vmem>>, vector<1x16xf32>,
      %swap3A_615 = vector.shape_cast %swap3A_614 : vector<1x16xf32> to vector<16xf32>
      %swap3A_616 = vector.shape_cast %broadcast_in_dim3A_1 : vector<16xf32> to vector<1x16xf32>
      tpu.vector_store %arg8[%swap3A_612, %swap3A_613], %swap3A_616 {strides = array<i32>} : memref<128x128xf32, #tpu.memory_space<vmem>>, vector<1x16xf32>,
      %swap3A_617 = arith.index_cast %scan3A_585 : i32 to index
      %swap3A_618 = arith.constant 96 : index
      %swap3A_619 = tpu.vector_load %arg8[%swap3A_617, %swap3A_618] {strides = array<i32>} : memref<128x128xf32, #tpu.memory_space<vmem>>, vector<1x16xf32>,
      %swap3A_620 = vector.shape_cast %swap3A_619 : vector<1x16xf32> to vector<16xf32>
      %swap3A_621 = vector.shape_cast %broadcast_in_dim3A_1 : vector<16xf32> to vector<1x16xf32>
      tpu.vector_store %arg8[%swap3A_617, %swap3A_618], %swap3A_621 {strides = array<i32>} : memref<128x128xf32, #tpu.memory_space<vmem>>, vector<1x16xf32>,
      %swap3A_622 = arith.index_cast %scan3A_585 : i32 to index
      %swap3A_623 = arith.constant 112 : index
      %swap3A_624 = tpu.vector_load %arg8[%swap3A_622, %swap3A_623] {strides = array<i32>} : memref<128x128xf32, #tpu.memory_space<vmem>>, vector<1x16xf32>,
      %swap3A_625 = vector.shape_cast %swap3A_624 : vector<1x16xf32> to vector<16xf32>
      %swap3A_626 = vector.shape_cast %broadcast_in_dim3A_1 : vector<16xf32> to vector<1x16xf32>
      tpu.vector_store %arg8[%swap3A_622, %swap3A_623], %swap3A_626 {strides = array<i32>} : memref<128x128xf32, #tpu.memory_space<vmem>>, vector<1x16xf32>,
      %scan3A_627 = arith.constant 0 : i32
      scf.yield %scan3A_627 : i32
    }
    %scan3A_7 = arith.constant 128 : i32
    %mul3A_8 = arith.constant 640 : i32
    %mul3A_9 = arith.muli %arg1, %mul3A_8 : i32
    %iota3A = tpu.iota {dimensions = array<i32: 0>} : vector<16xi32>
    %add3A_10 = arith.constant 0 : i32
    %add3A_11 = arith.addi %mul3A_9, %add3A_10 : i32
    %add3A_12 = arith.constant 0 : i32
    %add3A_13 = arith.addi %add3A_11, %add3A_12 : i32
    %add3A_14 = vector.broadcast %add3A_13 : i32 to vector<16xi32>
    %add3A_15 = arith.addi %iota3A, %add3A_14 : vector<16xi32>
    %swap3A = arith.constant 0 : i32
    %swap3A_16 = arith.index_cast %swap3A : i32 to index
    %swap3A_17 = arith.constant 0 : index
    %swap3A_18 = tpu.vector_load %arg9[%swap3A_16, %swap3A_17] {strides = array<i32>} : memref<5x128xi32, #tpu.memory_space<vmem>>, vector<1x16xi32>,
    %swap3A_19 = vector.shape_cast %swap3A_18 : vector<1x16xi32> to vector<16xi32>
    %swap3A_20 = vector.shape_cast %add3A_15 : vector<16xi32> to vector<1x16xi32>
    tpu.vector_store %arg9[%swap3A_16, %swap3A_17], %swap3A_20 {strides = array<i32>} : memref<5x128xi32, #tpu.memory_space<vmem>>, vector<1x16xi32>,
    %add3A_21 = arith.constant 0 : i32
    %add3A_22 = arith.addi %mul3A_9, %add3A_21 : i32
    %add3A_23 = arith.constant 16 : i32
    %add3A_24 = arith.addi %add3A_22, %add3A_23 : i32
    %add3A_25 = vector.broadcast %add3A_24 : i32 to vector<16xi32>
    %add3A_26 = arith.addi %iota3A, %add3A_25 : vector<16xi32>
    %swap3A_27 = arith.constant 0 : i32
    %swap3A_28 = arith.index_cast %swap3A_27 : i32 to index
    %swap3A_29 = arith.constant 16 : index
    %swap3A_30 = tpu.vector_load %arg9[%swap3A_28, %swap3A_29] {strides = array<i32>} : memref<5x128xi32, #tpu.memory_space<vmem>>, vector<1x16xi32>,
    %swap3A_31 = vector.shape_cast %swap3A_30 : vector<1x16xi32> to vector<16xi32>
    %swap3A_32 = vector.shape_cast %add3A_26 : vector<16xi32> to vector<1x16xi32>
    tpu.vector_store %arg9[%swap3A_28, %swap3A_29], %swap3A_32 {strides = array<i32>} : memref<5x128xi32, #tpu.memory_space<vmem>>, vector<1x16xi32>,
    %add3A_33 = arith.constant 0 : i32
    %add3A_34 = arith.addi %mul3A_9, %add3A_33 : i32
    %add3A_35 = arith.constant 32 : i32
    %add3A_36 = arith.addi %add3A_34, %add3A_35 : i32
    %add3A_37 = vector.broadcast %add3A_36 : i32 to vector<16xi32>
    %add3A_38 = arith.addi %iota3A, %add3A_37 : vector<16xi32>
    %swap3A_39 = arith.constant 0 : i32
    %swap3A_40 = arith.index_cast %swap3A_39 : i32 to index
    %swap3A_41 = arith.constant 32 : index
    %swap3A_42 = tpu.vector_load %arg9[%swap3A_40, %swap3A_41] {strides = array<i32>} : memref<5x128xi32, #tpu.memory_space<vmem>>, vector<1x16xi32>,
    %swap3A_43 = vector.shape_cast %swap3A_42 : vector<1x16xi32> to vector<16xi32>
    %swap3A_44 = vector.shape_cast %add3A_38 : vector<16xi32> to vector<1x16xi32>
    tpu.vector_store %arg9[%swap3A_40, %swap3A_41], %swap3A_44 {strides = array<i32>} : memref<5x128xi32, #tpu.memory_space<vmem>>, vector<1x16xi32>,
    %add3A_45 = arith.constant 0 : i32
    %add3A_46 = arith.addi %mul3A_9, %add3A_45 : i32
    %add3A_47 = arith.constant 48 : i32
    %add3A_48 = arith.addi %add3A_46, %add3A_47 : i32
    %add3A_49 = vector.broadcast %add3A_48 : i32 to vector<16xi32>
    %add3A_50 = arith.addi %iota3A, %add3A_49 : vector<16xi32>
    %swap3A_51 = arith.constant 0 : i32
    %swap3A_52 = arith.index_cast %swap3A_51 : i32 to index
    %swap3A_53 = arith.constant 48 : index
    %swap3A_54 = tpu.vector_load %arg9[%swap3A_52, %swap3A_53] {strides = array<i32>} : memref<5x128xi32, #tpu.memory_space<vmem>>, vector<1x16xi32>,
    %swap3A_55 = vector.shape_cast %swap3A_54 : vector<1x16xi32> to vector<16xi32>
    %swap3A_56 = vector.shape_cast %add3A_50 : vector<16xi32> to vector<1x16xi32>
    tpu.vector_store %arg9[%swap3A_52, %swap3A_53], %swap3A_56 {strides = array<i32>} : memref<5x128xi32, #tpu.memory_space<vmem>>, vector<1x16xi32>,
    %add3A_57 = arith.constant 0 : i32
    %add3A_58 = arith.addi %mul3A_9, %add3A_57 : i32
    %add3A_59 = arith.constant 64 : i32
    %add3A_60 = arith.addi %add3A_58, %add3A_59 : i32
    %add3A_61 = vector.broadcast %add3A_60 : i32 to vector<16xi32>
    %add3A_62 = arith.addi %iota3A, %add3A_61 : vector<16xi32>
    %swap3A_63 = arith.constant 0 : i32
    %swap3A_64 = arith.index_cast %swap3A_63 : i32 to index
    %swap3A_65 = arith.constant 64 : index
    %swap3A_66 = tpu.vector_load %arg9[%swap3A_64, %swap3A_65] {strides = array<i32>} : memref<5x128xi32, #tpu.memory_space<vmem>>, vector<1x16xi32>,
    %swap3A_67 = vector.shape_cast %swap3A_66 : vector<1x16xi32> to vector<16xi32>
    %swap3A_68 = vector.shape_cast %add3A_62 : vector<16xi32> to vector<1x16xi32>
    tpu.vector_store %arg9[%swap3A_64, %swap3A_65], %swap3A_68 {strides = array<i32>} : memref<5x128xi32, #tpu.memory_space<vmem>>, vector<1x16xi32>,
    %add3A_69 = arith.constant 0 : i32
    %add3A_70 = arith.addi %mul3A_9, %add3A_69 : i32
    %add3A_71 = arith.constant 80 : i32
    %add3A_72 = arith.addi %add3A_70, %add3A_71 : i32
    %add3A_73 = vector.broadcast %add3A_72 : i32 to vector<16xi32>
    %add3A_74 = arith.addi %iota3A, %add3A_73 : vector<16xi32>
    %swap3A_75 = arith.constant 0 : i32
    %swap3A_76 = arith.index_cast %swap3A_75 : i32 to index
    %swap3A_77 = arith.constant 80 : index
    %swap3A_78 = tpu.vector_load %arg9[%swap3A_76, %swap3A_77] {strides = array<i32>} : memref<5x128xi32, #tpu.memory_space<vmem>>, vector<1x16xi32>,
    %swap3A_79 = vector.shape_cast %swap3A_78 : vector<1x16xi32> to vector<16xi32>
    %swap3A_80 = vector.shape_cast %add3A_74 : vector<16xi32> to vector<1x16xi32>
    tpu.vector_store %arg9[%swap3A_76, %swap3A_77], %swap3A_80 {strides = array<i32>} : memref<5x128xi32, #tpu.memory_space<vmem>>, vector<1x16xi32>,
    %add3A_81 = arith.constant 0 : i32
    %add3A_82 = arith.addi %mul3A_9, %add3A_81 : i32
    %add3A_83 = arith.constant 96 : i32
    %add3A_84 = arith.addi %add3A_82, %add3A_83 : i32
    %add3A_85 = vector.broadcast %add3A_84 : i32 to vector<16xi32>
    %add3A_86 = arith.addi %iota3A, %add3A_85 : vector<16xi32>
    %swap3A_87 = arith.constant 0 : i32
    %swap3A_88 = arith.index_cast %swap3A_87 : i32 to index
    %swap3A_89 = arith.constant 96 : index
    %swap3A_90 = tpu.vector_load %arg9[%swap3A_88, %swap3A_89] {strides = array<i32>} : memref<5x128xi32, #tpu.memory_space<vmem>>, vector<1x16xi32>,
    %swap3A_91 = vector.shape_cast %swap3A_90 : vector<1x16xi32> to vector<16xi32>
    %swap3A_92 = vector.shape_cast %add3A_86 : vector<16xi32> to vector<1x16xi32>
    tpu.vector_store %arg9[%swap3A_88, %swap3A_89], %swap3A_92 {strides = array<i32>} : memref<5x128xi32, #tpu.memory_space<vmem>>, vector<1x16xi32>,
    %add3A_93 = arith.constant 0 : i32
    %add3A_94 = arith.addi %mul3A_9, %add3A_93 : i32
    %add3A_95 = arith.constant 112 : i32
    %add3A_96 = arith.addi %add3A_94, %add3A_95 : i32
    %add3A_97 = vector.broadcast %add3A_96 : i32 to vector<16xi32>
    %add3A_98 = arith.addi %iota3A, %add3A_97 : vector<16xi32>
    %swap3A_99 = arith.constant 0 : i32
    %swap3A_100 = arith.index_cast %swap3A_99 : i32 to index
    %swap3A_101 = arith.constant 112 : index
    %swap3A_102 = tpu.vector_load %arg9[%swap3A_100, %swap3A_101] {strides = array<i32>} : memref<5x128xi32, #tpu.memory_space<vmem>>, vector<1x16xi32>,
    %swap3A_103 = vector.shape_cast %swap3A_102 : vector<1x16xi32> to vector<16xi32>
    %swap3A_104 = vector.shape_cast %add3A_98 : vector<16xi32> to vector<1x16xi32>
    tpu.vector_store %arg9[%swap3A_100, %swap3A_101], %swap3A_104 {strides = array<i32>} : memref<5x128xi32, #tpu.memory_space<vmem>>, vector<1x16xi32>,
    %add3A_105 = arith.constant 128 : i32
    %add3A_106 = arith.addi %mul3A_9, %add3A_105 : i32
    %add3A_107 = arith.constant 0 : i32
    %add3A_108 = arith.addi %add3A_106, %add3A_107 : i32
    %add3A_109 = vector.broadcast %add3A_108 : i32 to vector<16xi32>
    %add3A_110 = arith.addi %iota3A, %add3A_109 : vector<16xi32>
    %swap3A_111 = arith.constant 1 : i32
    %swap3A_112 = arith.index_cast %swap3A_111 : i32 to index
    %swap3A_113 = arith.constant 0 : index
    %swap3A_114 = tpu.vector_load %arg9[%swap3A_112, %swap3A_113] {strides = array<i32>} : memref<5x128xi32, #tpu.memory_space<vmem>>, vector<1x16xi32>,
    %swap3A_115 = vector.shape_cast %swap3A_114 : vector<1x16xi32> to vector<16xi32>
    %swap3A_116 = vector.shape_cast %add3A_110 : vector<16xi32> to vector<1x16xi32>
    tpu.vector_store %arg9[%swap3A_112, %swap3A_113], %swap3A_116 {strides = array<i32>} : memref<5x128xi32, #tpu.memory_space<vmem>>, vector<1x16xi32>,
    %add3A_117 = arith.constant 128 : i32
    %add3A_118 = arith.addi %mul3A_9, %add3A_117 : i32
    %add3A_119 = arith.constant 16 : i32
    %add3A_120 = arith.addi %add3A_118, %add3A_119 : i32
    %add3A_121 = vector.broadcast %add3A_120 : i32 to vector<16xi32>
    %add3A_122 = arith.addi %iota3A, %add3A_121 : vector<16xi32>
    %swap3A_123 = arith.constant 1 : i32
    %swap3A_124 = arith.index_cast %swap3A_123 : i32 to index
    %swap3A_125 = arith.constant 16 : index
    %swap3A_126 = tpu.vector_load %arg9[%swap3A_124, %swap3A_125] {strides = array<i32>} : memref<5x128xi32, #tpu.memory_space<vmem>>, vector<1x16xi32>,
    %swap3A_127 = vector.shape_cast %swap3A_126 : vector<1x16xi32> to vector<16xi32>
    %swap3A_128 = vector.shape_cast %add3A_122 : vector<16xi32> to vector<1x16xi32>
    tpu.vector_store %arg9[%swap3A_124, %swap3A_125], %swap3A_128 {strides = array<i32>} : memref<5x128xi32, #tpu.memory_space<vmem>>, vector<1x16xi32>,
    %add3A_129 = arith.constant 128 : i32
    %add3A_130 = arith.addi %mul3A_9, %add3A_129 : i32
    %add3A_131 = arith.constant 32 : i32
    %add3A_132 = arith.addi %add3A_130, %add3A_131 : i32
    %add3A_133 = vector.broadcast %add3A_132 : i32 to vector<16xi32>
    %add3A_134 = arith.addi %iota3A, %add3A_133 : vector<16xi32>
    %swap3A_135 = arith.constant 1 : i32
    %swap3A_136 = arith.index_cast %swap3A_135 : i32 to index
    %swap3A_137 = arith.constant 32 : index
    %swap3A_138 = tpu.vector_load %arg9[%swap3A_136, %swap3A_137] {strides = array<i32>} : memref<5x128xi32, #tpu.memory_space<vmem>>, vector<1x16xi32>,
    %swap3A_139 = vector.shape_cast %swap3A_138 : vector<1x16xi32> to vector<16xi32>
    %swap3A_140 = vector.shape_cast %add3A_134 : vector<16xi32> to vector<1x16xi32>
    tpu.vector_store %arg9[%swap3A_136, %swap3A_137], %swap3A_140 {strides = array<i32>} : memref<5x128xi32, #tpu.memory_space<vmem>>, vector<1x16xi32>,
    %add3A_141 = arith.constant 128 : i32
    %add3A_142 = arith.addi %mul3A_9, %add3A_141 : i32
    %add3A_143 = arith.constant 48 : i32
    %add3A_144 = arith.addi %add3A_142, %add3A_143 : i32
    %add3A_145 = vector.broadcast %add3A_144 : i32 to vector<16xi32>
    %add3A_146 = arith.addi %iota3A, %add3A_145 : vector<16xi32>
    %swap3A_147 = arith.constant 1 : i32
    %swap3A_148 = arith.index_cast %swap3A_147 : i32 to index
    %swap3A_149 = arith.constant 48 : index
    %swap3A_150 = tpu.vector_load %arg9[%swap3A_148, %swap3A_149] {strides = array<i32>} : memref<5x128xi32, #tpu.memory_space<vmem>>, vector<1x16xi32>,
    %swap3A_151 = vector.shape_cast %swap3A_150 : vector<1x16xi32> to vector<16xi32>
    %swap3A_152 = vector.shape_cast %add3A_146 : vector<16xi32> to vector<1x16xi32>
    tpu.vector_store %arg9[%swap3A_148, %swap3A_149], %swap3A_152 {strides = array<i32>} : memref<5x128xi32, #tpu.memory_space<vmem>>, vector<1x16xi32>,
    %add3A_153 = arith.constant 128 : i32
    %add3A_154 = arith.addi %mul3A_9, %add3A_153 : i32
    %add3A_155 = arith.constant 64 : i32
    %add3A_156 = arith.addi %add3A_154, %add3A_155 : i32
    %add3A_157 = vector.broadcast %add3A_156 : i32 to vector<16xi32>
    %add3A_158 = arith.addi %iota3A, %add3A_157 : vector<16xi32>
    %swap3A_159 = arith.constant 1 : i32
    %swap3A_160 = arith.index_cast %swap3A_159 : i32 to index
    %swap3A_161 = arith.constant 64 : index
    %swap3A_162 = tpu.vector_load %arg9[%swap3A_160, %swap3A_161] {strides = array<i32>} : memref<5x128xi32, #tpu.memory_space<vmem>>, vector<1x16xi32>,
    %swap3A_163 = vector.shape_cast %swap3A_162 : vector<1x16xi32> to vector<16xi32>
    %swap3A_164 = vector.shape_cast %add3A_158 : vector<16xi32> to vector<1x16xi32>
    tpu.vector_store %arg9[%swap3A_160, %swap3A_161], %swap3A_164 {strides = array<i32>} : memref<5x128xi32, #tpu.memory_space<vmem>>, vector<1x16xi32>,
    %add3A_165 = arith.constant 128 : i32
    %add3A_166 = arith.addi %mul3A_9, %add3A_165 : i32
    %add3A_167 = arith.constant 80 : i32
    %add3A_168 = arith.addi %add3A_166, %add3A_167 : i32
    %add3A_169 = vector.broadcast %add3A_168 : i32 to vector<16xi32>
    %add3A_170 = arith.addi %iota3A, %add3A_169 : vector<16xi32>
    %swap3A_171 = arith.constant 1 : i32
    %swap3A_172 = arith.index_cast %swap3A_171 : i32 to index
    %swap3A_173 = arith.constant 80 : index
    %swap3A_174 = tpu.vector_load %arg9[%swap3A_172, %swap3A_173] {strides = array<i32>} : memref<5x128xi32, #tpu.memory_space<vmem>>, vector<1x16xi32>,
    %swap3A_175 = vector.shape_cast %swap3A_174 : vector<1x16xi32> to vector<16xi32>
    %swap3A_176 = vector.shape_cast %add3A_170 : vector<16xi32> to vector<1x16xi32>
    tpu.vector_store %arg9[%swap3A_172, %swap3A_173], %swap3A_176 {strides = array<i32>} : memref<5x128xi32, #tpu.memory_space<vmem>>, vector<1x16xi32>,
    %add3A_177 = arith.constant 128 : i32
    %add3A_178 = arith.addi %mul3A_9, %add3A_177 : i32
    %add3A_179 = arith.constant 96 : i32
    %add3A_180 = arith.addi %add3A_178, %add3A_179 : i32
    %add3A_181 = vector.broadcast %add3A_180 : i32 to vector<16xi32>
    %add3A_182 = arith.addi %iota3A, %add3A_181 : vector<16xi32>
    %swap3A_183 = arith.constant 1 : i32
    %swap3A_184 = arith.index_cast %swap3A_183 : i32 to index
    %swap3A_185 = arith.constant 96 : index
    %swap3A_186 = tpu.vector_load %arg9[%swap3A_184, %swap3A_185] {strides = array<i32>} : memref<5x128xi32, #tpu.memory_space<vmem>>, vector<1x16xi32>,
    %swap3A_187 = vector.shape_cast %swap3A_186 : vector<1x16xi32> to vector<16xi32>
    %swap3A_188 = vector.shape_cast %add3A_182 : vector<16xi32> to vector<1x16xi32>
    tpu.vector_store %arg9[%swap3A_184, %swap3A_185], %swap3A_188 {strides = array<i32>} : memref<5x128xi32, #tpu.memory_space<vmem>>, vector<1x16xi32>,
    %add3A_189 = arith.constant 128 : i32
    %add3A_190 = arith.addi %mul3A_9, %add3A_189 : i32
    %add3A_191 = arith.constant 112 : i32
    %add3A_192 = arith.addi %add3A_190, %add3A_191 : i32
    %add3A_193 = vector.broadcast %add3A_192 : i32 to vector<16xi32>
    %add3A_194 = arith.addi %iota3A, %add3A_193 : vector<16xi32>
    %swap3A_195 = arith.constant 1 : i32
    %swap3A_196 = arith.index_cast %swap3A_195 : i32 to index
    %swap3A_197 = arith.constant 112 : index
    %swap3A_198 = tpu.vector_load %arg9[%swap3A_196, %swap3A_197] {strides = array<i32>} : memref<5x128xi32, #tpu.memory_space<vmem>>, vector<1x16xi32>,
    %swap3A_199 = vector.shape_cast %swap3A_198 : vector<1x16xi32> to vector<16xi32>
    %swap3A_200 = vector.shape_cast %add3A_194 : vector<16xi32> to vector<1x16xi32>
    tpu.vector_store %arg9[%swap3A_196, %swap3A_197], %swap3A_200 {strides = array<i32>} : memref<5x128xi32, #tpu.memory_space<vmem>>, vector<1x16xi32>,
    %add3A_201 = arith.constant 256 : i32
    %add3A_202 = arith.addi %mul3A_9, %add3A_201 : i32
    %add3A_203 = arith.constant 0 : i32
    %add3A_204 = arith.addi %add3A_202, %add3A_203 : i32
    %add3A_205 = vector.broadcast %add3A_204 : i32 to vector<16xi32>
    %add3A_206 = arith.addi %iota3A, %add3A_205 : vector<16xi32>
    %swap3A_207 = arith.constant 2 : i32
    %swap3A_208 = arith.index_cast %swap3A_207 : i32 to index
    %swap3A_209 = arith.constant 0 : index
    %swap3A_210 = tpu.vector_load %arg9[%swap3A_208, %swap3A_209] {strides = array<i32>} : memref<5x128xi32, #tpu.memory_space<vmem>>, vector<1x16xi32>,
    %swap3A_211 = vector.shape_cast %swap3A_210 : vector<1x16xi32> to vector<16xi32>
    %swap3A_212 = vector.shape_cast %add3A_206 : vector<16xi32> to vector<1x16xi32>
    tpu.vector_store %arg9[%swap3A_208, %swap3A_209], %swap3A_212 {strides = array<i32>} : memref<5x128xi32, #tpu.memory_space<vmem>>, vector<1x16xi32>,
    %add3A_213 = arith.constant 256 : i32
    %add3A_214 = arith.addi %mul3A_9, %add3A_213 : i32
    %add3A_215 = arith.constant 16 : i32
    %add3A_216 = arith.addi %add3A_214, %add3A_215 : i32
    %add3A_217 = vector.broadcast %add3A_216 : i32 to vector<16xi32>
    %add3A_218 = arith.addi %iota3A, %add3A_217 : vector<16xi32>
    %swap3A_219 = arith.constant 2 : i32
    %swap3A_220 = arith.index_cast %swap3A_219 : i32 to index
    %swap3A_221 = arith.constant 16 : index
    %swap3A_222 = tpu.vector_load %arg9[%swap3A_220, %swap3A_221] {strides = array<i32>} : memref<5x128xi32, #tpu.memory_space<vmem>>, vector<1x16xi32>,
    %swap3A_223 = vector.shape_cast %swap3A_222 : vector<1x16xi32> to vector<16xi32>
    %swap3A_224 = vector.shape_cast %add3A_218 : vector<16xi32> to vector<1x16xi32>
    tpu.vector_store %arg9[%swap3A_220, %swap3A_221], %swap3A_224 {strides = array<i32>} : memref<5x128xi32, #tpu.memory_space<vmem>>, vector<1x16xi32>,
    %add3A_225 = arith.constant 256 : i32
    %add3A_226 = arith.addi %mul3A_9, %add3A_225 : i32
    %add3A_227 = arith.constant 32 : i32
    %add3A_228 = arith.addi %add3A_226, %add3A_227 : i32
    %add3A_229 = vector.broadcast %add3A_228 : i32 to vector<16xi32>
    %add3A_230 = arith.addi %iota3A, %add3A_229 : vector<16xi32>
    %swap3A_231 = arith.constant 2 : i32
    %swap3A_232 = arith.index_cast %swap3A_231 : i32 to index
    %swap3A_233 = arith.constant 32 : index
    %swap3A_234 = tpu.vector_load %arg9[%swap3A_232, %swap3A_233] {strides = array<i32>} : memref<5x128xi32, #tpu.memory_space<vmem>>, vector<1x16xi32>,
    %swap3A_235 = vector.shape_cast %swap3A_234 : vector<1x16xi32> to vector<16xi32>
    %swap3A_236 = vector.shape_cast %add3A_230 : vector<16xi32> to vector<1x16xi32>
    tpu.vector_store %arg9[%swap3A_232, %swap3A_233], %swap3A_236 {strides = array<i32>} : memref<5x128xi32, #tpu.memory_space<vmem>>, vector<1x16xi32>,
    %add3A_237 = arith.constant 256 : i32
    %add3A_238 = arith.addi %mul3A_9, %add3A_237 : i32
    %add3A_239 = arith.constant 48 : i32
    %add3A_240 = arith.addi %add3A_238, %add3A_239 : i32
    %add3A_241 = vector.broadcast %add3A_240 : i32 to vector<16xi32>
    %add3A_242 = arith.addi %iota3A, %add3A_241 : vector<16xi32>
    %swap3A_243 = arith.constant 2 : i32
    %swap3A_244 = arith.index_cast %swap3A_243 : i32 to index
    %swap3A_245 = arith.constant 48 : index
    %swap3A_246 = tpu.vector_load %arg9[%swap3A_244, %swap3A_245] {strides = array<i32>} : memref<5x128xi32, #tpu.memory_space<vmem>>, vector<1x16xi32>,
    %swap3A_247 = vector.shape_cast %swap3A_246 : vector<1x16xi32> to vector<16xi32>
    %swap3A_248 = vector.shape_cast %add3A_242 : vector<16xi32> to vector<1x16xi32>
    tpu.vector_store %arg9[%swap3A_244, %swap3A_245], %swap3A_248 {strides = array<i32>} : memref<5x128xi32, #tpu.memory_space<vmem>>, vector<1x16xi32>,
    %add3A_249 = arith.constant 256 : i32
    %add3A_250 = arith.addi %mul3A_9, %add3A_249 : i32
    %add3A_251 = arith.constant 64 : i32
    %add3A_252 = arith.addi %add3A_250, %add3A_251 : i32
    %add3A_253 = vector.broadcast %add3A_252 : i32 to vector<16xi32>
    %add3A_254 = arith.addi %iota3A, %add3A_253 : vector<16xi32>
    %swap3A_255 = arith.constant 2 : i32
    %swap3A_256 = arith.index_cast %swap3A_255 : i32 to index
    %swap3A_257 = arith.constant 64 : index
    %swap3A_258 = tpu.vector_load %arg9[%swap3A_256, %swap3A_257] {strides = array<i32>} : memref<5x128xi32, #tpu.memory_space<vmem>>, vector<1x16xi32>,
    %swap3A_259 = vector.shape_cast %swap3A_258 : vector<1x16xi32> to vector<16xi32>
    %swap3A_260 = vector.shape_cast %add3A_254 : vector<16xi32> to vector<1x16xi32>
    tpu.vector_store %arg9[%swap3A_256, %swap3A_257], %swap3A_260 {strides = array<i32>} : memref<5x128xi32, #tpu.memory_space<vmem>>, vector<1x16xi32>,
    %add3A_261 = arith.constant 256 : i32
    %add3A_262 = arith.addi %mul3A_9, %add3A_261 : i32
    %add3A_263 = arith.constant 80 : i32
    %add3A_264 = arith.addi %add3A_262, %add3A_263 : i32
    %add3A_265 = vector.broadcast %add3A_264 : i32 to vector<16xi32>
    %add3A_266 = arith.addi %iota3A, %add3A_265 : vector<16xi32>
    %swap3A_267 = arith.constant 2 : i32
    %swap3A_268 = arith.index_cast %swap3A_267 : i32 to index
    %swap3A_269 = arith.constant 80 : index
    %swap3A_270 = tpu.vector_load %arg9[%swap3A_268, %swap3A_269] {strides = array<i32>} : memref<5x128xi32, #tpu.memory_space<vmem>>, vector<1x16xi32>,
    %swap3A_271 = vector.shape_cast %swap3A_270 : vector<1x16xi32> to vector<16xi32>
    %swap3A_272 = vector.shape_cast %add3A_266 : vector<16xi32> to vector<1x16xi32>
    tpu.vector_store %arg9[%swap3A_268, %swap3A_269], %swap3A_272 {strides = array<i32>} : memref<5x128xi32, #tpu.memory_space<vmem>>, vector<1x16xi32>,
    %add3A_273 = arith.constant 256 : i32
    %add3A_274 = arith.addi %mul3A_9, %add3A_273 : i32
    %add3A_275 = arith.constant 96 : i32
    %add3A_276 = arith.addi %add3A_274, %add3A_275 : i32
    %add3A_277 = vector.broadcast %add3A_276 : i32 to vector<16xi32>
    %add3A_278 = arith.addi %iota3A, %add3A_277 : vector<16xi32>
    %swap3A_279 = arith.constant 2 : i32
    %swap3A_280 = arith.index_cast %swap3A_279 : i32 to index
    %swap3A_281 = arith.constant 96 : index
    %swap3A_282 = tpu.vector_load %arg9[%swap3A_280, %swap3A_281] {strides = array<i32>} : memref<5x128xi32, #tpu.memory_space<vmem>>, vector<1x16xi32>,
    %swap3A_283 = vector.shape_cast %swap3A_282 : vector<1x16xi32> to vector<16xi32>
    %swap3A_284 = vector.shape_cast %add3A_278 : vector<16xi32> to vector<1x16xi32>
    tpu.vector_store %arg9[%swap3A_280, %swap3A_281], %swap3A_284 {strides = array<i32>} : memref<5x128xi32, #tpu.memory_space<vmem>>, vector<1x16xi32>,
    %add3A_285 = arith.constant 256 : i32
    %add3A_286 = arith.addi %mul3A_9, %add3A_285 : i32
    %add3A_287 = arith.constant 112 : i32
    %add3A_288 = arith.addi %add3A_286, %add3A_287 : i32
    %add3A_289 = vector.broadcast %add3A_288 : i32 to vector<16xi32>
    %add3A_290 = arith.addi %iota3A, %add3A_289 : vector<16xi32>
    %swap3A_291 = arith.constant 2 : i32
    %swap3A_292 = arith.index_cast %swap3A_291 : i32 to index
    %swap3A_293 = arith.constant 112 : index
    %swap3A_294 = tpu.vector_load %arg9[%swap3A_292, %swap3A_293] {strides = array<i32>} : memref<5x128xi32, #tpu.memory_space<vmem>>, vector<1x16xi32>,
    %swap3A_295 = vector.shape_cast %swap3A_294 : vector<1x16xi32> to vector<16xi32>
    %swap3A_296 = vector.shape_cast %add3A_290 : vector<16xi32> to vector<1x16xi32>
    tpu.vector_store %arg9[%swap3A_292, %swap3A_293], %swap3A_296 {strides = array<i32>} : memref<5x128xi32, #tpu.memory_space<vmem>>, vector<1x16xi32>,
    %add3A_297 = arith.constant 384 : i32
    %add3A_298 = arith.addi %mul3A_9, %add3A_297 : i32
    %add3A_299 = arith.constant 0 : i32
    %add3A_300 = arith.addi %add3A_298, %add3A_299 : i32
    %add3A_301 = vector.broadcast %add3A_300 : i32 to vector<16xi32>
    %add3A_302 = arith.addi %iota3A, %add3A_301 : vector<16xi32>
    %swap3A_303 = arith.constant 3 : i32
    %swap3A_304 = arith.index_cast %swap3A_303 : i32 to index
    %swap3A_305 = arith.constant 0 : index
    %swap3A_306 = tpu.vector_load %arg9[%swap3A_304, %swap3A_305] {strides = array<i32>} : memref<5x128xi32, #tpu.memory_space<vmem>>, vector<1x16xi32>,
    %swap3A_307 = vector.shape_cast %swap3A_306 : vector<1x16xi32> to vector<16xi32>
    %swap3A_308 = vector.shape_cast %add3A_302 : vector<16xi32> to vector<1x16xi32>
    tpu.vector_store %arg9[%swap3A_304, %swap3A_305], %swap3A_308 {strides = array<i32>} : memref<5x128xi32, #tpu.memory_space<vmem>>, vector<1x16xi32>,
    %add3A_309 = arith.constant 384 : i32
    %add3A_310 = arith.addi %mul3A_9, %add3A_309 : i32
    %add3A_311 = arith.constant 16 : i32
    %add3A_312 = arith.addi %add3A_310, %add3A_311 : i32
    %add3A_313 = vector.broadcast %add3A_312 : i32 to vector<16xi32>
    %add3A_314 = arith.addi %iota3A, %add3A_313 : vector<16xi32>
    %swap3A_315 = arith.constant 3 : i32
    %swap3A_316 = arith.index_cast %swap3A_315 : i32 to index
    %swap3A_317 = arith.constant 16 : index
    %swap3A_318 = tpu.vector_load %arg9[%swap3A_316, %swap3A_317] {strides = array<i32>} : memref<5x128xi32, #tpu.memory_space<vmem>>, vector<1x16xi32>,
    %swap3A_319 = vector.shape_cast %swap3A_318 : vector<1x16xi32> to vector<16xi32>
    %swap3A_320 = vector.shape_cast %add3A_314 : vector<16xi32> to vector<1x16xi32>
    tpu.vector_store %arg9[%swap3A_316, %swap3A_317], %swap3A_320 {strides = array<i32>} : memref<5x128xi32, #tpu.memory_space<vmem>>, vector<1x16xi32>,
    %add3A_321 = arith.constant 384 : i32
    %add3A_322 = arith.addi %mul3A_9, %add3A_321 : i32
    %add3A_323 = arith.constant 32 : i32
    %add3A_324 = arith.addi %add3A_322, %add3A_323 : i32
    %add3A_325 = vector.broadcast %add3A_324 : i32 to vector<16xi32>
    %add3A_326 = arith.addi %iota3A, %add3A_325 : vector<16xi32>
    %swap3A_327 = arith.constant 3 : i32
    %swap3A_328 = arith.index_cast %swap3A_327 : i32 to index
    %swap3A_329 = arith.constant 32 : index
    %swap3A_330 = tpu.vector_load %arg9[%swap3A_328, %swap3A_329] {strides = array<i32>} : memref<5x128xi32, #tpu.memory_space<vmem>>, vector<1x16xi32>,
    %swap3A_331 = vector.shape_cast %swap3A_330 : vector<1x16xi32> to vector<16xi32>
    %swap3A_332 = vector.shape_cast %add3A_326 : vector<16xi32> to vector<1x16xi32>
    tpu.vector_store %arg9[%swap3A_328, %swap3A_329], %swap3A_332 {strides = array<i32>} : memref<5x128xi32, #tpu.memory_space<vmem>>, vector<1x16xi32>,
    %add3A_333 = arith.constant 384 : i32
    %add3A_334 = arith.addi %mul3A_9, %add3A_333 : i32
    %add3A_335 = arith.constant 48 : i32
    %add3A_336 = arith.addi %add3A_334, %add3A_335 : i32
    %add3A_337 = vector.broadcast %add3A_336 : i32 to vector<16xi32>
    %add3A_338 = arith.addi %iota3A, %add3A_337 : vector<16xi32>
    %swap3A_339 = arith.constant 3 : i32
    %swap3A_340 = arith.index_cast %swap3A_339 : i32 to index
    %swap3A_341 = arith.constant 48 : index
    %swap3A_342 = tpu.vector_load %arg9[%swap3A_340, %swap3A_341] {strides = array<i32>} : memref<5x128xi32, #tpu.memory_space<vmem>>, vector<1x16xi32>,
    %swap3A_343 = vector.shape_cast %swap3A_342 : vector<1x16xi32> to vector<16xi32>
    %swap3A_344 = vector.shape_cast %add3A_338 : vector<16xi32> to vector<1x16xi32>
    tpu.vector_store %arg9[%swap3A_340, %swap3A_341], %swap3A_344 {strides = array<i32>} : memref<5x128xi32, #tpu.memory_space<vmem>>, vector<1x16xi32>,
    %add3A_345 = arith.constant 384 : i32
    %add3A_346 = arith.addi %mul3A_9, %add3A_345 : i32
    %add3A_347 = arith.constant 64 : i32
    %add3A_348 = arith.addi %add3A_346, %add3A_347 : i32
    %add3A_349 = vector.broadcast %add3A_348 : i32 to vector<16xi32>
    %add3A_350 = arith.addi %iota3A, %add3A_349 : vector<16xi32>
    %swap3A_351 = arith.constant 3 : i32
    %swap3A_352 = arith.index_cast %swap3A_351 : i32 to index
    %swap3A_353 = arith.constant 64 : index
    %swap3A_354 = tpu.vector_load %arg9[%swap3A_352, %swap3A_353] {strides = array<i32>} : memref<5x128xi32, #tpu.memory_space<vmem>>, vector<1x16xi32>,
    %swap3A_355 = vector.shape_cast %swap3A_354 : vector<1x16xi32> to vector<16xi32>
    %swap3A_356 = vector.shape_cast %add3A_350 : vector<16xi32> to vector<1x16xi32>
    tpu.vector_store %arg9[%swap3A_352, %swap3A_353], %swap3A_356 {strides = array<i32>} : memref<5x128xi32, #tpu.memory_space<vmem>>, vector<1x16xi32>,
    %add3A_357 = arith.constant 384 : i32
    %add3A_358 = arith.addi %mul3A_9, %add3A_357 : i32
    %add3A_359 = arith.constant 80 : i32
    %add3A_360 = arith.addi %add3A_358, %add3A_359 : i32
    %add3A_361 = vector.broadcast %add3A_360 : i32 to vector<16xi32>
    %add3A_362 = arith.addi %iota3A, %add3A_361 : vector<16xi32>
    %swap3A_363 = arith.constant 3 : i32
    %swap3A_364 = arith.index_cast %swap3A_363 : i32 to index
    %swap3A_365 = arith.constant 80 : index
    %swap3A_366 = tpu.vector_load %arg9[%swap3A_364, %swap3A_365] {strides = array<i32>} : memref<5x128xi32, #tpu.memory_space<vmem>>, vector<1x16xi32>,
    %swap3A_367 = vector.shape_cast %swap3A_366 : vector<1x16xi32> to vector<16xi32>
    %swap3A_368 = vector.shape_cast %add3A_362 : vector<16xi32> to vector<1x16xi32>
    tpu.vector_store %arg9[%swap3A_364, %swap3A_365], %swap3A_368 {strides = array<i32>} : memref<5x128xi32, #tpu.memory_space<vmem>>, vector<1x16xi32>,
    %add3A_369 = arith.constant 384 : i32
    %add3A_370 = arith.addi %mul3A_9, %add3A_369 : i32
    %add3A_371 = arith.constant 96 : i32
    %add3A_372 = arith.addi %add3A_370, %add3A_371 : i32
    %add3A_373 = vector.broadcast %add3A_372 : i32 to vector<16xi32>
    %add3A_374 = arith.addi %iota3A, %add3A_373 : vector<16xi32>
    %swap3A_375 = arith.constant 3 : i32
    %swap3A_376 = arith.index_cast %swap3A_375 : i32 to index
    %swap3A_377 = arith.constant 96 : index
    %swap3A_378 = tpu.vector_load %arg9[%swap3A_376, %swap3A_377] {strides = array<i32>} : memref<5x128xi32, #tpu.memory_space<vmem>>, vector<1x16xi32>,
    %swap3A_379 = vector.shape_cast %swap3A_378 : vector<1x16xi32> to vector<16xi32>
    %swap3A_380 = vector.shape_cast %add3A_374 : vector<16xi32> to vector<1x16xi32>
    tpu.vector_store %arg9[%swap3A_376, %swap3A_377], %swap3A_380 {strides = array<i32>} : memref<5x128xi32, #tpu.memory_space<vmem>>, vector<1x16xi32>,
    %add3A_381 = arith.constant 384 : i32
    %add3A_382 = arith.addi %mul3A_9, %add3A_381 : i32
    %add3A_383 = arith.constant 112 : i32
    %add3A_384 = arith.addi %add3A_382, %add3A_383 : i32
    %add3A_385 = vector.broadcast %add3A_384 : i32 to vector<16xi32>
    %add3A_386 = arith.addi %iota3A, %add3A_385 : vector<16xi32>
    %swap3A_387 = arith.constant 3 : i32
    %swap3A_388 = arith.index_cast %swap3A_387 : i32 to index
    %swap3A_389 = arith.constant 112 : index
    %swap3A_390 = tpu.vector_load %arg9[%swap3A_388, %swap3A_389] {strides = array<i32>} : memref<5x128xi32, #tpu.memory_space<vmem>>, vector<1x16xi32>,
    %swap3A_391 = vector.shape_cast %swap3A_390 : vector<1x16xi32> to vector<16xi32>
    %swap3A_392 = vector.shape_cast %add3A_386 : vector<16xi32> to vector<1x16xi32>
    tpu.vector_store %arg9[%swap3A_388, %swap3A_389], %swap3A_392 {strides = array<i32>} : memref<5x128xi32, #tpu.memory_space<vmem>>, vector<1x16xi32>,
    %add3A_393 = arith.constant 512 : i32
    %add3A_394 = arith.addi %mul3A_9, %add3A_393 : i32
    %add3A_395 = arith.constant 0 : i32
    %add3A_396 = arith.addi %add3A_394, %add3A_395 : i32
    %add3A_397 = vector.broadcast %add3A_396 : i32 to vector<16xi32>
    %add3A_398 = arith.addi %iota3A, %add3A_397 : vector<16xi32>
    %swap3A_399 = arith.constant 4 : i32
    %swap3A_400 = arith.index_cast %swap3A_399 : i32 to index
    %swap3A_401 = arith.constant 0 : index
    %swap3A_402 = tpu.vector_load %arg9[%swap3A_400, %swap3A_401] {strides = array<i32>} : memref<5x128xi32, #tpu.memory_space<vmem>>, vector<1x16xi32>,
    %swap3A_403 = vector.shape_cast %swap3A_402 : vector<1x16xi32> to vector<16xi32>
    %swap3A_404 = vector.shape_cast %add3A_398 : vector<16xi32> to vector<1x16xi32>
    tpu.vector_store %arg9[%swap3A_400, %swap3A_401], %swap3A_404 {strides = array<i32>} : memref<5x128xi32, #tpu.memory_space<vmem>>, vector<1x16xi32>,
    %add3A_405 = arith.constant 512 : i32
    %add3A_406 = arith.addi %mul3A_9, %add3A_405 : i32
    %add3A_407 = arith.constant 16 : i32
    %add3A_408 = arith.addi %add3A_406, %add3A_407 : i32
    %add3A_409 = vector.broadcast %add3A_408 : i32 to vector<16xi32>
    %add3A_410 = arith.addi %iota3A, %add3A_409 : vector<16xi32>
    %swap3A_411 = arith.constant 4 : i32
    %swap3A_412 = arith.index_cast %swap3A_411 : i32 to index
    %swap3A_413 = arith.constant 16 : index
    %swap3A_414 = tpu.vector_load %arg9[%swap3A_412, %swap3A_413] {strides = array<i32>} : memref<5x128xi32, #tpu.memory_space<vmem>>, vector<1x16xi32>,
    %swap3A_415 = vector.shape_cast %swap3A_414 : vector<1x16xi32> to vector<16xi32>
    %swap3A_416 = vector.shape_cast %add3A_410 : vector<16xi32> to vector<1x16xi32>
    tpu.vector_store %arg9[%swap3A_412, %swap3A_413], %swap3A_416 {strides = array<i32>} : memref<5x128xi32, #tpu.memory_space<vmem>>, vector<1x16xi32>,
    %add3A_417 = arith.constant 512 : i32
    %add3A_418 = arith.addi %mul3A_9, %add3A_417 : i32
    %add3A_419 = arith.constant 32 : i32
    %add3A_420 = arith.addi %add3A_418, %add3A_419 : i32
    %add3A_421 = vector.broadcast %add3A_420 : i32 to vector<16xi32>
    %add3A_422 = arith.addi %iota3A, %add3A_421 : vector<16xi32>
    %swap3A_423 = arith.constant 4 : i32
    %swap3A_424 = arith.index_cast %swap3A_423 : i32 to index
    %swap3A_425 = arith.constant 32 : index
    %swap3A_426 = tpu.vector_load %arg9[%swap3A_424, %swap3A_425] {strides = array<i32>} : memref<5x128xi32, #tpu.memory_space<vmem>>, vector<1x16xi32>,
    %swap3A_427 = vector.shape_cast %swap3A_426 : vector<1x16xi32> to vector<16xi32>
    %swap3A_428 = vector.shape_cast %add3A_422 : vector<16xi32> to vector<1x16xi32>
    tpu.vector_store %arg9[%swap3A_424, %swap3A_425], %swap3A_428 {strides = array<i32>} : memref<5x128xi32, #tpu.memory_space<vmem>>, vector<1x16xi32>,
    %add3A_429 = arith.constant 512 : i32
    %add3A_430 = arith.addi %mul3A_9, %add3A_429 : i32
    %add3A_431 = arith.constant 48 : i32
    %add3A_432 = arith.addi %add3A_430, %add3A_431 : i32
    %add3A_433 = vector.broadcast %add3A_432 : i32 to vector<16xi32>
    %add3A_434 = arith.addi %iota3A, %add3A_433 : vector<16xi32>
    %swap3A_435 = arith.constant 4 : i32
    %swap3A_436 = arith.index_cast %swap3A_435 : i32 to index
    %swap3A_437 = arith.constant 48 : index
    %swap3A_438 = tpu.vector_load %arg9[%swap3A_436, %swap3A_437] {strides = array<i32>} : memref<5x128xi32, #tpu.memory_space<vmem>>, vector<1x16xi32>,
    %swap3A_439 = vector.shape_cast %swap3A_438 : vector<1x16xi32> to vector<16xi32>
    %swap3A_440 = vector.shape_cast %add3A_434 : vector<16xi32> to vector<1x16xi32>
    tpu.vector_store %arg9[%swap3A_436, %swap3A_437], %swap3A_440 {strides = array<i32>} : memref<5x128xi32, #tpu.memory_space<vmem>>, vector<1x16xi32>,
    %add3A_441 = arith.constant 512 : i32
    %add3A_442 = arith.addi %mul3A_9, %add3A_441 : i32
    %add3A_443 = arith.constant 64 : i32
    %add3A_444 = arith.addi %add3A_442, %add3A_443 : i32
    %add3A_445 = vector.broadcast %add3A_444 : i32 to vector<16xi32>
    %add3A_446 = arith.addi %iota3A, %add3A_445 : vector<16xi32>
    %swap3A_447 = arith.constant 4 : i32
    %swap3A_448 = arith.index_cast %swap3A_447 : i32 to index
    %swap3A_449 = arith.constant 64 : index
    %swap3A_450 = tpu.vector_load %arg9[%swap3A_448, %swap3A_449] {strides = array<i32>} : memref<5x128xi32, #tpu.memory_space<vmem>>, vector<1x16xi32>,
    %swap3A_451 = vector.shape_cast %swap3A_450 : vector<1x16xi32> to vector<16xi32>
    %swap3A_452 = vector.shape_cast %add3A_446 : vector<16xi32> to vector<1x16xi32>
    tpu.vector_store %arg9[%swap3A_448, %swap3A_449], %swap3A_452 {strides = array<i32>} : memref<5x128xi32, #tpu.memory_space<vmem>>, vector<1x16xi32>,
    %add3A_453 = arith.constant 512 : i32
    %add3A_454 = arith.addi %mul3A_9, %add3A_453 : i32
    %add3A_455 = arith.constant 80 : i32
    %add3A_456 = arith.addi %add3A_454, %add3A_455 : i32
    %add3A_457 = vector.broadcast %add3A_456 : i32 to vector<16xi32>
    %add3A_458 = arith.addi %iota3A, %add3A_457 : vector<16xi32>
    %swap3A_459 = arith.constant 4 : i32
    %swap3A_460 = arith.index_cast %swap3A_459 : i32 to index
    %swap3A_461 = arith.constant 80 : index
    %swap3A_462 = tpu.vector_load %arg9[%swap3A_460, %swap3A_461] {strides = array<i32>} : memref<5x128xi32, #tpu.memory_space<vmem>>, vector<1x16xi32>,
    %swap3A_463 = vector.shape_cast %swap3A_462 : vector<1x16xi32> to vector<16xi32>
    %swap3A_464 = vector.shape_cast %add3A_458 : vector<16xi32> to vector<1x16xi32>
    tpu.vector_store %arg9[%swap3A_460, %swap3A_461], %swap3A_464 {strides = array<i32>} : memref<5x128xi32, #tpu.memory_space<vmem>>, vector<1x16xi32>,
    %add3A_465 = arith.constant 512 : i32
    %add3A_466 = arith.addi %mul3A_9, %add3A_465 : i32
    %add3A_467 = arith.constant 96 : i32
    %add3A_468 = arith.addi %add3A_466, %add3A_467 : i32
    %add3A_469 = vector.broadcast %add3A_468 : i32 to vector<16xi32>
    %add3A_470 = arith.addi %iota3A, %add3A_469 : vector<16xi32>
    %swap3A_471 = arith.constant 4 : i32
    %swap3A_472 = arith.index_cast %swap3A_471 : i32 to index
    %swap3A_473 = arith.constant 96 : index
    %swap3A_474 = tpu.vector_load %arg9[%swap3A_472, %swap3A_473] {strides = array<i32>} : memref<5x128xi32, #tpu.memory_space<vmem>>, vector<1x16xi32>,
    %swap3A_475 = vector.shape_cast %swap3A_474 : vector<1x16xi32> to vector<16xi32>
    %swap3A_476 = vector.shape_cast %add3A_470 : vector<16xi32> to vector<1x16xi32>
    tpu.vector_store %arg9[%swap3A_472, %swap3A_473], %swap3A_476 {strides = array<i32>} : memref<5x128xi32, #tpu.memory_space<vmem>>, vector<1x16xi32>,
    %add3A_477 = arith.constant 512 : i32
    %add3A_478 = arith.addi %mul3A_9, %add3A_477 : i32
    %add3A_479 = arith.constant 112 : i32
    %add3A_480 = arith.addi %add3A_478, %add3A_479 : i32
    %add3A_481 = vector.broadcast %add3A_480 : i32 to vector<16xi32>
    %add3A_482 = arith.addi %iota3A, %add3A_481 : vector<16xi32>
    %swap3A_483 = arith.constant 4 : i32
    %swap3A_484 = arith.index_cast %swap3A_483 : i32 to index
    %swap3A_485 = arith.constant 112 : index
    %swap3A_486 = tpu.vector_load %arg9[%swap3A_484, %swap3A_485] {strides = array<i32>} : memref<5x128xi32, #tpu.memory_space<vmem>>, vector<1x16xi32>,
    %swap3A_487 = vector.shape_cast %swap3A_486 : vector<1x16xi32> to vector<16xi32>
    %swap3A_488 = vector.shape_cast %add3A_482 : vector<16xi32> to vector<1x16xi32>
    tpu.vector_store %arg9[%swap3A_484, %swap3A_485], %swap3A_488 {strides = array<i32>} : memref<5x128xi32, #tpu.memory_space<vmem>>, vector<1x16xi32>,
    %run_scoped3A = arith.constant 0 : i32
    "tpu.region"() ({
      %run_scoped3A_585 = tpu.sem_alloc : memref<!tpu.dma_semaphore, #tpu.memory_space<semaphore_mem>>
      %dma_start3A_586 = arith.constant 0 : i32
      %dma_start3A_587 = tpu.memref_slice %arg9[%run_scoped3A, %dma_start3A_586] : memref<5x128xi32, #tpu.memory_space<vmem>> -> memref<1x128xi32, #tpu.memory_space<vmem>>
      %dma_start3A_588 = tpu.memref_squeeze %dma_start3A_587 : memref<1x128xi32, #tpu.memory_space<vmem>> -> memref<128xi32, #tpu.memory_space<vmem>>
      %dma_start3A_589 = arith.constant 0 : i32
      %dma_start3A_590 = arith.constant 0 : i32
      %dma_start3A_591 = tpu.memref_slice %arg10[%dma_start3A_589, %dma_start3A_590] : memref<10240x128xf32, #tpu.memory_space<vmem_shared>> -> memref<10240x128xf32, #tpu.memory_space<vmem_shared>>
      tpu.enqueue_indirect_dma source(%arg8 : memref<128x128xf32, #tpu.memory_space<vmem>>) target(%dma_start3A_591 : memref<10240x128xf32, #tpu.memory_space<vmem_shared>>) offsets(%dma_start3A_588 : memref<128xi32, #tpu.memory_space<vmem>>) semaphore(%run_scoped3A_585 : memref<!tpu.dma_semaphore, #tpu.memory_space<semaphore_mem>>)
      %dma_wait3A_592 = arith.constant 0 : i32
      %dma_wait3A_593 = tpu.memref_slice %arg9[%run_scoped3A, %dma_wait3A_592] : memref<5x128xi32, #tpu.memory_space<vmem>> -> memref<1x128xi32, #tpu.memory_space<vmem>>
      %dma_wait3A_594 = tpu.memref_squeeze %dma_wait3A_593 : memref<1x128xi32, #tpu.memory_space<vmem>> -> memref<128xi32, #tpu.memory_space<vmem>>
      %dma_wait3A_595 = arith.constant 0 : i32
      %dma_wait3A_596 = arith.constant 0 : i32
      %dma_wait3A_597 = tpu.memref_slice %arg10[%dma_wait3A_595, %dma_wait3A_596] : memref<10240x128xf32, #tpu.memory_space<vmem_shared>> -> memref<10240x128xf32, #tpu.memory_space<vmem_shared>>
      tpu.wait_indirect_dma semaphore(%run_scoped3A_585 : memref<!tpu.dma_semaphore, #tpu.memory_space<semaphore_mem>>) src(%arg8 : memref<128x128xf32, #tpu.memory_space<vmem>>) dst(%dma_wait3A_597 : memref<10240x128xf32, #tpu.memory_space<vmem_shared>>)
      tpu.yield
    }) : () -> ()
    %run_scoped3A_489 = arith.constant 1 : i32
    "tpu.region"() ({
      %run_scoped3A_585 = tpu.sem_alloc : memref<!tpu.dma_semaphore, #tpu.memory_space<semaphore_mem>>
      %dma_start3A_586 = arith.constant 0 : i32
      %dma_start3A_587 = tpu.memref_slice %arg9[%run_scoped3A_489, %dma_start3A_586] : memref<5x128xi32, #tpu.memory_space<vmem>> -> memref<1x128xi32, #tpu.memory_space<vmem>>
      %dma_start3A_588 = tpu.memref_squeeze %dma_start3A_587 : memref<1x128xi32, #tpu.memory_space<vmem>> -> memref<128xi32, #tpu.memory_space<vmem>>
      %dma_start3A_589 = arith.constant 0 : i32
      %dma_start3A_590 = arith.constant 0 : i32
      %dma_start3A_591 = tpu.memref_slice %arg10[%dma_start3A_589, %dma_start3A_590] : memref<10240x128xf32, #tpu.memory_space<vmem_shared>> -> memref<10240x128xf32, #tpu.memory_space<vmem_shared>>
      tpu.enqueue_indirect_dma source(%arg8 : memref<128x128xf32, #tpu.memory_space<vmem>>) target(%dma_start3A_591 : memref<10240x128xf32, #tpu.memory_space<vmem_shared>>) offsets(%dma_start3A_588 : memref<128xi32, #tpu.memory_space<vmem>>) semaphore(%run_scoped3A_585 : memref<!tpu.dma_semaphore, #tpu.memory_space<semaphore_mem>>)
      %dma_wait3A_592 = arith.constant 0 : i32
      %dma_wait3A_593 = tpu.memref_slice %arg9[%run_scoped3A_489, %dma_wait3A_592] : memref<5x128xi32, #tpu.memory_space<vmem>> -> memref<1x128xi32, #tpu.memory_space<vmem>>
      %dma_wait3A_594 = tpu.memref_squeeze %dma_wait3A_593 : memref<1x128xi32, #tpu.memory_space<vmem>> -> memref<128xi32, #tpu.memory_space<vmem>>
      %dma_wait3A_595 = arith.constant 0 : i32
      %dma_wait3A_596 = arith.constant 0 : i32
      %dma_wait3A_597 = tpu.memref_slice %arg10[%dma_wait3A_595, %dma_wait3A_596] : memref<10240x128xf32, #tpu.memory_space<vmem_shared>> -> memref<10240x128xf32, #tpu.memory_space<vmem_shared>>
      tpu.wait_indirect_dma semaphore(%run_scoped3A_585 : memref<!tpu.dma_semaphore, #tpu.memory_space<semaphore_mem>>) src(%arg8 : memref<128x128xf32, #tpu.memory_space<vmem>>) dst(%dma_wait3A_597 : memref<10240x128xf32, #tpu.memory_space<vmem_shared>>)
      tpu.yield
    }) : () -> ()
    %run_scoped3A_490 = arith.constant 2 : i32
    "tpu.region"() ({
      %run_scoped3A_585 = tpu.sem_alloc : memref<!tpu.dma_semaphore, #tpu.memory_space<semaphore_mem>>
      %dma_start3A_586 = arith.constant 0 : i32
      %dma_start3A_587 = tpu.memref_slice %arg9[%run_scoped3A_490, %dma_start3A_586] : memref<5x128xi32, #tpu.memory_space<vmem>> -> memref<1x128xi32, #tpu.memory_space<vmem>>
      %dma_start3A_588 = tpu.memref_squeeze %dma_start3A_587 : memref<1x128xi32, #tpu.memory_space<vmem>> -> memref<128xi32, #tpu.memory_space<vmem>>
      %dma_start3A_589 = arith.constant 0 : i32
      %dma_start3A_590 = arith.constant 0 : i32
      %dma_start3A_591 = tpu.memref_slice %arg10[%dma_start3A_589, %dma_start3A_590] : memref<10240x128xf32, #tpu.memory_space<vmem_shared>> -> memref<10240x128xf32, #tpu.memory_space<vmem_shared>>
      tpu.enqueue_indirect_dma source(%arg8 : memref<128x128xf32, #tpu.memory_space<vmem>>) target(%dma_start3A_591 : memref<10240x128xf32, #tpu.memory_space<vmem_shared>>) offsets(%dma_start3A_588 : memref<128xi32, #tpu.memory_space<vmem>>) semaphore(%run_scoped3A_585 : memref<!tpu.dma_semaphore, #tpu.memory_space<semaphore_mem>>)
      %dma_wait3A_592 = arith.constant 0 : i32
      %dma_wait3A_593 = tpu.memref_slice %arg9[%run_scoped3A_490, %dma_wait3A_592] : memref<5x128xi32, #tpu.memory_space<vmem>> -> memref<1x128xi32, #tpu.memory_space<vmem>>
      %dma_wait3A_594 = tpu.memref_squeeze %dma_wait3A_593 : memref<1x128xi32, #tpu.memory_space<vmem>> -> memref<128xi32, #tpu.memory_space<vmem>>
      %dma_wait3A_595 = arith.constant 0 : i32
      %dma_wait3A_596 = arith.constant 0 : i32
      %dma_wait3A_597 = tpu.memref_slice %arg10[%dma_wait3A_595, %dma_wait3A_596] : memref<10240x128xf32, #tpu.memory_space<vmem_shared>> -> memref<10240x128xf32, #tpu.memory_space<vmem_shared>>
      tpu.wait_indirect_dma semaphore(%run_scoped3A_585 : memref<!tpu.dma_semaphore, #tpu.memory_space<semaphore_mem>>) src(%arg8 : memref<128x128xf32, #tpu.memory_space<vmem>>) dst(%dma_wait3A_597 : memref<10240x128xf32, #tpu.memory_space<vmem_shared>>)
      tpu.yield
    }) : () -> ()
    %run_scoped3A_491 = arith.constant 3 : i32
    "tpu.region"() ({
      %run_scoped3A_585 = tpu.sem_alloc : memref<!tpu.dma_semaphore, #tpu.memory_space<semaphore_mem>>
      %dma_start3A_586 = arith.constant 0 : i32
      %dma_start3A_587 = tpu.memref_slice %arg9[%run_scoped3A_491, %dma_start3A_586] : memref<5x128xi32, #tpu.memory_space<vmem>> -> memref<1x128xi32, #tpu.memory_space<vmem>>
      %dma_start3A_588 = tpu.memref_squeeze %dma_start3A_587 : memref<1x128xi32, #tpu.memory_space<vmem>> -> memref<128xi32, #tpu.memory_space<vmem>>
      %dma_start3A_589 = arith.constant 0 : i32
      %dma_start3A_590 = arith.constant 0 : i32
      %dma_start3A_591 = tpu.memref_slice %arg10[%dma_start3A_589, %dma_start3A_590] : memref<10240x128xf32, #tpu.memory_space<vmem_shared>> -> memref<10240x128xf32, #tpu.memory_space<vmem_shared>>
      tpu.enqueue_indirect_dma source(%arg8 : memref<128x128xf32, #tpu.memory_space<vmem>>) target(%dma_start3A_591 : memref<10240x128xf32, #tpu.memory_space<vmem_shared>>) offsets(%dma_start3A_588 : memref<128xi32, #tpu.memory_space<vmem>>) semaphore(%run_scoped3A_585 : memref<!tpu.dma_semaphore, #tpu.memory_space<semaphore_mem>>)
      %dma_wait3A_592 = arith.constant 0 : i32
      %dma_wait3A_593 = tpu.memref_slice %arg9[%run_scoped3A_491, %dma_wait3A_592] : memref<5x128xi32, #tpu.memory_space<vmem>> -> memref<1x128xi32, #tpu.memory_space<vmem>>
      %dma_wait3A_594 = tpu.memref_squeeze %dma_wait3A_593 : memref<1x128xi32, #tpu.memory_space<vmem>> -> memref<128xi32, #tpu.memory_space<vmem>>
      %dma_wait3A_595 = arith.constant 0 : i32
      %dma_wait3A_596 = arith.constant 0 : i32
      %dma_wait3A_597 = tpu.memref_slice %arg10[%dma_wait3A_595, %dma_wait3A_596] : memref<10240x128xf32, #tpu.memory_space<vmem_shared>> -> memref<10240x128xf32, #tpu.memory_space<vmem_shared>>
      tpu.wait_indirect_dma semaphore(%run_scoped3A_585 : memref<!tpu.dma_semaphore, #tpu.memory_space<semaphore_mem>>) src(%arg8 : memref<128x128xf32, #tpu.memory_space<vmem>>) dst(%dma_wait3A_597 : memref<10240x128xf32, #tpu.memory_space<vmem_shared>>)
      tpu.yield
    }) : () -> ()
    %run_scoped3A_492 = arith.constant 4 : i32
    "tpu.region"() ({
      %run_scoped3A_585 = tpu.sem_alloc : memref<!tpu.dma_semaphore, #tpu.memory_space<semaphore_mem>>
      %dma_start3A_586 = arith.constant 0 : i32
      %dma_start3A_587 = tpu.memref_slice %arg9[%run_scoped3A_492, %dma_start3A_586] : memref<5x128xi32, #tpu.memory_space<vmem>> -> memref<1x128xi32, #tpu.memory_space<vmem>>
      %dma_start3A_588 = tpu.memref_squeeze %dma_start3A_587 : memref<1x128xi32, #tpu.memory_space<vmem>> -> memref<128xi32, #tpu.memory_space<vmem>>
      %dma_start3A_589 = arith.constant 0 : i32
      %dma_start3A_590 = arith.constant 0 : i32
      %dma_start3A_591 = tpu.memref_slice %arg10[%dma_start3A_589, %dma_start3A_590] : memref<10240x128xf32, #tpu.memory_space<vmem_shared>> -> memref<10240x128xf32, #tpu.memory_space<vmem_shared>>
      tpu.enqueue_indirect_dma source(%arg8 : memref<128x128xf32, #tpu.memory_space<vmem>>) target(%dma_start3A_591 : memref<10240x128xf32, #tpu.memory_space<vmem_shared>>) offsets(%dma_start3A_588 : memref<128xi32, #tpu.memory_space<vmem>>) semaphore(%run_scoped3A_585 : memref<!tpu.dma_semaphore, #tpu.memory_space<semaphore_mem>>)
      %dma_wait3A_592 = arith.constant 0 : i32
      %dma_wait3A_593 = tpu.memref_slice %arg9[%run_scoped3A_492, %dma_wait3A_592] : memref<5x128xi32, #tpu.memory_space<vmem>> -> memref<1x128xi32, #tpu.memory_space<vmem>>
      %dma_wait3A_594 = tpu.memref_squeeze %dma_wait3A_593 : memref<1x128xi32, #tpu.memory_space<vmem>> -> memref<128xi32, #tpu.memory_space<vmem>>
      %dma_wait3A_595 = arith.constant 0 : i32
      %dma_wait3A_596 = arith.constant 0 : i32
      %dma_wait3A_597 = tpu.memref_slice %arg10[%dma_wait3A_595, %dma_wait3A_596] : memref<10240x128xf32, #tpu.memory_space<vmem_shared>> -> memref<10240x128xf32, #tpu.memory_space<vmem_shared>>
      tpu.wait_indirect_dma semaphore(%run_scoped3A_585 : memref<!tpu.dma_semaphore, #tpu.memory_space<semaphore_mem>>) src(%arg8 : memref<128x128xf32, #tpu.memory_space<vmem>>) dst(%dma_wait3A_597 : memref<10240x128xf32, #tpu.memory_space<vmem_shared>>)
      tpu.yield
    }) : () -> ()
    %barrier3A = arith.constant 0 : index
    tpu.barrier barrier_id(%barrier3A)
    %eq3A = arith.constant 0 : i32
    %eq3A_493 = arith.cmpi eq, %arg0, %eq3A : i32
    %jit3A = arith.constant 93 : i32
    %jit3A_494 = arith.constant 69 : i32
    %select_n3A = arith.select %eq3A_493, %jit3A, %jit3A_494 : i32
    %while3A = arith.constant 0 : i32
    %while3A_495 = arith.constant 0 : i32
    %while3A_496 = arith.subi %select_n3A, %while3A : i32
    %while3A_497 = arith.addi %while3A, %while3A_496 : i32
    %while3A_498 = arith.constant 1 : i32
    %while3A_499 = arith.divsi %while3A_496, %while3A_498 : i32
    %while3A_500 = arith.muli %while3A_499, %while3A_498 : i32
    %while3A_501 = arith.addi %while3A, %while3A_500 : i32
    %while3A_502 = arith.constant 1 : i32
    %while3A_503 = scf.for %while3A_585 = %while3A to %while3A_501 step %while3A_502 iter_args(%while3A_586 = %while3A_495) -> (i32)  : i32 {
      %dma_start3A_587 = arith.constant 0 : i32
      %dma_start3A_588 = tpu.memref_slice %arg6[%while3A_585, %dma_start3A_587] : memref<93x128xi32, #tpu.memory_space<vmem>> -> memref<1x128xi32, #tpu.memory_space<vmem>>
      %dma_start3A_589 = tpu.memref_squeeze %dma_start3A_588 : memref<1x128xi32, #tpu.memory_space<vmem>> -> memref<128xi32, #tpu.memory_space<vmem>>
      %dma_start3A_590 = arith.constant 0 : i32
      %dma_start3A_591 = arith.constant 0 : i32
      %dma_start3A_592 = tpu.memref_slice %arg2[%dma_start3A_590, %dma_start3A_591] : memref<10000x128xf32, #tpu.memory_space<hbm>> -> memref<10000x128xf32, #tpu.memory_space<hbm>>
      tpu.enqueue_indirect_dma source(%dma_start3A_592 : memref<10000x128xf32, #tpu.memory_space<hbm>>) target(%arg8 : memref<128x128xf32, #tpu.memory_space<vmem>>) offsets(%dma_start3A_589 : memref<128xi32, #tpu.memory_space<vmem>>) semaphore(%arg11 : memref<!tpu.dma_semaphore, #tpu.memory_space<semaphore_mem>>)
      %dma_wait3A_593 = arith.constant 0 : i32
      %dma_wait3A_594 = tpu.memref_slice %arg6[%while3A_585, %dma_wait3A_593] : memref<93x128xi32, #tpu.memory_space<vmem>> -> memref<1x128xi32, #tpu.memory_space<vmem>>
      %dma_wait3A_595 = tpu.memref_squeeze %dma_wait3A_594 : memref<1x128xi32, #tpu.memory_space<vmem>> -> memref<128xi32, #tpu.memory_space<vmem>>
      %dma_wait3A_596 = arith.constant 0 : i32
      %dma_wait3A_597 = arith.constant 0 : i32
      %dma_wait3A_598 = tpu.memref_slice %arg2[%dma_wait3A_596, %dma_wait3A_597] : memref<10000x128xf32, #tpu.memory_space<hbm>> -> memref<10000x128xf32, #tpu.memory_space<hbm>>
      tpu.wait_indirect_dma semaphore(%arg11 : memref<!tpu.dma_semaphore, #tpu.memory_space<semaphore_mem>>) src(%dma_wait3A_598 : memref<10000x128xf32, #tpu.memory_space<hbm>>) dst(%arg8 : memref<128x128xf32, #tpu.memory_space<vmem>>)
      "tpu.region"() ({
        %run_scoped3A_600 = tpu.sem_alloc : memref<!tpu.dma_semaphore, #tpu.memory_space<semaphore_mem>>
        %dma_start3A_601 = arith.constant 0 : i32
        %dma_start3A_602 = tpu.memref_slice %arg7[%while3A_585, %dma_start3A_601] : memref<93x128xi32, #tpu.memory_space<vmem>> -> memref<1x128xi32, #tpu.memory_space<vmem>>
        %dma_start3A_603 = tpu.memref_squeeze %dma_start3A_602 : memref<1x128xi32, #tpu.memory_space<vmem>> -> memref<128xi32, #tpu.memory_space<vmem>>
        %dma_start3A_604 = arith.constant 0 : i32
        %dma_start3A_605 = arith.constant 0 : i32
        %dma_start3A_606 = tpu.memref_slice %arg10[%dma_start3A_604, %dma_start3A_605] : memref<10240x128xf32, #tpu.memory_space<vmem_shared>> -> memref<10240x128xf32, #tpu.memory_space<vmem_shared>>
        tpu.enqueue_indirect_dma source(%arg8 : memref<128x128xf32, #tpu.memory_space<vmem>>) target(%dma_start3A_606 : memref<10240x128xf32, #tpu.memory_space<vmem_shared>>) offsets(%dma_start3A_603 : memref<128xi32, #tpu.memory_space<vmem>>) semaphore(%run_scoped3A_600 : memref<!tpu.dma_semaphore, #tpu.memory_space<semaphore_mem>>) {add = true}
        %dma_wait3A_607 = arith.constant 0 : i32
        %dma_wait3A_608 = tpu.memref_slice %arg7[%while3A_585, %dma_wait3A_607] : memref<93x128xi32, #tpu.memory_space<vmem>> -> memref<1x128xi32, #tpu.memory_space<vmem>>
        %dma_wait3A_609 = tpu.memref_squeeze %dma_wait3A_608 : memref<1x128xi32, #tpu.memory_space<vmem>> -> memref<128xi32, #tpu.memory_space<vmem>>
        %dma_wait3A_610 = arith.constant 0 : i32
        %dma_wait3A_611 = arith.constant 0 : i32
        %dma_wait3A_612 = tpu.memref_slice %arg10[%dma_wait3A_610, %dma_wait3A_611] : memref<10240x128xf32, #tpu.memory_space<vmem_shared>> -> memref<10240x128xf32, #tpu.memory_space<vmem_shared>>
        tpu.wait_indirect_dma semaphore(%run_scoped3A_600 : memref<!tpu.dma_semaphore, #tpu.memory_space<semaphore_mem>>) src(%arg8 : memref<128x128xf32, #tpu.memory_space<vmem>>) dst(%dma_wait3A_612 : memref<10240x128xf32, #tpu.memory_space<vmem_shared>>)
        tpu.yield
      }) : () -> ()
      %while3A_599 = arith.constant 0 : i32
      scf.yield %while3A_599 : i32
    }
    %while3A_504 = arith.constant 1 : i32
    %while3A_505 = scf.for %while3A_585 = %while3A_501 to %while3A_497 step %while3A_504 iter_args(%while3A_586 = %while3A_503) -> (i32)  : i32 {
      %dma_start3A_587 = arith.constant 0 : i32
      %dma_start3A_588 = tpu.memref_slice %arg6[%while3A_585, %dma_start3A_587] : memref<93x128xi32, #tpu.memory_space<vmem>> -> memref<1x128xi32, #tpu.memory_space<vmem>>
      %dma_start3A_589 = tpu.memref_squeeze %dma_start3A_588 : memref<1x128xi32, #tpu.memory_space<vmem>> -> memref<128xi32, #tpu.memory_space<vmem>>
      %dma_start3A_590 = arith.constant 0 : i32
      %dma_start3A_591 = arith.constant 0 : i32
      %dma_start3A_592 = tpu.memref_slice %arg2[%dma_start3A_590, %dma_start3A_591] : memref<10000x128xf32, #tpu.memory_space<hbm>> -> memref<10000x128xf32, #tpu.memory_space<hbm>>
      tpu.enqueue_indirect_dma source(%dma_start3A_592 : memref<10000x128xf32, #tpu.memory_space<hbm>>) target(%arg8 : memref<128x128xf32, #tpu.memory_space<vmem>>) offsets(%dma_start3A_589 : memref<128xi32, #tpu.memory_space<vmem>>) semaphore(%arg11 : memref<!tpu.dma_semaphore, #tpu.memory_space<semaphore_mem>>)
      %dma_wait3A_593 = arith.constant 0 : i32
      %dma_wait3A_594 = tpu.memref_slice %arg6[%while3A_585, %dma_wait3A_593] : memref<93x128xi32, #tpu.memory_space<vmem>> -> memref<1x128xi32, #tpu.memory_space<vmem>>
      %dma_wait3A_595 = tpu.memref_squeeze %dma_wait3A_594 : memref<1x128xi32, #tpu.memory_space<vmem>> -> memref<128xi32, #tpu.memory_space<vmem>>
      %dma_wait3A_596 = arith.constant 0 : i32
      %dma_wait3A_597 = arith.constant 0 : i32
      %dma_wait3A_598 = tpu.memref_slice %arg2[%dma_wait3A_596, %dma_wait3A_597] : memref<10000x128xf32, #tpu.memory_space<hbm>> -> memref<10000x128xf32, #tpu.memory_space<hbm>>
      tpu.wait_indirect_dma semaphore(%arg11 : memref<!tpu.dma_semaphore, #tpu.memory_space<semaphore_mem>>) src(%dma_wait3A_598 : memref<10000x128xf32, #tpu.memory_space<hbm>>) dst(%arg8 : memref<128x128xf32, #tpu.memory_space<vmem>>)
      "tpu.region"() ({
        %run_scoped3A_600 = tpu.sem_alloc : memref<!tpu.dma_semaphore, #tpu.memory_space<semaphore_mem>>
        %dma_start3A_601 = arith.constant 0 : i32
        %dma_start3A_602 = tpu.memref_slice %arg7[%while3A_585, %dma_start3A_601] : memref<93x128xi32, #tpu.memory_space<vmem>> -> memref<1x128xi32, #tpu.memory_space<vmem>>
        %dma_start3A_603 = tpu.memref_squeeze %dma_start3A_602 : memref<1x128xi32, #tpu.memory_space<vmem>> -> memref<128xi32, #tpu.memory_space<vmem>>
        %dma_start3A_604 = arith.constant 0 : i32
        %dma_start3A_605 = arith.constant 0 : i32
        %dma_start3A_606 = tpu.memref_slice %arg10[%dma_start3A_604, %dma_start3A_605] : memref<10240x128xf32, #tpu.memory_space<vmem_shared>> -> memref<10240x128xf32, #tpu.memory_space<vmem_shared>>
        tpu.enqueue_indirect_dma source(%arg8 : memref<128x128xf32, #tpu.memory_space<vmem>>) target(%dma_start3A_606 : memref<10240x128xf32, #tpu.memory_space<vmem_shared>>) offsets(%dma_start3A_603 : memref<128xi32, #tpu.memory_space<vmem>>) semaphore(%run_scoped3A_600 : memref<!tpu.dma_semaphore, #tpu.memory_space<semaphore_mem>>) {add = true}
        %dma_wait3A_607 = arith.constant 0 : i32
        %dma_wait3A_608 = tpu.memref_slice %arg7[%while3A_585, %dma_wait3A_607] : memref<93x128xi32, #tpu.memory_space<vmem>> -> memref<1x128xi32, #tpu.memory_space<vmem>>
        %dma_wait3A_609 = tpu.memref_squeeze %dma_wait3A_608 : memref<1x128xi32, #tpu.memory_space<vmem>> -> memref<128xi32, #tpu.memory_space<vmem>>
        %dma_wait3A_610 = arith.constant 0 : i32
        %dma_wait3A_611 = arith.constant 0 : i32
        %dma_wait3A_612 = tpu.memref_slice %arg10[%dma_wait3A_610, %dma_wait3A_611] : memref<10240x128xf32, #tpu.memory_space<vmem_shared>> -> memref<10240x128xf32, #tpu.memory_space<vmem_shared>>
        tpu.wait_indirect_dma semaphore(%run_scoped3A_600 : memref<!tpu.dma_semaphore, #tpu.memory_space<semaphore_mem>>) src(%arg8 : memref<128x128xf32, #tpu.memory_space<vmem>>) dst(%dma_wait3A_612 : memref<10240x128xf32, #tpu.memory_space<vmem_shared>>)
        tpu.yield
      }) : () -> ()
      %while3A_599 = arith.constant 0 : i32
      scf.yield %while3A_599 : i32
    }
    %barrier3A_506 = arith.constant 0 : index
    tpu.barrier barrier_id(%barrier3A_506)
    %dma_start3A = arith.constant 0 : i32
    %dma_start3A_507 = arith.constant 0 : i32
    %dma_start3A_508 = tpu.memref_slice %arg9[%dma_start3A, %dma_start3A_507] : memref<5x128xi32, #tpu.memory_space<vmem>> -> memref<1x128xi32, #tpu.memory_space<vmem>>
    %dma_start3A_509 = tpu.memref_squeeze %dma_start3A_508 : memref<1x128xi32, #tpu.memory_space<vmem>> -> memref<128xi32, #tpu.memory_space<vmem>>
    %dma_start3A_510 = arith.constant 0 : i32
    %dma_start3A_511 = arith.constant 0 : i32
    %dma_start3A_512 = tpu.memref_slice %arg10[%dma_start3A_510, %dma_start3A_511] : memref<10240x128xf32, #tpu.memory_space<vmem_shared>> -> memref<10240x128xf32, #tpu.memory_space<vmem_shared>>
    tpu.enqueue_indirect_dma source(%dma_start3A_512 : memref<10240x128xf32, #tpu.memory_space<vmem_shared>>) target(%arg8 : memref<128x128xf32, #tpu.memory_space<vmem>>) offsets(%dma_start3A_509 : memref<128xi32, #tpu.memory_space<vmem>>) semaphore(%arg11 : memref<!tpu.dma_semaphore, #tpu.memory_space<semaphore_mem>>)
    %dma_wait3A = arith.constant 0 : i32
    %dma_wait3A_513 = arith.constant 0 : i32
    %dma_wait3A_514 = tpu.memref_slice %arg9[%dma_wait3A, %dma_wait3A_513] : memref<5x128xi32, #tpu.memory_space<vmem>> -> memref<1x128xi32, #tpu.memory_space<vmem>>
    %dma_wait3A_515 = tpu.memref_squeeze %dma_wait3A_514 : memref<1x128xi32, #tpu.memory_space<vmem>> -> memref<128xi32, #tpu.memory_space<vmem>>
    %dma_wait3A_516 = arith.constant 0 : i32
    %dma_wait3A_517 = arith.constant 0 : i32
    %dma_wait3A_518 = tpu.memref_slice %arg10[%dma_wait3A_516, %dma_wait3A_517] : memref<10240x128xf32, #tpu.memory_space<vmem_shared>> -> memref<10240x128xf32, #tpu.memory_space<vmem_shared>>
    tpu.wait_indirect_dma semaphore(%arg11 : memref<!tpu.dma_semaphore, #tpu.memory_space<semaphore_mem>>) src(%dma_wait3A_518 : memref<10240x128xf32, #tpu.memory_space<vmem_shared>>) dst(%arg8 : memref<128x128xf32, #tpu.memory_space<vmem>>)
    %add3A_519 = arith.constant 0 : i32
    %add3A_520 = arith.addi %mul3A_9, %add3A_519 : i32
    "tpu.region"() ({
      %run_scoped3A_585 = tpu.sem_alloc : memref<!tpu.dma_semaphore, #tpu.memory_space<semaphore_mem>>
      %dma_start3A_586 = arith.constant 0 : i32
      %dma_start3A_587 = tpu.memref_slice %arg5[%arg0, %add3A_520, %dma_start3A_586] : memref<2x10240x128xf32, #tpu.memory_space<hbm>> -> memref<1x128x128xf32, #tpu.memory_space<hbm>>
      %dma_start3A_588 = tpu.memref_squeeze %dma_start3A_587 : memref<1x128x128xf32, #tpu.memory_space<hbm>> -> memref<128x128xf32, #tpu.memory_space<hbm>>
      %dma_start3A_589 = arith.constant 0 : i32
      %dma_start3A_590 = tpu.memref_slice %arg5[%arg0, %add3A_520, %dma_start3A_589] : memref<2x10240x128xf32, #tpu.memory_space<hbm>> -> memref<1x128x128xf32, #tpu.memory_space<hbm>>
      %dma_start3A_591 = tpu.memref_squeeze %dma_start3A_590 : memref<1x128x128xf32, #tpu.memory_space<hbm>> -> memref<128x128xf32, #tpu.memory_space<hbm>>
      tpu.enqueue_dma source(%arg8 : memref<128x128xf32, #tpu.memory_space<vmem>>) target(%dma_start3A_591 : memref<128x128xf32, #tpu.memory_space<hbm>>) target_semaphore(%run_scoped3A_585 : memref<!tpu.dma_semaphore, #tpu.memory_space<semaphore_mem>>)
      %dma_wait3A_592 = arith.constant 0 : i32
      %dma_wait3A_593 = tpu.memref_slice %arg5[%arg0, %add3A_520, %dma_wait3A_592] : memref<2x10240x128xf32, #tpu.memory_space<hbm>> -> memref<1x128x128xf32, #tpu.memory_space<hbm>>
      %dma_wait3A_594 = tpu.memref_squeeze %dma_wait3A_593 : memref<1x128x128xf32, #tpu.memory_space<hbm>> -> memref<128x128xf32, #tpu.memory_space<hbm>>
      %dma_wait3A_595 = arith.constant 0 : i32
      %dma_wait3A_596 = tpu.memref_slice %arg5[%arg0, %add3A_520, %dma_wait3A_595] : memref<2x10240x128xf32, #tpu.memory_space<hbm>> -> memref<1x128x128xf32, #tpu.memory_space<hbm>>
      %dma_wait3A_597 = tpu.memref_squeeze %dma_wait3A_596 : memref<1x128x128xf32, #tpu.memory_space<hbm>> -> memref<128x128xf32, #tpu.memory_space<hbm>>
      tpu.wait_dma2 semaphore(%run_scoped3A_585 : memref<!tpu.dma_semaphore, #tpu.memory_space<semaphore_mem>>) src(%arg8 : memref<128x128xf32, #tpu.memory_space<vmem>>) dst(%dma_wait3A_597 : memref<128x128xf32, #tpu.memory_space<hbm>>)
      tpu.yield
    }) : () -> ()
    %dma_start3A_521 = arith.constant 1 : i32
    %dma_start3A_522 = arith.constant 0 : i32
    %dma_start3A_523 = tpu.memref_slice %arg9[%dma_start3A_521, %dma_start3A_522] : memref<5x128xi32, #tpu.memory_space<vmem>> -> memref<1x128xi32, #tpu.memory_space<vmem>>
    %dma_start3A_524 = tpu.memref_squeeze %dma_start3A_523 : memref<1x128xi32, #tpu.memory_space<vmem>> -> memref<128xi32, #tpu.memory_space<vmem>>
    %dma_start3A_525 = arith.constant 0 : i32
    %dma_start3A_526 = arith.constant 0 : i32
    %dma_start3A_527 = tpu.memref_slice %arg10[%dma_start3A_525, %dma_start3A_526] : memref<10240x128xf32, #tpu.memory_space<vmem_shared>> -> memref<10240x128xf32, #tpu.memory_space<vmem_shared>>
    tpu.enqueue_indirect_dma source(%dma_start3A_527 : memref<10240x128xf32, #tpu.memory_space<vmem_shared>>) target(%arg8 : memref<128x128xf32, #tpu.memory_space<vmem>>) offsets(%dma_start3A_524 : memref<128xi32, #tpu.memory_space<vmem>>) semaphore(%arg11 : memref<!tpu.dma_semaphore, #tpu.memory_space<semaphore_mem>>)
    %dma_wait3A_528 = arith.constant 1 : i32
    %dma_wait3A_529 = arith.constant 0 : i32
    %dma_wait3A_530 = tpu.memref_slice %arg9[%dma_wait3A_528, %dma_wait3A_529] : memref<5x128xi32, #tpu.memory_space<vmem>> -> memref<1x128xi32, #tpu.memory_space<vmem>>
    %dma_wait3A_531 = tpu.memref_squeeze %dma_wait3A_530 : memref<1x128xi32, #tpu.memory_space<vmem>> -> memref<128xi32, #tpu.memory_space<vmem>>
    %dma_wait3A_532 = arith.constant 0 : i32
    %dma_wait3A_533 = arith.constant 0 : i32
    %dma_wait3A_534 = tpu.memref_slice %arg10[%dma_wait3A_532, %dma_wait3A_533] : memref<10240x128xf32, #tpu.memory_space<vmem_shared>> -> memref<10240x128xf32, #tpu.memory_space<vmem_shared>>
    tpu.wait_indirect_dma semaphore(%arg11 : memref<!tpu.dma_semaphore, #tpu.memory_space<semaphore_mem>>) src(%dma_wait3A_534 : memref<10240x128xf32, #tpu.memory_space<vmem_shared>>) dst(%arg8 : memref<128x128xf32, #tpu.memory_space<vmem>>)
    %add3A_535 = arith.constant 128 : i32
    %add3A_536 = arith.addi %mul3A_9, %add3A_535 : i32
    "tpu.region"() ({
      %run_scoped3A_585 = tpu.sem_alloc : memref<!tpu.dma_semaphore, #tpu.memory_space<semaphore_mem>>
      %dma_start3A_586 = arith.constant 0 : i32
      %dma_start3A_587 = tpu.memref_slice %arg5[%arg0, %add3A_536, %dma_start3A_586] : memref<2x10240x128xf32, #tpu.memory_space<hbm>> -> memref<1x128x128xf32, #tpu.memory_space<hbm>>
      %dma_start3A_588 = tpu.memref_squeeze %dma_start3A_587 : memref<1x128x128xf32, #tpu.memory_space<hbm>> -> memref<128x128xf32, #tpu.memory_space<hbm>>
      %dma_start3A_589 = arith.constant 0 : i32
      %dma_start3A_590 = tpu.memref_slice %arg5[%arg0, %add3A_536, %dma_start3A_589] : memref<2x10240x128xf32, #tpu.memory_space<hbm>> -> memref<1x128x128xf32, #tpu.memory_space<hbm>>
      %dma_start3A_591 = tpu.memref_squeeze %dma_start3A_590 : memref<1x128x128xf32, #tpu.memory_space<hbm>> -> memref<128x128xf32, #tpu.memory_space<hbm>>
      tpu.enqueue_dma source(%arg8 : memref<128x128xf32, #tpu.memory_space<vmem>>) target(%dma_start3A_591 : memref<128x128xf32, #tpu.memory_space<hbm>>) target_semaphore(%run_scoped3A_585 : memref<!tpu.dma_semaphore, #tpu.memory_space<semaphore_mem>>)
      %dma_wait3A_592 = arith.constant 0 : i32
      %dma_wait3A_593 = tpu.memref_slice %arg5[%arg0, %add3A_536, %dma_wait3A_592] : memref<2x10240x128xf32, #tpu.memory_space<hbm>> -> memref<1x128x128xf32, #tpu.memory_space<hbm>>
      %dma_wait3A_594 = tpu.memref_squeeze %dma_wait3A_593 : memref<1x128x128xf32, #tpu.memory_space<hbm>> -> memref<128x128xf32, #tpu.memory_space<hbm>>
      %dma_wait3A_595 = arith.constant 0 : i32
      %dma_wait3A_596 = tpu.memref_slice %arg5[%arg0, %add3A_536, %dma_wait3A_595] : memref<2x10240x128xf32, #tpu.memory_space<hbm>> -> memref<1x128x128xf32, #tpu.memory_space<hbm>>
      %dma_wait3A_597 = tpu.memref_squeeze %dma_wait3A_596 : memref<1x128x128xf32, #tpu.memory_space<hbm>> -> memref<128x128xf32, #tpu.memory_space<hbm>>
      tpu.wait_dma2 semaphore(%run_scoped3A_585 : memref<!tpu.dma_semaphore, #tpu.memory_space<semaphore_mem>>) src(%arg8 : memref<128x128xf32, #tpu.memory_space<vmem>>) dst(%dma_wait3A_597 : memref<128x128xf32, #tpu.memory_space<hbm>>)
      tpu.yield
    }) : () -> ()
    %dma_start3A_537 = arith.constant 2 : i32
    %dma_start3A_538 = arith.constant 0 : i32
    %dma_start3A_539 = tpu.memref_slice %arg9[%dma_start3A_537, %dma_start3A_538] : memref<5x128xi32, #tpu.memory_space<vmem>> -> memref<1x128xi32, #tpu.memory_space<vmem>>
    %dma_start3A_540 = tpu.memref_squeeze %dma_start3A_539 : memref<1x128xi32, #tpu.memory_space<vmem>> -> memref<128xi32, #tpu.memory_space<vmem>>
    %dma_start3A_541 = arith.constant 0 : i32
    %dma_start3A_542 = arith.constant 0 : i32
    %dma_start3A_543 = tpu.memref_slice %arg10[%dma_start3A_541, %dma_start3A_542] : memref<10240x128xf32, #tpu.memory_space<vmem_shared>> -> memref<10240x128xf32, #tpu.memory_space<vmem_shared>>
    tpu.enqueue_indirect_dma source(%dma_start3A_543 : memref<10240x128xf32, #tpu.memory_space<vmem_shared>>) target(%arg8 : memref<128x128xf32, #tpu.memory_space<vmem>>) offsets(%dma_start3A_540 : memref<128xi32, #tpu.memory_space<vmem>>) semaphore(%arg11 : memref<!tpu.dma_semaphore, #tpu.memory_space<semaphore_mem>>)
    %dma_wait3A_544 = arith.constant 2 : i32
    %dma_wait3A_545 = arith.constant 0 : i32
    %dma_wait3A_546 = tpu.memref_slice %arg9[%dma_wait3A_544, %dma_wait3A_545] : memref<5x128xi32, #tpu.memory_space<vmem>> -> memref<1x128xi32, #tpu.memory_space<vmem>>
    %dma_wait3A_547 = tpu.memref_squeeze %dma_wait3A_546 : memref<1x128xi32, #tpu.memory_space<vmem>> -> memref<128xi32, #tpu.memory_space<vmem>>
    %dma_wait3A_548 = arith.constant 0 : i32
    %dma_wait3A_549 = arith.constant 0 : i32
    %dma_wait3A_550 = tpu.memref_slice %arg10[%dma_wait3A_548, %dma_wait3A_549] : memref<10240x128xf32, #tpu.memory_space<vmem_shared>> -> memref<10240x128xf32, #tpu.memory_space<vmem_shared>>
    tpu.wait_indirect_dma semaphore(%arg11 : memref<!tpu.dma_semaphore, #tpu.memory_space<semaphore_mem>>) src(%dma_wait3A_550 : memref<10240x128xf32, #tpu.memory_space<vmem_shared>>) dst(%arg8 : memref<128x128xf32, #tpu.memory_space<vmem>>)
    %add3A_551 = arith.constant 256 : i32
    %add3A_552 = arith.addi %mul3A_9, %add3A_551 : i32
    "tpu.region"() ({
      %run_scoped3A_585 = tpu.sem_alloc : memref<!tpu.dma_semaphore, #tpu.memory_space<semaphore_mem>>
      %dma_start3A_586 = arith.constant 0 : i32
      %dma_start3A_587 = tpu.memref_slice %arg5[%arg0, %add3A_552, %dma_start3A_586] : memref<2x10240x128xf32, #tpu.memory_space<hbm>> -> memref<1x128x128xf32, #tpu.memory_space<hbm>>
      %dma_start3A_588 = tpu.memref_squeeze %dma_start3A_587 : memref<1x128x128xf32, #tpu.memory_space<hbm>> -> memref<128x128xf32, #tpu.memory_space<hbm>>
      %dma_start3A_589 = arith.constant 0 : i32
      %dma_start3A_590 = tpu.memref_slice %arg5[%arg0, %add3A_552, %dma_start3A_589] : memref<2x10240x128xf32, #tpu.memory_space<hbm>> -> memref<1x128x128xf32, #tpu.memory_space<hbm>>
      %dma_start3A_591 = tpu.memref_squeeze %dma_start3A_590 : memref<1x128x128xf32, #tpu.memory_space<hbm>> -> memref<128x128xf32, #tpu.memory_space<hbm>>
      tpu.enqueue_dma source(%arg8 : memref<128x128xf32, #tpu.memory_space<vmem>>) target(%dma_start3A_591 : memref<128x128xf32, #tpu.memory_space<hbm>>) target_semaphore(%run_scoped3A_585 : memref<!tpu.dma_semaphore, #tpu.memory_space<semaphore_mem>>)
      %dma_wait3A_592 = arith.constant 0 : i32
      %dma_wait3A_593 = tpu.memref_slice %arg5[%arg0, %add3A_552, %dma_wait3A_592] : memref<2x10240x128xf32, #tpu.memory_space<hbm>> -> memref<1x128x128xf32, #tpu.memory_space<hbm>>
      %dma_wait3A_594 = tpu.memref_squeeze %dma_wait3A_593 : memref<1x128x128xf32, #tpu.memory_space<hbm>> -> memref<128x128xf32, #tpu.memory_space<hbm>>
      %dma_wait3A_595 = arith.constant 0 : i32
      %dma_wait3A_596 = tpu.memref_slice %arg5[%arg0, %add3A_552, %dma_wait3A_595] : memref<2x10240x128xf32, #tpu.memory_space<hbm>> -> memref<1x128x128xf32, #tpu.memory_space<hbm>>
      %dma_wait3A_597 = tpu.memref_squeeze %dma_wait3A_596 : memref<1x128x128xf32, #tpu.memory_space<hbm>> -> memref<128x128xf32, #tpu.memory_space<hbm>>
      tpu.wait_dma2 semaphore(%run_scoped3A_585 : memref<!tpu.dma_semaphore, #tpu.memory_space<semaphore_mem>>) src(%arg8 : memref<128x128xf32, #tpu.memory_space<vmem>>) dst(%dma_wait3A_597 : memref<128x128xf32, #tpu.memory_space<hbm>>)
      tpu.yield
    }) : () -> ()
    %dma_start3A_553 = arith.constant 3 : i32
    %dma_start3A_554 = arith.constant 0 : i32
    %dma_start3A_555 = tpu.memref_slice %arg9[%dma_start3A_553, %dma_start3A_554] : memref<5x128xi32, #tpu.memory_space<vmem>> -> memref<1x128xi32, #tpu.memory_space<vmem>>
    %dma_start3A_556 = tpu.memref_squeeze %dma_start3A_555 : memref<1x128xi32, #tpu.memory_space<vmem>> -> memref<128xi32, #tpu.memory_space<vmem>>
    %dma_start3A_557 = arith.constant 0 : i32
    %dma_start3A_558 = arith.constant 0 : i32
    %dma_start3A_559 = tpu.memref_slice %arg10[%dma_start3A_557, %dma_start3A_558] : memref<10240x128xf32, #tpu.memory_space<vmem_shared>> -> memref<10240x128xf32, #tpu.memory_space<vmem_shared>>
    tpu.enqueue_indirect_dma source(%dma_start3A_559 : memref<10240x128xf32, #tpu.memory_space<vmem_shared>>) target(%arg8 : memref<128x128xf32, #tpu.memory_space<vmem>>) offsets(%dma_start3A_556 : memref<128xi32, #tpu.memory_space<vmem>>) semaphore(%arg11 : memref<!tpu.dma_semaphore, #tpu.memory_space<semaphore_mem>>)
    %dma_wait3A_560 = arith.constant 3 : i32
    %dma_wait3A_561 = arith.constant 0 : i32
    %dma_wait3A_562 = tpu.memref_slice %arg9[%dma_wait3A_560, %dma_wait3A_561] : memref<5x128xi32, #tpu.memory_space<vmem>> -> memref<1x128xi32, #tpu.memory_space<vmem>>
    %dma_wait3A_563 = tpu.memref_squeeze %dma_wait3A_562 : memref<1x128xi32, #tpu.memory_space<vmem>> -> memref<128xi32, #tpu.memory_space<vmem>>
    %dma_wait3A_564 = arith.constant 0 : i32
    %dma_wait3A_565 = arith.constant 0 : i32
    %dma_wait3A_566 = tpu.memref_slice %arg10[%dma_wait3A_564, %dma_wait3A_565] : memref<10240x128xf32, #tpu.memory_space<vmem_shared>> -> memref<10240x128xf32, #tpu.memory_space<vmem_shared>>
    tpu.wait_indirect_dma semaphore(%arg11 : memref<!tpu.dma_semaphore, #tpu.memory_space<semaphore_mem>>) src(%dma_wait3A_566 : memref<10240x128xf32, #tpu.memory_space<vmem_shared>>) dst(%arg8 : memref<128x128xf32, #tpu.memory_space<vmem>>)
    %add3A_567 = arith.constant 384 : i32
    %add3A_568 = arith.addi %mul3A_9, %add3A_567 : i32
    "tpu.region"() ({
      %run_scoped3A_585 = tpu.sem_alloc : memref<!tpu.dma_semaphore, #tpu.memory_space<semaphore_mem>>
      %dma_start3A_586 = arith.constant 0 : i32
      %dma_start3A_587 = tpu.memref_slice %arg5[%arg0, %add3A_568, %dma_start3A_586] : memref<2x10240x128xf32, #tpu.memory_space<hbm>> -> memref<1x128x128xf32, #tpu.memory_space<hbm>>
      %dma_start3A_588 = tpu.memref_squeeze %dma_start3A_587 : memref<1x128x128xf32, #tpu.memory_space<hbm>> -> memref<128x128xf32, #tpu.memory_space<hbm>>
      %dma_start3A_589 = arith.constant 0 : i32
      %dma_start3A_590 = tpu.memref_slice %arg5[%arg0, %add3A_568, %dma_start3A_589] : memref<2x10240x128xf32, #tpu.memory_space<hbm>> -> memref<1x128x128xf32, #tpu.memory_space<hbm>>
      %dma_start3A_591 = tpu.memref_squeeze %dma_start3A_590 : memref<1x128x128xf32, #tpu.memory_space<hbm>> -> memref<128x128xf32, #tpu.memory_space<hbm>>
      tpu.enqueue_dma source(%arg8 : memref<128x128xf32, #tpu.memory_space<vmem>>) target(%dma_start3A_591 : memref<128x128xf32, #tpu.memory_space<hbm>>) target_semaphore(%run_scoped3A_585 : memref<!tpu.dma_semaphore, #tpu.memory_space<semaphore_mem>>)
      %dma_wait3A_592 = arith.constant 0 : i32
      %dma_wait3A_593 = tpu.memref_slice %arg5[%arg0, %add3A_568, %dma_wait3A_592] : memref<2x10240x128xf32, #tpu.memory_space<hbm>> -> memref<1x128x128xf32, #tpu.memory_space<hbm>>
      %dma_wait3A_594 = tpu.memref_squeeze %dma_wait3A_593 : memref<1x128x128xf32, #tpu.memory_space<hbm>> -> memref<128x128xf32, #tpu.memory_space<hbm>>
      %dma_wait3A_595 = arith.constant 0 : i32
      %dma_wait3A_596 = tpu.memref_slice %arg5[%arg0, %add3A_568, %dma_wait3A_595] : memref<2x10240x128xf32, #tpu.memory_space<hbm>> -> memref<1x128x128xf32, #tpu.memory_space<hbm>>
      %dma_wait3A_597 = tpu.memref_squeeze %dma_wait3A_596 : memref<1x128x128xf32, #tpu.memory_space<hbm>> -> memref<128x128xf32, #tpu.memory_space<hbm>>
      tpu.wait_dma2 semaphore(%run_scoped3A_585 : memref<!tpu.dma_semaphore, #tpu.memory_space<semaphore_mem>>) src(%arg8 : memref<128x128xf32, #tpu.memory_space<vmem>>) dst(%dma_wait3A_597 : memref<128x128xf32, #tpu.memory_space<hbm>>)
      tpu.yield
    }) : () -> ()
    %dma_start3A_569 = arith.constant 4 : i32
    %dma_start3A_570 = arith.constant 0 : i32
    %dma_start3A_571 = tpu.memref_slice %arg9[%dma_start3A_569, %dma_start3A_570] : memref<5x128xi32, #tpu.memory_space<vmem>> -> memref<1x128xi32, #tpu.memory_space<vmem>>
    %dma_start3A_572 = tpu.memref_squeeze %dma_start3A_571 : memref<1x128xi32, #tpu.memory_space<vmem>> -> memref<128xi32, #tpu.memory_space<vmem>>
    %dma_start3A_573 = arith.constant 0 : i32
    %dma_start3A_574 = arith.constant 0 : i32
    %dma_start3A_575 = tpu.memref_slice %arg10[%dma_start3A_573, %dma_start3A_574] : memref<10240x128xf32, #tpu.memory_space<vmem_shared>> -> memref<10240x128xf32, #tpu.memory_space<vmem_shared>>
    tpu.enqueue_indirect_dma source(%dma_start3A_575 : memref<10240x128xf32, #tpu.memory_space<vmem_shared>>) target(%arg8 : memref<128x128xf32, #tpu.memory_space<vmem>>) offsets(%dma_start3A_572 : memref<128xi32, #tpu.memory_space<vmem>>) semaphore(%arg11 : memref<!tpu.dma_semaphore, #tpu.memory_space<semaphore_mem>>)
    %dma_wait3A_576 = arith.constant 4 : i32
    %dma_wait3A_577 = arith.constant 0 : i32
    %dma_wait3A_578 = tpu.memref_slice %arg9[%dma_wait3A_576, %dma_wait3A_577] : memref<5x128xi32, #tpu.memory_space<vmem>> -> memref<1x128xi32, #tpu.memory_space<vmem>>
    %dma_wait3A_579 = tpu.memref_squeeze %dma_wait3A_578 : memref<1x128xi32, #tpu.memory_space<vmem>> -> memref<128xi32, #tpu.memory_space<vmem>>
    %dma_wait3A_580 = arith.constant 0 : i32
    %dma_wait3A_581 = arith.constant 0 : i32
    %dma_wait3A_582 = tpu.memref_slice %arg10[%dma_wait3A_580, %dma_wait3A_581] : memref<10240x128xf32, #tpu.memory_space<vmem_shared>> -> memref<10240x128xf32, #tpu.memory_space<vmem_shared>>
    tpu.wait_indirect_dma semaphore(%arg11 : memref<!tpu.dma_semaphore, #tpu.memory_space<semaphore_mem>>) src(%dma_wait3A_582 : memref<10240x128xf32, #tpu.memory_space<vmem_shared>>) dst(%arg8 : memref<128x128xf32, #tpu.memory_space<vmem>>)
    %add3A_583 = arith.constant 512 : i32
    %add3A_584 = arith.addi %mul3A_9, %add3A_583 : i32
    "tpu.region"() ({
      %run_scoped3A_585 = tpu.sem_alloc : memref<!tpu.dma_semaphore, #tpu.memory_space<semaphore_mem>>
      %dma_start3A_586 = arith.constant 0 : i32
      %dma_start3A_587 = tpu.memref_slice %arg5[%arg0, %add3A_584, %dma_start3A_586] : memref<2x10240x128xf32, #tpu.memory_space<hbm>> -> memref<1x128x128xf32, #tpu.memory_space<hbm>>
      %dma_start3A_588 = tpu.memref_squeeze %dma_start3A_587 : memref<1x128x128xf32, #tpu.memory_space<hbm>> -> memref<128x128xf32, #tpu.memory_space<hbm>>
      %dma_start3A_589 = arith.constant 0 : i32
      %dma_start3A_590 = tpu.memref_slice %arg5[%arg0, %add3A_584, %dma_start3A_589] : memref<2x10240x128xf32, #tpu.memory_space<hbm>> -> memref<1x128x128xf32, #tpu.memory_space<hbm>>
      %dma_start3A_591 = tpu.memref_squeeze %dma_start3A_590 : memref<1x128x128xf32, #tpu.memory_space<hbm>> -> memref<128x128xf32, #tpu.memory_space<hbm>>
      tpu.enqueue_dma source(%arg8 : memref<128x128xf32, #tpu.memory_space<vmem>>) target(%dma_start3A_591 : memref<128x128xf32, #tpu.memory_space<hbm>>) target_semaphore(%run_scoped3A_585 : memref<!tpu.dma_semaphore, #tpu.memory_space<semaphore_mem>>)
      %dma_wait3A_592 = arith.constant 0 : i32
      %dma_wait3A_593 = tpu.memref_slice %arg5[%arg0, %add3A_584, %dma_wait3A_592] : memref<2x10240x128xf32, #tpu.memory_space<hbm>> -> memref<1x128x128xf32, #tpu.memory_space<hbm>>
      %dma_wait3A_594 = tpu.memref_squeeze %dma_wait3A_593 : memref<1x128x128xf32, #tpu.memory_space<hbm>> -> memref<128x128xf32, #tpu.memory_space<hbm>>
      %dma_wait3A_595 = arith.constant 0 : i32
      %dma_wait3A_596 = tpu.memref_slice %arg5[%arg0, %add3A_584, %dma_wait3A_595] : memref<2x10240x128xf32, #tpu.memory_space<hbm>> -> memref<1x128x128xf32, #tpu.memory_space<hbm>>
      %dma_wait3A_597 = tpu.memref_squeeze %dma_wait3A_596 : memref<1x128x128xf32, #tpu.memory_space<hbm>> -> memref<128x128xf32, #tpu.memory_space<hbm>>
      tpu.wait_dma2 semaphore(%run_scoped3A_585 : memref<!tpu.dma_semaphore, #tpu.memory_space<semaphore_mem>>) src(%arg8 : memref<128x128xf32, #tpu.memory_space<vmem>>) dst(%dma_wait3A_597 : memref<128x128xf32, #tpu.memory_space<hbm>>)
      tpu.yield
    }) : () -> ()
    return
  }
}

module attributes {stable_mosaic.version = 14 : i64} {
  func.func @_pre1_body(%arg0: i32, %arg1: memref<1000x128xf32, #tpu.memory_space<vmem>>, %arg2: memref<1000x32xf32, #tpu.memory_space<vmem>>, %arg3: memref<128x128xf32, #tpu.memory_space<vmem>>, %arg4: memref<1x128xf32, #tpu.memory_space<vmem>>, %arg5: memref<1000x128xf32, #tpu.memory_space<vmem>>) attributes {dimension_semantics = [#tpu.dimension_semantics<arbitrary>], iteration_bounds = array<i64: 10>, scalar_prefetch = 0 : i64, scratch_operands = 0 : i64, tpu.core_type = #tpu.core_type<tc>, window_params = [{transform_indices = @transform_0, window_bounds = array<i64: 1000, 128>}, {transform_indices = @transform_1, window_bounds = array<i64: 1000, 32>}, {pipeline_mode = #tpu.pipeline_mode<synchronous>, transform_indices = @transform_2, window_bounds = array<i64: 128, 128>}, {pipeline_mode = #tpu.pipeline_mode<synchronous>, transform_indices = @transform_3, window_bounds = array<i64: 1, 128>}, {transform_indices = @transform_4, window_bounds = array<i64: 1000, 128>}]} {
    %get3A = arith.constant 0 : index
    %get3A_0 = arith.constant 0 : index
    %get3A_1 = vector.load %arg1[%get3A, %get3A_0] : memref<1000x128xf32, #tpu.memory_space<vmem>>, vector<1000x128xf32>
    %mul3A = arith.mulf %get3A_1, %get3A_1 : vector<1000x128xf32>
    %reduce_sum3A = arith.constant dense<0.000000e+00> : vector<1000xf32>
    %reduce_sum3A_2 = vector.multi_reduction <add>, %mul3A, %reduce_sum3A [1] : vector<1000x128xf32> to vector<1000xf32>
    %broadcast_in_dim3A = vector.shape_cast %reduce_sum3A_2 : vector<1000xf32> to vector<1000x1xf32>
    %add3A = arith.constant 9.99999996E-13 : f32
    %add3A_3 = vector.broadcast %add3A : f32 to vector<1000x1xf32>
    %add3A_4 = arith.addf %broadcast_in_dim3A, %add3A_3 : vector<1000x1xf32>
    %sqrt3A = math.sqrt %add3A_4 : vector<1000x1xf32>
    %jit3A = arith.constant 1.000000e-07 : f32
    %max3A = vector.broadcast %jit3A : f32 to vector<1000x1xf32>
    %max3A_5 = arith.maximumf %max3A, %sqrt3A : vector<1000x1xf32>
    %div3A = arith.constant 1.000000e+00 : f32
    %div3A_6 = vector.broadcast %div3A : f32 to vector<1000x1xf32>
    %div3A_7 = arith.divf %max3A_5, %div3A_6 : vector<1000x1xf32>
    %exp3A = math.exp %div3A_7 : vector<1000x1xf32>
    %neg3A = arith.constant 0.000000e+00 : f32
    %neg3A_8 = vector.broadcast %neg3A : f32 to vector<1000x1xf32>
    %neg3A_9 = arith.subf %neg3A_8, %div3A_7 : vector<1000x1xf32>
    %exp3A_10 = math.exp %neg3A_9 : vector<1000x1xf32>
    %sub3A = arith.subf %exp3A, %exp3A_10 : vector<1000x1xf32>
    %mul3A_11 = arith.constant 5.000000e-01 : f32
    %mul3A_12 = vector.broadcast %mul3A_11 : f32 to vector<1000x1xf32>
    %mul3A_13 = arith.mulf %mul3A_12, %sub3A : vector<1000x1xf32>
    %mul3A_14 = arith.constant 1.000000e+00 : f32
    %mul3A_15 = vector.broadcast %mul3A_14 : f32 to vector<1000x1xf32>
    %mul3A_16 = arith.mulf %mul3A_15, %mul3A_13 : vector<1000x1xf32>
    %div3A_17 = arith.divf %mul3A_16, %max3A_5 : vector<1000x1xf32>
    %mul3A_18 = vector.broadcast %div3A_17 : vector<1000x1xf32> to vector<1000x128xf32>
    %mul3A_19 = arith.mulf %mul3A_18, %get3A_1 : vector<1000x128xf32>
    %mul3A_20 = arith.mulf %mul3A_19, %mul3A_19 : vector<1000x128xf32>
    %reduce_sum3A_21 = arith.constant dense<0.000000e+00> : vector<1000xf32>
    %reduce_sum3A_22 = vector.multi_reduction <add>, %mul3A_20, %reduce_sum3A_21 [1] : vector<1000x128xf32> to vector<1000xf32>
    %broadcast_in_dim3A_23 = vector.shape_cast %reduce_sum3A_22 : vector<1000xf32> to vector<1000x1xf32>
    %add3A_24 = arith.constant 1.000000e+00 : f32
    %add3A_25 = vector.broadcast %add3A_24 : f32 to vector<1000x1xf32>
    %add3A_26 = arith.addf %add3A_25, %broadcast_in_dim3A_23 : vector<1000x1xf32>
    %sqrt3A_27 = math.sqrt %add3A_26 : vector<1000x1xf32>
    %mul3A_28 = arith.mulf %mul3A_19, %mul3A_19 : vector<1000x128xf32>
    %reduce_sum3A_29 = arith.constant dense<0.000000e+00> : vector<1000xf32>
    %reduce_sum3A_30 = vector.multi_reduction <add>, %mul3A_28, %reduce_sum3A_29 [1] : vector<1000x128xf32> to vector<1000xf32>
    %broadcast_in_dim3A_31 = vector.shape_cast %reduce_sum3A_30 : vector<1000xf32> to vector<1000x1xf32>
    %add3A_32 = arith.constant 9.99999996E-13 : f32
    %add3A_33 = vector.broadcast %add3A_32 : f32 to vector<1000x1xf32>
    %add3A_34 = arith.addf %broadcast_in_dim3A_31, %add3A_33 : vector<1000x1xf32>
    %sqrt3A_35 = math.sqrt %add3A_34 : vector<1000x1xf32>
    %jit3A_36 = arith.constant 1.000000e-07 : f32
    %max3A_37 = vector.broadcast %jit3A_36 : f32 to vector<1000x1xf32>
    %max3A_38 = arith.maximumf %max3A_37, %sqrt3A_35 : vector<1000x1xf32>
    %div3A_39 = arith.constant 1.000000e+00 : f32
    %div3A_40 = vector.broadcast %div3A_39 : f32 to vector<1000x1xf32>
    %div3A_41 = arith.divf %sqrt3A_27, %div3A_40 : vector<1000x1xf32>
    %jit3A_42 = arith.constant 1.00000012 : f32
    %max3A_43 = vector.broadcast %jit3A_42 : f32 to vector<1000x1xf32>
    %max3A_44 = arith.maximumf %max3A_43, %div3A_41 : vector<1000x1xf32>
    %mul3A_45 = arith.mulf %max3A_44, %max3A_44 : vector<1000x1xf32>
    %sub3A_46 = arith.constant 1.000000e+00 : f32
    %sub3A_47 = vector.broadcast %sub3A_46 : f32 to vector<1000x1xf32>
    %sub3A_48 = arith.subf %mul3A_45, %sub3A_47 : vector<1000x1xf32>
    %sqrt3A_49 = math.sqrt %sub3A_48 : vector<1000x1xf32>
    %add3A_50 = arith.addf %max3A_44, %sqrt3A_49 : vector<1000x1xf32>
    %log3A = math.log %add3A_50 : vector<1000x1xf32>
    %mul3A_51 = arith.constant 1.000000e+00 : f32
    %mul3A_52 = vector.broadcast %mul3A_51 : f32 to vector<1000x1xf32>
    %mul3A_53 = arith.mulf %mul3A_52, %log3A : vector<1000x1xf32>
    %div3A_54 = arith.divf %mul3A_53, %max3A_38 : vector<1000x1xf32>
    %mul3A_55 = vector.broadcast %div3A_54 : vector<1000x1xf32> to vector<1000x128xf32>
    %mul3A_56 = arith.mulf %mul3A_55, %mul3A_19 : vector<1000x128xf32>
    %get3A_57 = arith.constant 0 : index
    %get3A_58 = arith.constant 0 : index
    %get3A_59 = vector.load %arg3[%get3A_57, %get3A_58] : memref<128x128xf32, #tpu.memory_space<vmem>>, vector<128x128xf32>
    %dot_general3A = arith.constant dense<0.000000e+00> : vector<1000x128xf32>
    %dot_general3A_60 = tpu.matmul %mul3A_56, %get3A_59, %dot_general3A {dimension_numbers = #tpu.dot_dimension_numbers<[1], [0], [0], [1], [0, 0, 1, 1], [], []>, transpose_lhs_hint = false} : vector<1000x128xf32>, vector<128x128xf32>, vector<1000x128xf32> -> vector<1000x128xf32>
    %get3A_61 = arith.constant 0 : index
    %get3A_62 = arith.constant 0 : index
    %get3A_63 = vector.load %arg4[%get3A_61, %get3A_62] : memref<1x128xf32, #tpu.memory_space<vmem>>, vector<1x128xf32>
    %add3A_64 = vector.broadcast %get3A_63 : vector<1x128xf32> to vector<1000x128xf32>
    %add3A_65 = arith.addf %dot_general3A_60, %add3A_64 : vector<1000x128xf32>
    %mul3A_66 = arith.mulf %add3A_65, %add3A_65 : vector<1000x128xf32>
    %reduce_sum3A_67 = arith.constant dense<0.000000e+00> : vector<1000xf32>
    %reduce_sum3A_68 = vector.multi_reduction <add>, %mul3A_66, %reduce_sum3A_67 [1] : vector<1000x128xf32> to vector<1000xf32>
    %broadcast_in_dim3A_69 = vector.shape_cast %reduce_sum3A_68 : vector<1000xf32> to vector<1000x1xf32>
    %add3A_70 = arith.constant 9.99999996E-13 : f32
    %add3A_71 = vector.broadcast %add3A_70 : f32 to vector<1000x1xf32>
    %add3A_72 = arith.addf %broadcast_in_dim3A_69, %add3A_71 : vector<1000x1xf32>
    %sqrt3A_73 = math.sqrt %add3A_72 : vector<1000x1xf32>
    %jit3A_74 = arith.constant 1.000000e-07 : f32
    %max3A_75 = vector.broadcast %jit3A_74 : f32 to vector<1000x1xf32>
    %max3A_76 = arith.maximumf %max3A_75, %sqrt3A_73 : vector<1000x1xf32>
    %div3A_77 = arith.constant 1.000000e+00 : f32
    %div3A_78 = vector.broadcast %div3A_77 : f32 to vector<1000x1xf32>
    %div3A_79 = arith.divf %max3A_76, %div3A_78 : vector<1000x1xf32>
    %exp3A_80 = math.exp %div3A_79 : vector<1000x1xf32>
    %neg3A_81 = arith.constant 0.000000e+00 : f32
    %neg3A_82 = vector.broadcast %neg3A_81 : f32 to vector<1000x1xf32>
    %neg3A_83 = arith.subf %neg3A_82, %div3A_79 : vector<1000x1xf32>
    %exp3A_84 = math.exp %neg3A_83 : vector<1000x1xf32>
    %sub3A_85 = arith.subf %exp3A_80, %exp3A_84 : vector<1000x1xf32>
    %mul3A_86 = arith.constant 5.000000e-01 : f32
    %mul3A_87 = vector.broadcast %mul3A_86 : f32 to vector<1000x1xf32>
    %mul3A_88 = arith.mulf %mul3A_87, %sub3A_85 : vector<1000x1xf32>
    %mul3A_89 = arith.constant 1.000000e+00 : f32
    %mul3A_90 = vector.broadcast %mul3A_89 : f32 to vector<1000x1xf32>
    %mul3A_91 = arith.mulf %mul3A_90, %mul3A_88 : vector<1000x1xf32>
    %div3A_92 = arith.divf %mul3A_91, %max3A_76 : vector<1000x1xf32>
    %mul3A_93 = vector.broadcast %div3A_92 : vector<1000x1xf32> to vector<1000x128xf32>
    %mul3A_94 = arith.mulf %mul3A_93, %add3A_65 : vector<1000x128xf32>
    %mul3A_95 = arith.mulf %mul3A_94, %mul3A_94 : vector<1000x128xf32>
    %reduce_sum3A_96 = arith.constant dense<0.000000e+00> : vector<1000xf32>
    %reduce_sum3A_97 = vector.multi_reduction <add>, %mul3A_95, %reduce_sum3A_96 [1] : vector<1000x128xf32> to vector<1000xf32>
    %broadcast_in_dim3A_98 = vector.shape_cast %reduce_sum3A_97 : vector<1000xf32> to vector<1000x1xf32>
    %add3A_99 = arith.constant 1.000000e+00 : f32
    %add3A_100 = vector.broadcast %add3A_99 : f32 to vector<1000x1xf32>
    %add3A_101 = arith.addf %add3A_100, %broadcast_in_dim3A_98 : vector<1000x1xf32>
    %sqrt3A_102 = math.sqrt %add3A_101 : vector<1000x1xf32>
    %iota3A = tpu.iota {dimensions = array<i32: 1>} : vector<1000x128xi32>
    %eq3A = arith.constant 0 : i32
    %eq3A_103 = vector.broadcast %eq3A : i32 to vector<1000x128xi32>
    %eq3A_104 = arith.cmpi eq, %iota3A, %eq3A_103 : vector<1000x128xi32>
    %broadcast_in_dim3A_105 = vector.shape_cast %sqrt3A_102 : vector<1000x1xf32> to vector<1000x1xf32>
    %broadcast_in_dim3A_106 = vector.broadcast %broadcast_in_dim3A_105 : vector<1000x1xf32> to vector<1000x128xf32>
    %select_n3A = arith.select %eq3A_104, %broadcast_in_dim3A_106, %mul3A_94 : vector<1000x128xi1>, vector<1000x128xf32>
    %iota3A_107 = tpu.iota {dimensions = array<i32: 1>} : vector<1000x128xi32>
    %eq3A_108 = arith.constant 0 : i32
    %eq3A_109 = vector.broadcast %eq3A_108 : i32 to vector<1000x128xi32>
    %eq3A_110 = arith.cmpi eq, %iota3A_107, %eq3A_109 : vector<1000x128xi32>
    %jit3A_111 = arith.constant 0.000000e+00 : f32
    %broadcast_in_dim3A_112 = vector.broadcast %jit3A_111 : f32 to vector<1000x128xf32>
    %select_n3A_113 = arith.select %eq3A_110, %broadcast_in_dim3A_112, %select_n3A : vector<1000x128xi1>, vector<1000x128xf32>
    %mul3A_114 = arith.mulf %select_n3A_113, %select_n3A_113 : vector<1000x128xf32>
    %reduce_sum3A_115 = arith.constant dense<0.000000e+00> : vector<1000xf32>
    %reduce_sum3A_116 = vector.multi_reduction <add>, %mul3A_114, %reduce_sum3A_115 [1] : vector<1000x128xf32> to vector<1000xf32>
    %broadcast_in_dim3A_117 = vector.shape_cast %reduce_sum3A_116 : vector<1000xf32> to vector<1000x1xf32>
    %add3A_118 = arith.constant 9.99999996E-13 : f32
    %add3A_119 = vector.broadcast %add3A_118 : f32 to vector<1000x1xf32>
    %add3A_120 = arith.addf %broadcast_in_dim3A_117, %add3A_119 : vector<1000x1xf32>
    %sqrt3A_121 = math.sqrt %add3A_120 : vector<1000x1xf32>
    %jit3A_122 = arith.constant 1.000000e-07 : f32
    %max3A_123 = vector.broadcast %jit3A_122 : f32 to vector<1000x1xf32>
    %max3A_124 = arith.maximumf %max3A_123, %sqrt3A_121 : vector<1000x1xf32>
    %slice3A = vector.extract_strided_slice %select_n3A {offsets = [0, 0], sizes = [1000, 1], strides = [1, 1]} : vector<1000x128xf32> to vector<1000x1xf32>
    %div3A_125 = arith.constant 1.000000e+00 : f32
    %div3A_126 = vector.broadcast %div3A_125 : f32 to vector<1000x1xf32>
    %div3A_127 = arith.divf %slice3A, %div3A_126 : vector<1000x1xf32>
    %jit3A_128 = arith.constant 1.00000012 : f32
    %max3A_129 = vector.broadcast %jit3A_128 : f32 to vector<1000x1xf32>
    %max3A_130 = arith.maximumf %max3A_129, %div3A_127 : vector<1000x1xf32>
    %mul3A_131 = arith.mulf %max3A_130, %max3A_130 : vector<1000x1xf32>
    %sub3A_132 = arith.constant 1.000000e+00 : f32
    %sub3A_133 = vector.broadcast %sub3A_132 : f32 to vector<1000x1xf32>
    %sub3A_134 = arith.subf %mul3A_131, %sub3A_133 : vector<1000x1xf32>
    %sqrt3A_135 = math.sqrt %sub3A_134 : vector<1000x1xf32>
    %add3A_136 = arith.addf %max3A_130, %sqrt3A_135 : vector<1000x1xf32>
    %log3A_137 = math.log %add3A_136 : vector<1000x1xf32>
    %mul3A_138 = arith.constant 1.000000e+00 : f32
    %mul3A_139 = vector.broadcast %mul3A_138 : f32 to vector<1000x1xf32>
    %mul3A_140 = arith.mulf %mul3A_139, %log3A_137 : vector<1000x1xf32>
    %div3A_141 = arith.divf %mul3A_140, %max3A_124 : vector<1000x1xf32>
    %mul3A_142 = vector.broadcast %div3A_141 : vector<1000x1xf32> to vector<1000x128xf32>
    %mul3A_143 = arith.mulf %mul3A_142, %select_n3A_113 : vector<1000x128xf32>
    %get3A_144 = arith.constant 0 : index
    %get3A_145 = arith.constant 0 : index
    %get3A_146 = vector.load %arg2[%get3A_144, %get3A_145] : memref<1000x32xf32, #tpu.memory_space<vmem>>, vector<1000x32xf32>
    %reduce_sum3A_147 = arith.constant dense<0.000000e+00> : vector<1000xf32>
    %reduce_sum3A_148 = vector.multi_reduction <add>, %get3A_146, %reduce_sum3A_147 [1] : vector<1000x32xf32> to vector<1000xf32>
    %broadcast_in_dim3A_149 = vector.shape_cast %reduce_sum3A_148 : vector<1000xf32> to vector<1000x1xf32>
    %rsqrt3A = math.rsqrt %broadcast_in_dim3A_149 : vector<1000x1xf32>
    %mul3A_150 = vector.broadcast %rsqrt3A : vector<1000x1xf32> to vector<1000x128xf32>
    %mul3A_151 = arith.mulf %mul3A_143, %mul3A_150 : vector<1000x128xf32>
    %swap3A = arith.constant 0 : index
    %swap3A_152 = arith.constant 0 : index
    %swap3A_153 = vector.load %arg5[%swap3A, %swap3A_152] : memref<1000x128xf32, #tpu.memory_space<vmem>>, vector<1000x128xf32>
    tpu.vector_store %arg5[%swap3A, %swap3A_152], %mul3A_151 {strides = array<i32>} : memref<1000x128xf32, #tpu.memory_space<vmem>>, vector<1000x128xf32>,
    return
  }
  func.func @transform_0(%arg0: i32) -> (i32, i32) {
    %c0_i32 = arith.constant 0 : i32
    %c0_i32_0 = arith.constant 0 : i32
    return %arg0, %c0_i32 : i32, i32
  }
  func.func @transform_1(%arg0: i32) -> (i32, i32) {
    %c0_i32 = arith.constant 0 : i32
    %c0_i32_0 = arith.constant 0 : i32
    return %arg0, %c0_i32 : i32, i32
  }
  func.func @transform_2(%arg0: i32) -> (i32, i32) {
    %c0_i32 = arith.constant 0 : i32
    %c0_i32_0 = arith.constant 0 : i32
    %c0_i32_1 = arith.constant 0 : i32
    return %c0_i32, %c0_i32_0 : i32, i32
  }
  func.func @transform_3(%arg0: i32) -> (i32, i32) {
    %c0_i32 = arith.constant 0 : i32
    %c0_i32_0 = arith.constant 0 : i32
    %c0_i32_1 = arith.constant 0 : i32
    return %c0_i32, %c0_i32_0 : i32, i32
  }
  func.func @transform_4(%arg0: i32) -> (i32, i32) {
    %c0_i32 = arith.constant 0 : i32
    %c0_i32_0 = arith.constant 0 : i32
    return %arg0, %c0_i32 : i32, i32
  }
}

module attributes {stable_mosaic.version = 14 : i64} {
  func.func @_mid_body(%arg0: i32, %arg1: memref<2x1000x128xf32, #tpu.memory_space<vmem>>, %arg2: memref<1000x32xf32, #tpu.memory_space<vmem>>, %arg3: memref<128x128xf32, #tpu.memory_space<vmem>>, %arg4: memref<1x128xf32, #tpu.memory_space<vmem>>, %arg5: memref<1000x128xf32, #tpu.memory_space<vmem>>) attributes {dimension_semantics = [#tpu.dimension_semantics<arbitrary>], iteration_bounds = array<i64: 10>, scalar_prefetch = 0 : i64, scratch_operands = 0 : i64, tpu.core_type = #tpu.core_type<tc>, window_params = [{transform_indices = @transform_0, window_bounds = array<i64: 2, 1000, 128>}, {transform_indices = @transform_1, window_bounds = array<i64: 1000, 32>}, {pipeline_mode = #tpu.pipeline_mode<synchronous>, transform_indices = @transform_2, window_bounds = array<i64: 128, 128>}, {pipeline_mode = #tpu.pipeline_mode<synchronous>, transform_indices = @transform_3, window_bounds = array<i64: 1, 128>}, {transform_indices = @transform_4, window_bounds = array<i64: 1000, 128>}]} {
    %get3A = arith.constant 0 : index
    %get3A_0 = arith.constant 0 : index
    %get3A_1 = vector.load %arg2[%get3A, %get3A_0] : memref<1000x32xf32, #tpu.memory_space<vmem>>, vector<1000x32xf32>
    %reduce_sum3A = arith.constant dense<0.000000e+00> : vector<1000xf32>
    %reduce_sum3A_2 = vector.multi_reduction <add>, %get3A_1, %reduce_sum3A [1] : vector<1000x32xf32> to vector<1000xf32>
    %broadcast_in_dim3A = vector.shape_cast %reduce_sum3A_2 : vector<1000xf32> to vector<1000x1xf32>
    %rsqrt3A = math.rsqrt %broadcast_in_dim3A : vector<1000x1xf32>
    %get3A_3 = arith.constant 0 : index
    %get3A_4 = arith.constant 0 : index
    %get3A_5 = arith.constant 0 : index
    %get3A_6 = vector.load %arg1[%get3A_3, %get3A_4, %get3A_5] : memref<2x1000x128xf32, #tpu.memory_space<vmem>>, vector<2x1000x128xf32>
    %slice3A = vector.extract_strided_slice %get3A_6 {offsets = [0, 0, 0], sizes = [1, 1000, 128], strides = [1, 1, 1]} : vector<2x1000x128xf32> to vector<1x1000x128xf32>
    %squeeze3A = vector.shape_cast %slice3A : vector<1x1000x128xf32> to vector<1000x128xf32>
    %slice3A_7 = vector.extract_strided_slice %get3A_6 {offsets = [1, 0, 0], sizes = [1, 1000, 128], strides = [1, 1, 1]} : vector<2x1000x128xf32> to vector<1x1000x128xf32>
    %squeeze3A_8 = vector.shape_cast %slice3A_7 : vector<1x1000x128xf32> to vector<1000x128xf32>
    %add3A = arith.addf %squeeze3A, %squeeze3A_8 : vector<1000x128xf32>
    %mul3A = vector.broadcast %rsqrt3A : vector<1000x1xf32> to vector<1000x128xf32>
    %mul3A_9 = arith.mulf %add3A, %mul3A : vector<1000x128xf32>
    %max3A = arith.constant 0.000000e+00 : f32
    %max3A_10 = vector.broadcast %max3A : f32 to vector<1000x128xf32>
    %max3A_11 = arith.maximumf %mul3A_9, %max3A_10 : vector<1000x128xf32>
    %mul3A_12 = arith.mulf %max3A_11, %max3A_11 : vector<1000x128xf32>
    %reduce_sum3A_13 = arith.constant dense<0.000000e+00> : vector<1000xf32>
    %reduce_sum3A_14 = vector.multi_reduction <add>, %mul3A_12, %reduce_sum3A_13 [1] : vector<1000x128xf32> to vector<1000xf32>
    %broadcast_in_dim3A_15 = vector.shape_cast %reduce_sum3A_14 : vector<1000xf32> to vector<1000x1xf32>
    %add3A_16 = arith.constant 9.99999996E-13 : f32
    %add3A_17 = vector.broadcast %add3A_16 : f32 to vector<1000x1xf32>
    %add3A_18 = arith.addf %broadcast_in_dim3A_15, %add3A_17 : vector<1000x1xf32>
    %sqrt3A = math.sqrt %add3A_18 : vector<1000x1xf32>
    %jit3A = arith.constant 1.000000e-07 : f32
    %max3A_19 = vector.broadcast %jit3A : f32 to vector<1000x1xf32>
    %max3A_20 = arith.maximumf %max3A_19, %sqrt3A : vector<1000x1xf32>
    %div3A = arith.constant 1.04880881 : f32
    %div3A_21 = vector.broadcast %div3A : f32 to vector<1000x1xf32>
    %div3A_22 = arith.divf %max3A_20, %div3A_21 : vector<1000x1xf32>
    %exp3A = math.exp %div3A_22 : vector<1000x1xf32>
    %neg3A = arith.constant 0.000000e+00 : f32
    %neg3A_23 = vector.broadcast %neg3A : f32 to vector<1000x1xf32>
    %neg3A_24 = arith.subf %neg3A_23, %div3A_22 : vector<1000x1xf32>
    %exp3A_25 = math.exp %neg3A_24 : vector<1000x1xf32>
    %sub3A = arith.subf %exp3A, %exp3A_25 : vector<1000x1xf32>
    %mul3A_26 = arith.constant 5.000000e-01 : f32
    %mul3A_27 = vector.broadcast %mul3A_26 : f32 to vector<1000x1xf32>
    %mul3A_28 = arith.mulf %mul3A_27, %sub3A : vector<1000x1xf32>
    %mul3A_29 = arith.constant 1.04880881 : f32
    %mul3A_30 = vector.broadcast %mul3A_29 : f32 to vector<1000x1xf32>
    %mul3A_31 = arith.mulf %mul3A_30, %mul3A_28 : vector<1000x1xf32>
    %div3A_32 = arith.divf %mul3A_31, %max3A_20 : vector<1000x1xf32>
    %mul3A_33 = vector.broadcast %div3A_32 : vector<1000x1xf32> to vector<1000x128xf32>
    %mul3A_34 = arith.mulf %mul3A_33, %max3A_11 : vector<1000x128xf32>
    %mul3A_35 = arith.mulf %mul3A_34, %mul3A_34 : vector<1000x128xf32>
    %reduce_sum3A_36 = arith.constant dense<0.000000e+00> : vector<1000xf32>
    %reduce_sum3A_37 = vector.multi_reduction <add>, %mul3A_35, %reduce_sum3A_36 [1] : vector<1000x128xf32> to vector<1000xf32>
    %broadcast_in_dim3A_38 = vector.shape_cast %reduce_sum3A_37 : vector<1000xf32> to vector<1000x1xf32>
    %add3A_39 = arith.constant 1.100000e+00 : f32
    %add3A_40 = vector.broadcast %add3A_39 : f32 to vector<1000x1xf32>
    %add3A_41 = arith.addf %add3A_40, %broadcast_in_dim3A_38 : vector<1000x1xf32>
    %sqrt3A_42 = math.sqrt %add3A_41 : vector<1000x1xf32>
    %iota3A = tpu.iota {dimensions = array<i32: 1>} : vector<1000x128xi32>
    %eq3A = arith.constant 0 : i32
    %eq3A_43 = vector.broadcast %eq3A : i32 to vector<1000x128xi32>
    %eq3A_44 = arith.cmpi eq, %iota3A, %eq3A_43 : vector<1000x128xi32>
    %broadcast_in_dim3A_45 = vector.shape_cast %sqrt3A_42 : vector<1000x1xf32> to vector<1000x1xf32>
    %broadcast_in_dim3A_46 = vector.broadcast %broadcast_in_dim3A_45 : vector<1000x1xf32> to vector<1000x128xf32>
    %select_n3A = arith.select %eq3A_44, %broadcast_in_dim3A_46, %mul3A_34 : vector<1000x128xi1>, vector<1000x128xf32>
    %iota3A_47 = tpu.iota {dimensions = array<i32: 1>} : vector<1000x128xi32>
    %eq3A_48 = arith.constant 0 : i32
    %eq3A_49 = vector.broadcast %eq3A_48 : i32 to vector<1000x128xi32>
    %eq3A_50 = arith.cmpi eq, %iota3A_47, %eq3A_49 : vector<1000x128xi32>
    %jit3A_51 = arith.constant 0.000000e+00 : f32
    %broadcast_in_dim3A_52 = vector.broadcast %jit3A_51 : f32 to vector<1000x128xf32>
    %select_n3A_53 = arith.select %eq3A_50, %broadcast_in_dim3A_52, %select_n3A : vector<1000x128xi1>, vector<1000x128xf32>
    %mul3A_54 = arith.mulf %select_n3A_53, %select_n3A_53 : vector<1000x128xf32>
    %reduce_sum3A_55 = arith.constant dense<0.000000e+00> : vector<1000xf32>
    %reduce_sum3A_56 = vector.multi_reduction <add>, %mul3A_54, %reduce_sum3A_55 [1] : vector<1000x128xf32> to vector<1000xf32>
    %broadcast_in_dim3A_57 = vector.shape_cast %reduce_sum3A_56 : vector<1000xf32> to vector<1000x1xf32>
    %add3A_58 = arith.constant 9.99999996E-13 : f32
    %add3A_59 = vector.broadcast %add3A_58 : f32 to vector<1000x1xf32>
    %add3A_60 = arith.addf %broadcast_in_dim3A_57, %add3A_59 : vector<1000x1xf32>
    %sqrt3A_61 = math.sqrt %add3A_60 : vector<1000x1xf32>
    %jit3A_62 = arith.constant 1.000000e-07 : f32
    %max3A_63 = vector.broadcast %jit3A_62 : f32 to vector<1000x1xf32>
    %max3A_64 = arith.maximumf %max3A_63, %sqrt3A_61 : vector<1000x1xf32>
    %slice3A_65 = vector.extract_strided_slice %select_n3A {offsets = [0, 0], sizes = [1000, 1], strides = [1, 1]} : vector<1000x128xf32> to vector<1000x1xf32>
    %div3A_66 = arith.constant 1.04880881 : f32
    %div3A_67 = vector.broadcast %div3A_66 : f32 to vector<1000x1xf32>
    %div3A_68 = arith.divf %slice3A_65, %div3A_67 : vector<1000x1xf32>
    %jit3A_69 = arith.constant 1.00000012 : f32
    %max3A_70 = vector.broadcast %jit3A_69 : f32 to vector<1000x1xf32>
    %max3A_71 = arith.maximumf %max3A_70, %div3A_68 : vector<1000x1xf32>
    %mul3A_72 = arith.mulf %max3A_71, %max3A_71 : vector<1000x1xf32>
    %sub3A_73 = arith.constant 1.000000e+00 : f32
    %sub3A_74 = vector.broadcast %sub3A_73 : f32 to vector<1000x1xf32>
    %sub3A_75 = arith.subf %mul3A_72, %sub3A_74 : vector<1000x1xf32>
    %sqrt3A_76 = math.sqrt %sub3A_75 : vector<1000x1xf32>
    %add3A_77 = arith.addf %max3A_71, %sqrt3A_76 : vector<1000x1xf32>
    %log3A = math.log %add3A_77 : vector<1000x1xf32>
    %mul3A_78 = arith.constant 1.04880881 : f32
    %mul3A_79 = vector.broadcast %mul3A_78 : f32 to vector<1000x1xf32>
    %mul3A_80 = arith.mulf %mul3A_79, %log3A : vector<1000x1xf32>
    %div3A_81 = arith.divf %mul3A_80, %max3A_64 : vector<1000x1xf32>
    %mul3A_82 = vector.broadcast %div3A_81 : vector<1000x1xf32> to vector<1000x128xf32>
    %mul3A_83 = arith.mulf %mul3A_82, %select_n3A_53 : vector<1000x128xf32>
    %get3A_84 = arith.constant 0 : index
    %get3A_85 = arith.constant 0 : index
    %get3A_86 = vector.load %arg3[%get3A_84, %get3A_85] : memref<128x128xf32, #tpu.memory_space<vmem>>, vector<128x128xf32>
    %dot_general3A = arith.constant dense<0.000000e+00> : vector<1000x128xf32>
    %dot_general3A_87 = tpu.matmul %mul3A_83, %get3A_86, %dot_general3A {dimension_numbers = #tpu.dot_dimension_numbers<[1], [0], [0], [1], [0, 0, 1, 1], [], []>, transpose_lhs_hint = false} : vector<1000x128xf32>, vector<128x128xf32>, vector<1000x128xf32> -> vector<1000x128xf32>
    %get3A_88 = arith.constant 0 : index
    %get3A_89 = arith.constant 0 : index
    %get3A_90 = vector.load %arg4[%get3A_88, %get3A_89] : memref<1x128xf32, #tpu.memory_space<vmem>>, vector<1x128xf32>
    %add3A_91 = vector.broadcast %get3A_90 : vector<1x128xf32> to vector<1000x128xf32>
    %add3A_92 = arith.addf %dot_general3A_87, %add3A_91 : vector<1000x128xf32>
    %mul3A_93 = arith.mulf %add3A_92, %add3A_92 : vector<1000x128xf32>
    %reduce_sum3A_94 = arith.constant dense<0.000000e+00> : vector<1000xf32>
    %reduce_sum3A_95 = vector.multi_reduction <add>, %mul3A_93, %reduce_sum3A_94 [1] : vector<1000x128xf32> to vector<1000xf32>
    %broadcast_in_dim3A_96 = vector.shape_cast %reduce_sum3A_95 : vector<1000xf32> to vector<1000x1xf32>
    %add3A_97 = arith.constant 9.99999996E-13 : f32
    %add3A_98 = vector.broadcast %add3A_97 : f32 to vector<1000x1xf32>
    %add3A_99 = arith.addf %broadcast_in_dim3A_96, %add3A_98 : vector<1000x1xf32>
    %sqrt3A_100 = math.sqrt %add3A_99 : vector<1000x1xf32>
    %jit3A_101 = arith.constant 1.000000e-07 : f32
    %max3A_102 = vector.broadcast %jit3A_101 : f32 to vector<1000x1xf32>
    %max3A_103 = arith.maximumf %max3A_102, %sqrt3A_100 : vector<1000x1xf32>
    %div3A_104 = arith.constant 1.04880881 : f32
    %div3A_105 = vector.broadcast %div3A_104 : f32 to vector<1000x1xf32>
    %div3A_106 = arith.divf %max3A_103, %div3A_105 : vector<1000x1xf32>
    %exp3A_107 = math.exp %div3A_106 : vector<1000x1xf32>
    %neg3A_108 = arith.constant 0.000000e+00 : f32
    %neg3A_109 = vector.broadcast %neg3A_108 : f32 to vector<1000x1xf32>
    %neg3A_110 = arith.subf %neg3A_109, %div3A_106 : vector<1000x1xf32>
    %exp3A_111 = math.exp %neg3A_110 : vector<1000x1xf32>
    %sub3A_112 = arith.subf %exp3A_107, %exp3A_111 : vector<1000x1xf32>
    %mul3A_113 = arith.constant 5.000000e-01 : f32
    %mul3A_114 = vector.broadcast %mul3A_113 : f32 to vector<1000x1xf32>
    %mul3A_115 = arith.mulf %mul3A_114, %sub3A_112 : vector<1000x1xf32>
    %mul3A_116 = arith.constant 1.04880881 : f32
    %mul3A_117 = vector.broadcast %mul3A_116 : f32 to vector<1000x1xf32>
    %mul3A_118 = arith.mulf %mul3A_117, %mul3A_115 : vector<1000x1xf32>
    %div3A_119 = arith.divf %mul3A_118, %max3A_103 : vector<1000x1xf32>
    %mul3A_120 = vector.broadcast %div3A_119 : vector<1000x1xf32> to vector<1000x128xf32>
    %mul3A_121 = arith.mulf %mul3A_120, %add3A_92 : vector<1000x128xf32>
    %mul3A_122 = arith.mulf %mul3A_121, %mul3A_121 : vector<1000x128xf32>
    %reduce_sum3A_123 = arith.constant dense<0.000000e+00> : vector<1000xf32>
    %reduce_sum3A_124 = vector.multi_reduction <add>, %mul3A_122, %reduce_sum3A_123 [1] : vector<1000x128xf32> to vector<1000xf32>
    %broadcast_in_dim3A_125 = vector.shape_cast %reduce_sum3A_124 : vector<1000xf32> to vector<1000x1xf32>
    %add3A_126 = arith.constant 1.100000e+00 : f32
    %add3A_127 = vector.broadcast %add3A_126 : f32 to vector<1000x1xf32>
    %add3A_128 = arith.addf %add3A_127, %broadcast_in_dim3A_125 : vector<1000x1xf32>
    %sqrt3A_129 = math.sqrt %add3A_128 : vector<1000x1xf32>
    %iota3A_130 = tpu.iota {dimensions = array<i32: 1>} : vector<1000x128xi32>
    %eq3A_131 = arith.constant 0 : i32
    %eq3A_132 = vector.broadcast %eq3A_131 : i32 to vector<1000x128xi32>
    %eq3A_133 = arith.cmpi eq, %iota3A_130, %eq3A_132 : vector<1000x128xi32>
    %broadcast_in_dim3A_134 = vector.shape_cast %sqrt3A_129 : vector<1000x1xf32> to vector<1000x1xf32>
    %broadcast_in_dim3A_135 = vector.broadcast %broadcast_in_dim3A_134 : vector<1000x1xf32> to vector<1000x128xf32>
    %select_n3A_136 = arith.select %eq3A_133, %broadcast_in_dim3A_135, %mul3A_121 : vector<1000x128xi1>, vector<1000x128xf32>
    %iota3A_137 = tpu.iota {dimensions = array<i32: 1>} : vector<1000x128xi32>
    %eq3A_138 = arith.constant 0 : i32
    %eq3A_139 = vector.broadcast %eq3A_138 : i32 to vector<1000x128xi32>
    %eq3A_140 = arith.cmpi eq, %iota3A_137, %eq3A_139 : vector<1000x128xi32>
    %jit3A_141 = arith.constant 0.000000e+00 : f32
    %broadcast_in_dim3A_142 = vector.broadcast %jit3A_141 : f32 to vector<1000x128xf32>
    %select_n3A_143 = arith.select %eq3A_140, %broadcast_in_dim3A_142, %select_n3A_136 : vector<1000x128xi1>, vector<1000x128xf32>
    %mul3A_144 = arith.mulf %select_n3A_143, %select_n3A_143 : vector<1000x128xf32>
    %reduce_sum3A_145 = arith.constant dense<0.000000e+00> : vector<1000xf32>
    %reduce_sum3A_146 = vector.multi_reduction <add>, %mul3A_144, %reduce_sum3A_145 [1] : vector<1000x128xf32> to vector<1000xf32>
    %broadcast_in_dim3A_147 = vector.shape_cast %reduce_sum3A_146 : vector<1000xf32> to vector<1000x1xf32>
    %add3A_148 = arith.constant 9.99999996E-13 : f32
    %add3A_149 = vector.broadcast %add3A_148 : f32 to vector<1000x1xf32>
    %add3A_150 = arith.addf %broadcast_in_dim3A_147, %add3A_149 : vector<1000x1xf32>
    %sqrt3A_151 = math.sqrt %add3A_150 : vector<1000x1xf32>
    %jit3A_152 = arith.constant 1.000000e-07 : f32
    %max3A_153 = vector.broadcast %jit3A_152 : f32 to vector<1000x1xf32>
    %max3A_154 = arith.maximumf %max3A_153, %sqrt3A_151 : vector<1000x1xf32>
    %slice3A_155 = vector.extract_strided_slice %select_n3A_136 {offsets = [0, 0], sizes = [1000, 1], strides = [1, 1]} : vector<1000x128xf32> to vector<1000x1xf32>
    %div3A_156 = arith.constant 1.04880881 : f32
    %div3A_157 = vector.broadcast %div3A_156 : f32 to vector<1000x1xf32>
    %div3A_158 = arith.divf %slice3A_155, %div3A_157 : vector<1000x1xf32>
    %jit3A_159 = arith.constant 1.00000012 : f32
    %max3A_160 = vector.broadcast %jit3A_159 : f32 to vector<1000x1xf32>
    %max3A_161 = arith.maximumf %max3A_160, %div3A_158 : vector<1000x1xf32>
    %mul3A_162 = arith.mulf %max3A_161, %max3A_161 : vector<1000x1xf32>
    %sub3A_163 = arith.constant 1.000000e+00 : f32
    %sub3A_164 = vector.broadcast %sub3A_163 : f32 to vector<1000x1xf32>
    %sub3A_165 = arith.subf %mul3A_162, %sub3A_164 : vector<1000x1xf32>
    %sqrt3A_166 = math.sqrt %sub3A_165 : vector<1000x1xf32>
    %add3A_167 = arith.addf %max3A_161, %sqrt3A_166 : vector<1000x1xf32>
    %log3A_168 = math.log %add3A_167 : vector<1000x1xf32>
    %mul3A_169 = arith.constant 1.04880881 : f32
    %mul3A_170 = vector.broadcast %mul3A_169 : f32 to vector<1000x1xf32>
    %mul3A_171 = arith.mulf %mul3A_170, %log3A_168 : vector<1000x1xf32>
    %div3A_172 = arith.divf %mul3A_171, %max3A_154 : vector<1000x1xf32>
    %mul3A_173 = vector.broadcast %div3A_172 : vector<1000x1xf32> to vector<1000x128xf32>
    %mul3A_174 = arith.mulf %mul3A_173, %select_n3A_143 : vector<1000x128xf32>
    %mul3A_175 = vector.broadcast %rsqrt3A : vector<1000x1xf32> to vector<1000x128xf32>
    %mul3A_176 = arith.mulf %mul3A_174, %mul3A_175 : vector<1000x128xf32>
    %swap3A = arith.constant 0 : index
    %swap3A_177 = arith.constant 0 : index
    %swap3A_178 = vector.load %arg5[%swap3A, %swap3A_177] : memref<1000x128xf32, #tpu.memory_space<vmem>>, vector<1000x128xf32>
    tpu.vector_store %arg5[%swap3A, %swap3A_177], %mul3A_176 {strides = array<i32>} : memref<1000x128xf32, #tpu.memory_space<vmem>>, vector<1000x128xf32>,
    return
  }
  func.func @transform_0(%arg0: i32) -> (i32, i32, i32) {
    %c0_i32 = arith.constant 0 : i32
    %c0_i32_0 = arith.constant 0 : i32
    %c0_i32_1 = arith.constant 0 : i32
    return %c0_i32, %arg0, %c0_i32_0 : i32, i32, i32
  }
  func.func @transform_1(%arg0: i32) -> (i32, i32) {
    %c0_i32 = arith.constant 0 : i32
    %c0_i32_0 = arith.constant 0 : i32
    return %arg0, %c0_i32 : i32, i32
  }
  func.func @transform_2(%arg0: i32) -> (i32, i32) {
    %c0_i32 = arith.constant 0 : i32
    %c0_i32_0 = arith.constant 0 : i32
    %c0_i32_1 = arith.constant 0 : i32
    return %c0_i32, %c0_i32_0 : i32, i32
  }
  func.func @transform_3(%arg0: i32) -> (i32, i32) {
    %c0_i32 = arith.constant 0 : i32
    %c0_i32_0 = arith.constant 0 : i32
    %c0_i32_1 = arith.constant 0 : i32
    return %c0_i32, %c0_i32_0 : i32, i32
  }
  func.func @transform_4(%arg0: i32) -> (i32, i32) {
    %c0_i32 = arith.constant 0 : i32
    %c0_i32_0 = arith.constant 0 : i32
    return %arg0, %c0_i32 : i32, i32
  }
}

module attributes {stable_mosaic.version = 14 : i64} {
  func.func @_post_body(%arg0: i32, %arg1: memref<2x1000x128xf32, #tpu.memory_space<vmem>>, %arg2: memref<1000x32xf32, #tpu.memory_space<vmem>>, %arg3: memref<1000x128xf32, #tpu.memory_space<vmem>>) attributes {dimension_semantics = [#tpu.dimension_semantics<arbitrary>], iteration_bounds = array<i64: 10>, scalar_prefetch = 0 : i64, scratch_operands = 0 : i64, tpu.core_type = #tpu.core_type<tc>, window_params = [{transform_indices = @transform_0, window_bounds = array<i64: 2, 1000, 128>}, {transform_indices = @transform_1, window_bounds = array<i64: 1000, 32>}, {transform_indices = @transform_2, window_bounds = array<i64: 1000, 128>}]} {
    %get3A = arith.constant 0 : index
    %get3A_0 = arith.constant 0 : index
    %get3A_1 = vector.load %arg2[%get3A, %get3A_0] : memref<1000x32xf32, #tpu.memory_space<vmem>>, vector<1000x32xf32>
    %reduce_sum3A = arith.constant dense<0.000000e+00> : vector<1000xf32>
    %reduce_sum3A_2 = vector.multi_reduction <add>, %get3A_1, %reduce_sum3A [1] : vector<1000x32xf32> to vector<1000xf32>
    %broadcast_in_dim3A = vector.shape_cast %reduce_sum3A_2 : vector<1000xf32> to vector<1000x1xf32>
    %rsqrt3A = math.rsqrt %broadcast_in_dim3A : vector<1000x1xf32>
    %get3A_3 = arith.constant 0 : index
    %get3A_4 = arith.constant 0 : index
    %get3A_5 = arith.constant 0 : index
    %get3A_6 = vector.load %arg1[%get3A_3, %get3A_4, %get3A_5] : memref<2x1000x128xf32, #tpu.memory_space<vmem>>, vector<2x1000x128xf32>
    %slice3A = vector.extract_strided_slice %get3A_6 {offsets = [0, 0, 0], sizes = [1, 1000, 128], strides = [1, 1, 1]} : vector<2x1000x128xf32> to vector<1x1000x128xf32>
    %squeeze3A = vector.shape_cast %slice3A : vector<1x1000x128xf32> to vector<1000x128xf32>
    %slice3A_7 = vector.extract_strided_slice %get3A_6 {offsets = [1, 0, 0], sizes = [1, 1000, 128], strides = [1, 1, 1]} : vector<2x1000x128xf32> to vector<1x1000x128xf32>
    %squeeze3A_8 = vector.shape_cast %slice3A_7 : vector<1x1000x128xf32> to vector<1000x128xf32>
    %add3A = arith.addf %squeeze3A, %squeeze3A_8 : vector<1000x128xf32>
    %mul3A = vector.broadcast %rsqrt3A : vector<1000x1xf32> to vector<1000x128xf32>
    %mul3A_9 = arith.mulf %add3A, %mul3A : vector<1000x128xf32>
    %max3A = arith.constant 0.000000e+00 : f32
    %max3A_10 = vector.broadcast %max3A : f32 to vector<1000x128xf32>
    %max3A_11 = arith.maximumf %mul3A_9, %max3A_10 : vector<1000x128xf32>
    %mul3A_12 = arith.mulf %max3A_11, %max3A_11 : vector<1000x128xf32>
    %reduce_sum3A_13 = arith.constant dense<0.000000e+00> : vector<1000xf32>
    %reduce_sum3A_14 = vector.multi_reduction <add>, %mul3A_12, %reduce_sum3A_13 [1] : vector<1000x128xf32> to vector<1000xf32>
    %broadcast_in_dim3A_15 = vector.shape_cast %reduce_sum3A_14 : vector<1000xf32> to vector<1000x1xf32>
    %add3A_16 = arith.constant 9.99999996E-13 : f32
    %add3A_17 = vector.broadcast %add3A_16 : f32 to vector<1000x1xf32>
    %add3A_18 = arith.addf %broadcast_in_dim3A_15, %add3A_17 : vector<1000x1xf32>
    %sqrt3A = math.sqrt %add3A_18 : vector<1000x1xf32>
    %jit3A = arith.constant 1.000000e-07 : f32
    %max3A_19 = vector.broadcast %jit3A : f32 to vector<1000x1xf32>
    %max3A_20 = arith.maximumf %max3A_19, %sqrt3A : vector<1000x1xf32>
    %div3A = arith.constant 1.09544516 : f32
    %div3A_21 = vector.broadcast %div3A : f32 to vector<1000x1xf32>
    %div3A_22 = arith.divf %max3A_20, %div3A_21 : vector<1000x1xf32>
    %exp3A = math.exp %div3A_22 : vector<1000x1xf32>
    %neg3A = arith.constant 0.000000e+00 : f32
    %neg3A_23 = vector.broadcast %neg3A : f32 to vector<1000x1xf32>
    %neg3A_24 = arith.subf %neg3A_23, %div3A_22 : vector<1000x1xf32>
    %exp3A_25 = math.exp %neg3A_24 : vector<1000x1xf32>
    %sub3A = arith.subf %exp3A, %exp3A_25 : vector<1000x1xf32>
    %mul3A_26 = arith.constant 5.000000e-01 : f32
    %mul3A_27 = vector.broadcast %mul3A_26 : f32 to vector<1000x1xf32>
    %mul3A_28 = arith.mulf %mul3A_27, %sub3A : vector<1000x1xf32>
    %mul3A_29 = arith.constant 1.09544516 : f32
    %mul3A_30 = vector.broadcast %mul3A_29 : f32 to vector<1000x1xf32>
    %mul3A_31 = arith.mulf %mul3A_30, %mul3A_28 : vector<1000x1xf32>
    %div3A_32 = arith.divf %mul3A_31, %max3A_20 : vector<1000x1xf32>
    %mul3A_33 = vector.broadcast %div3A_32 : vector<1000x1xf32> to vector<1000x128xf32>
    %mul3A_34 = arith.mulf %mul3A_33, %max3A_11 : vector<1000x128xf32>
    %mul3A_35 = arith.mulf %mul3A_34, %mul3A_34 : vector<1000x128xf32>
    %reduce_sum3A_36 = arith.constant dense<0.000000e+00> : vector<1000xf32>
    %reduce_sum3A_37 = vector.multi_reduction <add>, %mul3A_35, %reduce_sum3A_36 [1] : vector<1000x128xf32> to vector<1000xf32>
    %broadcast_in_dim3A_38 = vector.shape_cast %reduce_sum3A_37 : vector<1000xf32> to vector<1000x1xf32>
    %add3A_39 = arith.constant 1.200000e+00 : f32
    %add3A_40 = vector.broadcast %add3A_39 : f32 to vector<1000x1xf32>
    %add3A_41 = arith.addf %add3A_40, %broadcast_in_dim3A_38 : vector<1000x1xf32>
    %sqrt3A_42 = math.sqrt %add3A_41 : vector<1000x1xf32>
    %iota3A = tpu.iota {dimensions = array<i32: 1>} : vector<1000x128xi32>
    %eq3A = arith.constant 0 : i32
    %eq3A_43 = vector.broadcast %eq3A : i32 to vector<1000x128xi32>
    %eq3A_44 = arith.cmpi eq, %iota3A, %eq3A_43 : vector<1000x128xi32>
    %broadcast_in_dim3A_45 = vector.shape_cast %sqrt3A_42 : vector<1000x1xf32> to vector<1000x1xf32>
    %broadcast_in_dim3A_46 = vector.broadcast %broadcast_in_dim3A_45 : vector<1000x1xf32> to vector<1000x128xf32>
    %select_n3A = arith.select %eq3A_44, %broadcast_in_dim3A_46, %mul3A_34 : vector<1000x128xi1>, vector<1000x128xf32>
    %swap3A = arith.constant 0 : index
    %swap3A_47 = arith.constant 0 : index
    %swap3A_48 = vector.load %arg3[%swap3A, %swap3A_47] : memref<1000x128xf32, #tpu.memory_space<vmem>>, vector<1000x128xf32>
    tpu.vector_store %arg3[%swap3A, %swap3A_47], %select_n3A {strides = array<i32>} : memref<1000x128xf32, #tpu.memory_space<vmem>>, vector<1000x128xf32>,
    return
  }
  func.func @transform_0(%arg0: i32) -> (i32, i32, i32) {
    %c0_i32 = arith.constant 0 : i32
    %c0_i32_0 = arith.constant 0 : i32
    %c0_i32_1 = arith.constant 0 : i32
    return %c0_i32, %arg0, %c0_i32_0 : i32, i32, i32
  }
  func.func @transform_1(%arg0: i32) -> (i32, i32) {
    %c0_i32 = arith.constant 0 : i32
    %c0_i32_0 = arith.constant 0 : i32
    return %arg0, %c0_i32 : i32, i32
  }
  func.func @transform_2(%arg0: i32) -> (i32, i32) {
    %c0_i32 = arith.constant 0 : i32
    %c0_i32_0 = arith.constant 0 : i32
    return %arg0, %c0_i32 : i32, i32
  }
}

</mosaic_0001>

<sc_bundles>
// kernel: kernel.11.cloned.1.call-start
scs
__scs_entry_jumppad:
0x0: {  	(pc) =	sbr.rel $0x88, $3  }
0x1: {  	(tag) =	ssettag $0x0;
	lr =	simm.s32 $0x1  }
0x2: {  	[smem:$0x3F9B] =	sst lr;
	_ =	strace $0xD0000000  }
0x3: {  	_ = 	snop  }
0x4: {  	_ = 	snop  }
0x5: {  	_ = 	snop  }
0x6: {  	_ = 	snop  }
0x7: {  	_ = 	snop  }
__scs_overlays_trampoline_lowered:
0x8: {  	[smem:$0x3FAA] =	sst s0  }
0x9: {  	[smem:$0x3FAB] =	sst s1  }
0xa: {  	[smem:$0x3FAC] =	sst s2  }
0xb: {  	[smem:$0x3FAD] =	sst s3  }
0xc: {  	[smem:$0x3FAE] =	sst s4  }
0xd: {  	[smem:$0x3FAF] =	sst s5  }
0xe: {  	[smem:$0x3FB0] =	sst s6  }
0xf: {  	[smem:$0x3FB1] =	sst s7  }
0x10: {  	[smem:$0x3FB2] =	sst s8  }
0x11: {  	[smem:$0x3FB3] =	sst s9;
	s0 =	simm.s32 @!p0 $0x0  }
0x12: {  	s1 =	sld [smem:$0x3F99];
	s0 =	simm.s32 @p0 $0x1  }
0x13: {  	[smem:$0x3FB4] =	sst s0;
	s0 =	simm.s32 @!p1 $0x0  }
0x14: {  	s2 =	sld [smem:$0x3F98];
	s0 =	simm.s32 @p1 $0x1  }
0x15: {  	[smem:$0x3FB5] =	sst s0;
	s0 =	simm.s32 @!p2 $0x0  }
0x16: {  	s3 =	sld [smem:$0x3FDB];
	s0 =	simm.s32 @p2 $0x1  }
0x17: {  	s4 =	simm.s32 $0x1BF5;
	[smem:$0x3FB7] =	sst s0  }
0x18: {  	s0 =	sld [smem:$0x3F9A];
	_ =	swait.ge [sflag:s4], $0x0  }
0x19: {  	s7 =	sld [smem:$0x3F9B]  }
0x1a: {  	s8 =	sadd.s32 $0xFFFFE003, lr  }
0x1b: {  	s9 =	sadd.s32 $0xFFFFFEF7, lr;
	s5 =	simm.s32 $0xFFFFFFFF;
	p2 =	slt.u32 s8, $0xFFFFF086  }
0x1c: {  	p1 =	slt.u32 s9, $0xF7A;
	s5 =	simm.s32 @!p2 $0x0  }
0x1d: {  	s5 =	simm.s32 @p1 $0x1;
	p0 =	seq.s32 s7, s2  }
0x1e: {  	s7 =	smul.u32 @!p0 $0xF7A, s2;
	p2 =	seq.s32 @!p0 s5, $0x0  }
0x1f: {  	s9 =	smul.u32 $0xF7A, s1;
	s8 =	simm.s32 @!p0 $0x1BF5;
	p2 =	por !p2, p0  }
0x20: {  	[sflag:s8] =	ssyncset.s32 @!p0 $0xFFFFF086;
	s6 =	sadd.s32 @!p0 s3, s7;
	s7 =	simm.s32 @!p0 $0x108  }
0x21: {  	s3 =	sadd.s32 s3, s9;
	s6 =	sadd.s32 @!p0 $0x88, s6;
	s7 =	simm.s32 @p2 $0x1082  }
0x22: {  	[simem:s7], [sflag:s8] =	dma.local @!p0 [hbm:s6], $0xF7A  }
0x23: {  	s9 =	sor.u32 $0xD0000000, s2;
	s6 =	simm.s32 $0x108;
	_ =	swait.ge @!p0 [sflag:s8], $0x0  }
0x24: {  	s3 =	sadd.s32 $0x88, s3;
	s6 =	simm.s32 @!p1 $0x1082;
	[sflag:s4] =	ssyncset.s32 $0xFFFFF086  }
0x25: {  	[simem:s6], [sflag:s4] =	dma.local [hbm:s3], $0xF7A  }
0x26: {  	[smem:$0x3F9B] =	sst s1;
	(tag) =	ssettag s2;
	_ =	strace s9  }
0x27: {  	s1 =	sld [smem:$0x3FAB]  }
0x28: {  	s2 =	sld [smem:$0x3FAC]  }
0x29: {  	s4 =	sld [smem:$0x3FAE]  }
0x2a: {  	p0 =	seq.s32 s5, $0x0;
	s5 =	sld [smem:$0x3FAF]  }
0x2b: {  	s6 =	sld [smem:$0x3FB0]  }
0x2c: {  	s7 =	sld [smem:$0x3FB1]  }
0x2d: {  	s3 =	simm.s32 $0x108;
	s8 =	sld [smem:$0x3FB2]  }
0x2e: {  	s3 =	simm.s32 @!p0 $0x1082;
	s9 =	sld [smem:$0x3FB3]  }
0x2f: {  	lr =	sadd.s32 s0, s3;
	s0 =	sld [smem:$0x3FAA]  }
0x30: {  	s3 =	sld [smem:$0x3FAD]  }
0x31: {  	[smem:$0x3FB6] =	sst s10  }
0x32: {  	s10 =	sld [smem:$0x3FB4];
	_ =	sdelay $0x3  }
0x33: {  	p0 =	seq.s32 s10, $0x1;
	s10 =	sld [smem:$0x3FB6];
	_ =	sdelay $0x3  }
0x34: {  	[smem:$0x3FB6] =	sst s10  }
0x35: {  	s10 =	sld [smem:$0x3FB5];
	_ =	sdelay $0x3  }
0x36: {  	p1 =	seq.s32 s10, $0x1;
	s10 =	sld [smem:$0x3FB6];
	_ =	sdelay $0x3  }
0x37: {  	[smem:$0x3FB6] =	sst s10  }
0x38: {  	s10 =	sld [smem:$0x3FB7]  }
0x39: {  	_ = 	snop;
	(pc) =	sbr.ind lr, $3  }
0x3a: {  	_ = 	snop  }
0x3b: {  	_ = 	snop  }
0x3c: {  	p2 =	seq.s32 s10, $0x1;
	s10 =	sld [smem:$0x3FB6]  }
0x3d: {  	_ =	shalt  }
0x3e: {  	_ =	shalt  }
0x3f: {  	_ =	shalt  }
0x40: {  	_ =	shalt  }
0x41: {  	_ =	shalt  }
0x42: {  	_ =	shalt  }
0x43: {  	_ =	shalt  }
0x44: {  	_ =	shalt  }
0x45: {  	_ =	shalt  }
0x46: {  	_ =	shalt  }
0x47: {  	_ =	shalt  }
0x48: {  	_ =	shalt  }
0x49: {  	_ =	shalt  }
0x4a: {  	_ =	shalt  }
0x4b: {  	_ =	shalt  }
0x4c: {  	_ =	shalt  }
0x4d: {  	_ =	shalt  }
0x4e: {  	_ =	shalt  }
0x4f: {  	_ =	shalt  }
0x50: {  	_ =	shalt  }
0x51: {  	_ =	shalt  }
0x52: {  	_ =	shalt  }
0x53: {  	_ =	shalt  }
0x54: {  	_ =	shalt  }
0x55: {  	_ =	shalt  }
0x56: {  	_ =	shalt  }
0x57: {  	_ =	shalt  }
0x58: {  	_ =	shalt  }
0x59: {  	_ =	shalt  }
0x5a: {  	_ =	shalt  }
0x5b: {  	_ =	shalt  }
0x5c: {  	_ =	shalt  }
0x5d: {  	_ =	shalt  }
0x5e: {  	_ =	shalt  }
0x5f: {  	_ =	shalt  }
0x60: {  	_ =	shalt  }
0x61: {  	_ =	shalt  }
0x62: {  	_ =	shalt  }
0x63: {  	_ =	shalt  }
0x64: {  	_ =	shalt  }
0x65: {  	_ =	shalt  }
0x66: {  	_ =	shalt  }
0x67: {  	_ =	shalt  }
0x68: {  	_ =	shalt  }
0x69: {  	_ =	shalt  }
0x6a: {  	_ =	shalt  }
0x6b: {  	_ =	shalt  }
0x6c: {  	_ =	shalt  }
0x6d: {  	_ =	shalt  }
0x6e: {  	_ =	shalt  }
0x6f: {  	_ =	shalt  }
0x70: {  	_ =	shalt  }
0x71: {  	_ =	shalt  }
0x72: {  	_ =	shalt  }
0x73: {  	_ =	shalt  }
0x74: {  	_ =	shalt  }
0x75: {  	_ =	shalt  }
0x76: {  	_ =	shalt  }
0x77: {  	_ =	shalt  }
0x78: {  	_ =	shalt  }
0x79: {  	_ =	shalt  }
0x7a: {  	_ =	shalt  }
0x7b: {  	_ =	shalt  }
0x7c: {  	_ =	shalt  }
0x7d: {  	_ =	shalt  }
0x7e: {  	_ =	shalt  }
0x7f: {  	_ =	shalt  }
0x80: {  	_ =	shalt  }
0x81: {  	_ =	shalt  }
0x82: {  	_ =	shalt  }
0x83: {  	_ =	shalt  }
0x84: {  	_ =	shalt  }
0x85: {  	_ =	shalt  }
0x86: {  	_ =	shalt  }
0x87: {  	_ =	shalt  }
.Lfunc_end0:
.L_simem_size_0:
called_computation.1_lowered:
.L_overlay_start_0:
0x88: {  	s2 =	sld [smem:$0x3FD9]  }
0x89: {  	s3 =	sld [smem:$0x3FFE];
	_ =	sdelay $0x1  }
0x8a: {  	s1 =	srdreg.scid  }
0x8b: {  	s0 =	sand.u32 $0x1, s1  }
0x8c: {  	s17 =	sshll.u32 s0, $0xA;
	s2 =	sadd.s32 s3, s2  }
0x8d: {  	s2 =	sadd.s32 s2, s17  }
0x8e: {  	[smem:$0x3FC2] =	sst s2  }
0x8f: {  	_ = 	snop  }
0x90: {  	s2 =	sld [smem:$0x3FD0];
	(tm) =	ssettm $0x1  }
0x91: {  	s18 =	sld [smem:$0x3FFB];
	_ =	sdelay $0x3  }
0x92: {  	_ =	strace s18  }
0x93: {  	s3 =	sld [smem:$0x3FFC];
	_ =	sdelay $0x3  }
0x94: {  	_ =	strace s3  }
0x95: {  	s3 =	sld [smem:$0x3FFD];
	_ =	sdelay $0x3  }
0x96: {  	_ =	strace s3  }
0x97: {  	_ =	strace $0x8FFFFFFF  }
0x98: {  	s19 =	sld [smem:$0x3FDB];
	_ =	sdelay $0x1  }
0x99: {  	s4 =	simm.s32 $_scs_section_size  }
0x9a: {  	s5 =	simm.s32 $_size__tile_overlayer_lowered;
	s6 =	simm.s32 $_tile_overlayer_lowered  }
0x9b: {  	s22 =	simm.s32 $0x1BFF;
	s21 =	sshll.u32 s6, $0x1;
	s3 =	sadd.s32 s4, s19  }
0x9c: {  	s7 =	simm.s32 $0x0;
	s20 =	sshll.u32 s5, $0x1;
	s5 =	sadd.s32 s21, s3  }
0x9d: {  	[timem:s7], [sflag:s22] =	dma.local [hbm:s5], s20  }
0x9e: {  	_ =	swait.ge [sflag:s22], s20  }
0x9f: {  	s4 =	ssub.s32 $0x0, s20;
	[sflag:s22] =	ssyncset.done $0x0  }
0xa0: {  	[sflag:s22] =	ssyncadd.s32 s4;
	_ =	sdelay $0x1  }
0xa1: {  	s23 =	simm.s32 $0x1B8B  }
0xa2: {  	_ =	swait.ge [sflag:s23], $0x1  }
0xa3: {  	[sflag:s23] =	ssyncset.done $0x0  }
0xa4: {  	s25 =	simm.s32 $0x1B8E;
	s24 =	sld [smem:$0x3FFE];
	[sflag:s23] =	ssyncadd.s32 $0xFFFFFFFF  }
0xa5: {  	s26 =	simm.s32 $execute0_lowered;
	[smem:$0x3FD2] =	sst s25  }
0xa6: {  	s5 =	sshll.u32 s26, $0x1;
	_ =	strace $0x80000049;
	[dreg:$0x1] =	wrdreg $0xFFFFFFFF  }
0xa7: {  	s28 =	simm.s32 $_size_execute0_lowered;
	s3 =	sadd.s32 s3, s5;
	[dreg:$0x0] =	wrdreg $0x0  }
0xa8: {  	s5 =	sshll.u32 s28, $0x1;
	[dreg:$0x2] =	wrdreg s3  }
0xa9: {  	[dreg:$0x3] =	wrdreg s5  }
0xaa: {  	[dreg:$0x4] =	wrdreg $0xC0  }
0xab: {  	_ =	task [dreg:s7], $0x5FFFF  }
0xac: {  	[dreg:$0x1] =	wrdreg $0xFFFFFFFF  }
0xad: {  	[dreg:$0x0] =	wrdreg $0x60  }
0xae: {  	[dreg:$0x2] =	wrdreg s2  }
0xaf: {  	[dreg:$0x3] =	wrdreg s24  }
0xb0: {  	[dreg:$0x4] =	wrdreg $0xA4000  }
0xb1: {  	[dreg:$0x5] =	wrdreg $0x9  }
0xb2: {  	_ =	task.clear_ibuf [dreg:s7], $0x6FFFF;
	_ =	strace $0x90000049  }
0xb3: {  	s29 =	simm.s32 $0x9;
	_ =	strace $0x8000004B  }
0xb4: {  	_ =	swait.ge [sflag:s29], $0x1  }
0xb5: {  	[sflag:s29] =	ssyncadd.s32 $0xFFFFFFFF  }
0xb6: {  	_ =	strace $0x9000004B  }
0xb7: {  	_ =	sfence  }
0xb8: {  	s30 =	sld [smem:$0x0];
	_ =	sdelay $0x2  }
0xb9: {  	s31 =	sshll.u32 s1, $0xD;
	s1 =	sshrl.u32 s1, $0x2  }
0xba: {  	s3 =	sand.u32 $0x4000, s31;
	s1 =	sadd.s32 s1, s30  }
0xbb: {  	s0 =	sor.u32 s3, s0;
	s1 =	sshll.u32 s1, $0x11  }
0xbc: {  	s0 =	sor.u32 s1, s0  }
0xbd: {  	s0 =	sadd.s32 $0x8F2B, s0  }
0xbe: {  	[sflag:s0] =	ssyncadd.remote.s32 $0x1  }
0xbf: {  	_ =	sfence.sel $0xFFFF  }
0xc0: {  	[dreg:$0x0] =	wrdreg $0xFFFFFFFF;
	(pc) =	sbr.abs _section_cstart, $3  }
0xc1: {  	[dreg:$0x1] =	wrdreg $0xFFFFFFFF  }
0xc2: {  	_ =	task.clear_ibuf [dreg:s7], $0x2FFFF;
	_ =	strace $0x9FFFFFFF  }
0xc3: {  	(tm) =	ssettm $0x7FFFFFFF  }
tec
execute0_lowered:
.L_overlay_start_1:
0x0: {  	(tag) =	ssettag $0x1  }
0x1: {  	s1 =	rddreg [dreg:$0x0]  }
0x2: {  	s5 =	rddreg [dreg:$0x1]  }
0x3: {  	s0 =	srdreg.scid;
	s3 =	rddreg [dreg:$0x2]  }
0x4: {  	s4 =	simm.s32 $0x0;
	s7 =	sand.u32 $0x1, s0;
	s0 =	stileid.u32  }
0x5: {  	[smem:$0x7FF] =	sst s4;
	s14 =	smul.u32 $0x280, s0  }
0x6: {  	s11 =	sadd.s32 $0x19600, s5;
	s2 =	sshll.u32 s7, $0x4;
	s30 =	smul.u32 $0x140000, s7  }
0x7: {  	s8 =	ssub.s32 $0x2, s7;
	s9 =	smul.u32 $0x14000, s0;
	p0 =	seq.s32 s7, $0x0  }
0x8: {  	s6 =	sor.u32 s0, s2;
	s2 =	rddreg [dreg:$0x3];
	s29 =	sshrl.u32 s8, $0x1  }
0x9: {  	_ =	strace $0x8000004A;
	s6 =	smul.u32 $0x600, s6;
	s13 =	ssub.s32 s8, s29  }
0xa: {  	s12 =	sor.u32 $0x10, s14;
	s15 =	sor.u32 $0x20, s14;
	s17 =	sor.u32 $0x30, s14  }
0xb: {  	s18 =	sor.u32 $0x40, s14;
	s19 =	sor.u32 $0x50, s14;
	s20 =	sor.u32 $0x60, s14  }
0xc: {  	s21 =	sadd.s32 $0x80, s14;
	s22 =	sadd.s32 $0x100, s14;
	s10 =	sadd.s32 $0x180, s14  }
0xd: {  	s16 =	sadd.s32 $0x200, s14;
	s31 =	sadd.s32 s9, s30;
	s26 =	sshll.u32 s21, $0x7  }
0xe: {  	v39 =	vlaneseq.u32;
	s23 =	sshll.u32 s22, $0x7;
	s24 =	sshll.u32 s10, $0x7;
	s25 =	sshll.u32 s16, $0x7  }
0xf: {  	s7 =	sshrl.u32 s31, $0x3;
	v1 =	vor.u32 s15, v39;
	s15 =	sadd.s32 $0xC0, s14;
	v3 =	vor.u32 s18, v39;
	s18 =	sadd.s32 $0xE0, s14  }
0x10: {  	v4 =	vor.u32 s19, v39;
	s19 =	sadd.s32 $0xF0, s14;
	s31 =	sadd.s32 $0x110, s14;
	v5 =	vor.u32 s20, v39;
	s20 =	sadd.s32 $0x120, s14  }
0x11: {  	v0 =	vor.u32 s12, v39;
	v2 =	vor.u32 s17, v39;
	v7 =	vor.u32 s21, v39;
	s21 =	sadd.s32 $0x130, s14;
	s12 =	sadd.s32 $0x150, s14;
	s17 =	sadd.s32 $0x1A0, s14  }
0x12: {  	v15 =	vor.u32 s22, v39;
	s22 =	sadd.s32 $0x1E0, s14;
	s13 =	smax.u32 s13, $0x1;
	v32 =	vor.u32 s16, v39;
	s16 =	simm.s32 $0x80  }
0x13: {  	s6 =	sadd.s32 s6, s5;
	s9 =	sadd.s32 s30, s26;
	s23 =	sadd.s32 s30, s23  }
0x14: {  	s24 =	sadd.s32 s30, s24;
	s25 =	sadd.s32 s30, s25;
	s26 =	sor.u32 $0x70, s14  }
0x15: {  	s7 =	sadd.s32 s11, s7;
	s30 =	sadd.s32 $0xB0, s14;
	v11 =	vor.u32 s15, v39;
	s15 =	sadd.s32 $0x190, s14  }
0x16: {  	v14 =	vor.u32 s19, v39;
	v16 =	vor.u32 s31, v39;
	s31 =	sadd.s32 $0x1C0, s14;
	s19 =	sadd.s32 $0x1D0, s14;
	v17 =	vor.u32 s20, v39;
	s20 =	sadd.s32 $0x1F0, s14  }
0x17: {  	v18 =	vor.u32 s21, v39;
	s21 =	sadd.s32 $0x210, s14;
	v20 =	vor.u32 s12, v39;
	v25 =	vor.u32 s17, v39;
	s12 =	simm.s32 $0x5D;
	s17 =	simm.s32 $0xA000  }
0x18: {  	v13 =	vor.u32 s18, v39;
	v30 =	vor.u32 s22, v39;
	s18 =	simm.s32 $0x6000;
	s22 =	simm.s32 $0xA200;
	s5 =	sadd.s32 $0x1600, s6  }
0x19: {  	s6 =	sadd.s32 $0xD600, s6;
	s28 =	sshrl.u32 s9, $0x3;
	s29 =	sshrl.u32 s23, $0x3  }
0x1a: {  	s23 =	sshrl.u32 s24, $0x3;
	s24 =	sshrl.u32 s25, $0x3;
	s25 =	sadd.s32 $0x90, s14  }
0x1b: {  	v6 =	vor.u32 s26, v39;
	s26 =	sadd.s32 $0x140, s14;
	v10 =	vor.u32 s30, v39;
	s30 =	sadd.s32 $0x170, s14;
	v28 =	vor.u32 s31, v39;
	s31 =	sadd.s32 $0x270, s14  }
0x1c: {  	v24 =	vor.u32 s15, v39;
	s12 =	simm.s32 @!p0 $0x45;
	v29 =	vor.u32 s19, v39;
	s15 =	simm.s32 $0x3000;
	s19 =	simm.s32 $0xA080  }
0x1d: {  	v40 =	vimm.f32 $0.0e+00;
	v31 =	vor.u32 s20, v39;
	v33 =	vor.u32 s21, v39;
	s20 =	simm.s32 $0xA100;
	s21 =	simm.s32 $0xA180;
	s8 =	sadd.s32 s11, s28  }
0x1e: {  	v27 =	vor.u32 s14, v39;
	v23 =	vor.u32 s10, v39;
	s9 =	sadd.s32 s11, s29;
	s28 =	sadd.s32 $0xA0, s14;
	s29 =	sadd.s32 $0xD0, s14;
	v8 =	vor.u32 s25, v39  }
0x1f: {  	s25 =	sadd.s32 $0x160, s14;
	v19 =	vor.u32 s26, v39;
	s26 =	sadd.s32 $0x220, s14;
	v22 =	vor.u32 s30, v39;
	s30 =	sadd.s32 $0x250, s14;
	v9 =	vor.u32 s28, v39  }
0x20: {  	s10 =	sadd.s32 s11, s23;
	v12 =	vor.u32 s29, v39;
	s29 =	sadd.s32 $0x1B0, s14;
	v21 =	vor.u32 s25, v39;
	s25 =	sadd.s32 $0x230, s14;
	v34 =	vor.u32 s26, v39  }
0x21: {  	s11 =	sadd.s32 s11, s24;
	s28 =	sadd.s32 $0x240, s14;
	v37 =	vor.u32 s30, v39;
	v26 =	vor.u32 s29, v39;
	s29 =	sadd.s32 $0x260, s14;
	v35 =	vor.u32 s25, v39  }
0x22: {  	s23 =	simm.s32 $0x1;
	s24 =	simm.s32 $0x0;
	s14 =	simm.s32 $0x2;
	v36 =	vor.u32 s28, v39;
	v38 =	vor.u32 s29, v39;
	v39 =	vor.u32 s31, v39  }
.LBB2_1:
0x23: {  	[tilespmem:s4], [sflag:$0x2] =	stream.linear.gather [hbm4b:s5+s4], $0x2E80, $0x38;
	[tilespmem:$0x1E400] =	vst v63  }
0x24: {  	_ =	swait.ge [sflag:s14], $0x2E80  }
0x25: {  	[sflag:s14] =	ssyncset.done $0x0  }
0x26: {  	[sflag:s14] =	ssyncadd.s32 $0xFFFFD180  }
0x27: {  	[tilespmem:s15], [sflag:$0x2] =	stream.linear.gather [hbm4b:s6+s4], $0x2E80, $0x38;
	[tilespmem:$0x1E400] =	vst v63  }
0x28: {  	_ =	swait.ge [sflag:s14], $0x2E80  }
0x29: {  	[sflag:s14] =	ssyncset.done $0x0  }
0x2a: {  	s25 =	simm.s32 $0x0;
	s26 =	simm.s32 $0x200;
	[sflag:s14] =	ssyncadd.s32 $0xFFFFD180  }
.LBB2_2:
0x2b: {  	p0 =	sne.s32 s26, $0xFE00;
	[tilespmem:s25+$0x6070] =	vst v40  }
0x2c: {  	[tilespmem:s25+$0x6000] =	vst v40  }
0x2d: {  	[tilespmem:s25+$0x6010] =	vst v40  }
.Ltmp0:
0x2e: {  	[tilespmem:s25+$0x6020] =	vst v40;
	(pc) =	sbr.rel @p0 .LBB2_2-.Ltmp0, $4  }
0x2f: {  	[tilespmem:s25+$0x6030] =	vst v40  }
0x30: {  	[tilespmem:s25+$0x6040] =	vst v40  }
0x31: {  	[tilespmem:s25+$0x6050] =	vst v40  }
0x32: {  	[tilespmem:s25+$0x6060] =	vst v40;
	s25 =	sshra.s32 s26, $0x2;
	s26 =	sadd.s32 $0x200, s26  }
0x33: {  	[tilespmem:s25+$0x6070] =	vst v40  }
0x34: {  	[tilespmem:s25+$0x6000] =	vst v40  }
0x35: {  	[tilespmem:s25+$0x6010] =	vst v40  }
0x36: {  	[tilespmem:s25+$0x6020] =	vst v40  }
0x37: {  	[tilespmem:s25+$0x6030] =	vst v40  }
0x38: {  	[tilespmem:s25+$0x6040] =	vst v40  }
0x39: {  	[tilespmem:s25+$0x6050] =	vst v40  }
0x3a: {  	[tilespmem:s25+$0x6060] =	vst v40  }
0x3b: {  	[tilespmem:$0xA000] =	vst v27  }
0x3c: {  	[tilespmem:$0xA010] =	vst v0  }
0x3d: {  	[tilespmem:$0xA020] =	vst v1  }
0x3e: {  	[tilespmem:$0xA030] =	vst v2  }
0x3f: {  	[tilespmem:$0xA040] =	vst v3  }
0x40: {  	[tilespmem:$0xA050] =	vst v4  }
0x41: {  	[tilespmem:$0xA060] =	vst v5  }
0x42: {  	[tilespmem:$0xA070] =	vst v6  }
0x43: {  	[tilespmem:$0xA080] =	vst v7  }
0x44: {  	[tilespmem:$0xA090] =	vst v8  }
0x45: {  	[tilespmem:$0xA0A0] =	vst v9  }
0x46: {  	[tilespmem:$0xA0B0] =	vst v10  }
0x47: {  	[tilespmem:$0xA0C0] =	vst v11  }
0x48: {  	[tilespmem:$0xA0D0] =	vst v12  }
0x49: {  	[tilespmem:$0xA0E0] =	vst v13  }
0x4a: {  	[tilespmem:$0xA0F0] =	vst v14  }
0x4b: {  	[tilespmem:$0xA100] =	vst v15  }
0x4c: {  	[tilespmem:$0xA110] =	vst v16  }
0x4d: {  	[tilespmem:$0xA120] =	vst v17  }
0x4e: {  	[tilespmem:$0xA130] =	vst v18  }
0x4f: {  	[tilespmem:$0xA140] =	vst v19  }
0x50: {  	[tilespmem:$0xA150] =	vst v20  }
0x51: {  	[tilespmem:$0xA160] =	vst v21  }
0x52: {  	[tilespmem:$0xA170] =	vst v22  }
0x53: {  	[tilespmem:$0xA180] =	vst v23  }
0x54: {  	[tilespmem:$0xA190] =	vst v24  }
0x55: {  	[tilespmem:$0xA1A0] =	vst v25  }
0x56: {  	[tilespmem:$0xA1B0] =	vst v26  }
0x57: {  	[tilespmem:$0xA1C0] =	vst v28  }
0x58: {  	[tilespmem:$0xA1D0] =	vst v29  }
0x59: {  	[tilespmem:$0xA1E0] =	vst v30  }
0x5a: {  	[tilespmem:$0xA1F0] =	vst v31  }
0x5b: {  	[tilespmem:$0xA200] =	vst v32  }
0x5c: {  	[tilespmem:$0xA210] =	vst v33  }
0x5d: {  	[tilespmem:$0xA220] =	vst v34  }
0x5e: {  	[tilespmem:$0xA230] =	vst v35  }
0x5f: {  	[tilespmem:$0xA240] =	vst v36  }
0x60: {  	[tilespmem:$0xA250] =	vst v37  }
0x61: {  	[tilespmem:$0xA260] =	vst v38  }
0x62: {  	[tilespmem:$0xA270] =	vst v39  }
0x63: {  	[spmem:s3] =	stream.indirect.scatter [tilespmem:s18], [sflag:$0x2], $0x80, s17, s16, $0xb8;
	[tilespmem:$0x1E400] =	vst v63  }
0x64: {  	_ =	swait.ge [sflag:s14], $0x4000  }
0x65: {  	[sflag:s14] =	ssyncset.done $0x0  }
0x66: {  	[sflag:s14] =	ssyncadd.s32 $0xFFFFC000  }
0x67: {  	[spmem:s3] =	stream.indirect.scatter [tilespmem:s18], [sflag:$0x2], $0x80, s19, s16, $0xb8;
	[tilespmem:$0x1E400] =	vst v63  }
0x68: {  	_ =	swait.ge [sflag:s14], $0x4000  }
0x69: {  	[sflag:s14] =	ssyncset.done $0x0  }
0x6a: {  	[sflag:s14] =	ssyncadd.s32 $0xFFFFC000  }
0x6b: {  	[spmem:s3] =	stream.indirect.scatter [tilespmem:s18], [sflag:$0x2], $0x80, s20, s16, $0xb8;
	[tilespmem:$0x1E400] =	vst v63  }
0x6c: {  	_ =	swait.ge [sflag:s14], $0x4000  }
0x6d: {  	[sflag:s14] =	ssyncset.done $0x0  }
0x6e: {  	[sflag:s14] =	ssyncadd.s32 $0xFFFFC000  }
0x6f: {  	[spmem:s3] =	stream.indirect.scatter [tilespmem:s18], [sflag:$0x2], $0x80, s21, s16, $0xb8;
	[tilespmem:$0x1E400] =	vst v63  }
0x70: {  	_ =	swait.ge [sflag:s14], $0x4000  }
0x71: {  	[sflag:s14] =	ssyncset.done $0x0  }
0x72: {  	[sflag:s14] =	ssyncadd.s32 $0xFFFFC000  }
0x73: {  	[spmem:s3] =	stream.indirect.scatter [tilespmem:s18], [sflag:$0x2], $0x80, s22, s16, $0xb8;
	[tilespmem:$0x1E400] =	vst v63  }
0x74: {  	_ =	swait.ge [sflag:s14], $0x4000  }
0x75: {  	[sflag:s14] =	ssyncset.done $0x0  }
0x76: {  	[sflag:s14] =	ssyncadd.s32 $0xFFFFC000  }
0x77: {  	s25 =	simm.s32 $0x0;
	[bflag:$0x0] =	sbarrier.arrive $0xFFFF  }
0x78: {  	[tilespmem:s18], [sflag:$0x1] =	stream.indirect.gather [hbm4b:s1+s16], $0x80, s25, s16, $0xb8;
	[tilespmem:$0x1E400] =	vst v63  }
0x79: {  	p0 =	sne.s32 s12, $0x1;
	_ =	swait.ge [sflag:s23], $0x4000  }
.Ltmp1:
0x7a: {  	[sflag:s23] =	ssyncset.done $0x0;
	(pc) =	sbr.rel @!p0 .LBB2_5-.Ltmp1, $4  }
0x7b: {  	s26 =	simm.s32 $0x3000;
	[sflag:s23] =	ssyncadd.s32 $0xFFFFC000  }
0x7c: {  	[spmem:s3] =	stream.indirect.scatter.add.f32 [tilespmem:s18], [sflag:$0x2], $0x80, s26, s16, $0xb8;
	[tilespmem:$0x1E400] =	vst v63  }
0x7d: {  	_ =	swait.ge [sflag:s14], $0x4000  }
0x7e: {  	s28 =	sadd.s32 $0xFFFFFFFF, s12;
	[sflag:s14] =	ssyncset.done $0x0  }
.LBB2_4:
0x7f: {  	[sflag:s14] =	ssyncadd.s32 $0xFFFFC000;
	s25 =	sadd.s32 $0x80, s25;
	s26 =	sadd.s32 $0x80, s26  }
0x80: {  	[tilespmem:s18], [sflag:$0x1] =	stream.indirect.gather [hbm4b:s1+s16], $0x80, s25, s16, $0xb8;
	[tilespmem:$0x1E400] =	vst v63  }
0x81: {  	p0 =	sne.s32 s28, $0x1;
	s28 =	sadd.s32 $0xFFFFFFFF, s28;
	_ =	swait.ge [sflag:s23], $0x4000  }
.Ltmp2:
0x82: {  	[sflag:s23] =	ssyncset.done $0x0;
	(pc) =	sbr.rel @p0 .LBB2_4-.Ltmp2, $4  }
0x83: {  	[sflag:s23] =	ssyncadd.s32 $0xFFFFC000  }
0x84: {  	[spmem:s3] =	stream.indirect.scatter.add.f32 [tilespmem:s18], [sflag:$0x2], $0x80, s26, s16, $0xb8;
	[tilespmem:$0x1E400] =	vst v63  }
0x85: {  	_ =	swait.ge [sflag:s14], $0x4000  }
0x86: {  	[sflag:s14] =	ssyncset.done $0x0  }
.LBB2_5:
0x87: {  	[sflag:s14] =	ssyncadd.s32 $0xFFFFC000  }
0x88: {  	[bflag:$0x0] =	sbarrier.arrive $0xFFFF  }
0x89: {  	[tilespmem:s18], [sflag:$0x1] =	stream.indirect.gather [spmem:s3], $0x80, s17, s16, $0xb8;
	[tilespmem:$0x1E400] =	vst v63  }
0x8a: {  	_ =	swait.ge [sflag:s23], $0x4000  }
0x8b: {  	[sflag:s23] =	ssyncset.done $0x0  }
0x8c: {  	[sflag:s23] =	ssyncadd.s32 $0xFFFFC000  }
0x8d: {  	[hbm4b:s7+s4] =	stream.linear.scatter [tilespmem:s18], [sflag:$0x2], $0x4000, $0x38;
	[tilespmem:$0x1E400] =	vst v63  }
0x8e: {  	_ =	swait.ge [sflag:s14], $0x4000  }
0x8f: {  	[sflag:s14] =	ssyncset.done $0x0  }
0x90: {  	[sflag:s14] =	ssyncadd.s32 $0xFFFFC000  }
0x91: {  	[tilespmem:s18], [sflag:$0x1] =	stream.indirect.gather [spmem:s3], $0x80, s19, s16, $0xb8;
	[tilespmem:$0x1E400] =	vst v63  }
0x92: {  	_ =	swait.ge [sflag:s23], $0x4000  }
0x93: {  	[sflag:s23] =	ssyncset.done $0x0  }
0x94: {  	[sflag:s23] =	ssyncadd.s32 $0xFFFFC000  }
0x95: {  	[hbm4b:s8+s4] =	stream.linear.scatter [tilespmem:s18], [sflag:$0x2], $0x4000, $0x38;
	[tilespmem:$0x1E400] =	vst v63  }
0x96: {  	_ =	swait.ge [sflag:s14], $0x4000  }
0x97: {  	[sflag:s14] =	ssyncset.done $0x0  }
0x98: {  	[sflag:s14] =	ssyncadd.s32 $0xFFFFC000  }
0x99: {  	[tilespmem:s18], [sflag:$0x1] =	stream.indirect.gather [spmem:s3], $0x80, s20, s16, $0xb8;
	[tilespmem:$0x1E400] =	vst v63  }
0x9a: {  	_ =	swait.ge [sflag:s23], $0x4000  }
0x9b: {  	[sflag:s23] =	ssyncset.done $0x0  }
0x9c: {  	[sflag:s23] =	ssyncadd.s32 $0xFFFFC000  }
0x9d: {  	[hbm4b:s9+s4] =	stream.linear.scatter [tilespmem:s18], [sflag:$0x2], $0x4000, $0x38;
	[tilespmem:$0x1E400] =	vst v63  }
0x9e: {  	_ =	swait.ge [sflag:s14], $0x4000  }
0x9f: {  	[sflag:s14] =	ssyncset.done $0x0  }
0xa0: {  	[sflag:s14] =	ssyncadd.s32 $0xFFFFC000  }
0xa1: {  	[tilespmem:s18], [sflag:$0x1] =	stream.indirect.gather [spmem:s3], $0x80, s21, s16, $0xb8;
	[tilespmem:$0x1E400] =	vst v63  }
0xa2: {  	_ =	swait.ge [sflag:s23], $0x4000  }
0xa3: {  	[sflag:s23] =	ssyncset.done $0x0  }
0xa4: {  	[sflag:s23] =	ssyncadd.s32 $0xFFFFC000  }
0xa5: {  	[hbm4b:s10+s4] =	stream.linear.scatter [tilespmem:s18], [sflag:$0x2], $0x4000, $0x38;
	[tilespmem:$0x1E400] =	vst v63  }
0xa6: {  	_ =	swait.ge [sflag:s14], $0x4000  }
0xa7: {  	[sflag:s14] =	ssyncset.done $0x0  }
0xa8: {  	[sflag:s14] =	ssyncadd.s32 $0xFFFFC000  }
0xa9: {  	[tilespmem:s18], [sflag:$0x1] =	stream.indirect.gather [spmem:s3], $0x80, s22, s16, $0xb8;
	[tilespmem:$0x1E400] =	vst v63  }
0xaa: {  	s24 =	sadd.s32 $0x1, s24;
	_ =	swait.ge [sflag:s23], $0x4000  }
0xab: {  	p0 =	sne.s32 s24, s13;
	[sflag:s23] =	ssyncset.done $0x0  }
.Ltmp3:
0xac: {  	[sflag:s23] =	ssyncadd.s32 $0xFFFFC000;
	(pc) =	sbr.rel @p0 .LBB2_1-.Ltmp3, $4  }
0xad: {  	[hbm4b:s11+s4] =	stream.linear.scatter [tilespmem:s18], [sflag:$0x2], $0x4000, $0x38;
	[tilespmem:$0x1E400] =	vst v63  }
0xae: {  	_ =	swait.ge [sflag:s14], $0x4000  }
0xaf: {  	[sflag:s14] =	ssyncset.done $0x0  }
0xb0: {  	[sflag:s14] =	ssyncadd.s32 $0xFFFFC000  }
0xb1: {  	_ =	sfence.sel $0x180000  }
0xb2: {  	[bflag:$0x0] =	sbarrier.arrive $0xFFFF  }
0xb3: {  	p0 =	sne.s32 s0, $0x0;
	_ =	strace $0x9000004A  }
0xb4: {  	s0 =	sadd.s32 @!p0 $0x100000, s2;
	[bflag:$0x2] =	sbarrier.arrive $0xFFFF  }
0xb5: {  	[sflag:s0] =	ssyncadd.tile.s32 @!p0 $0x1;
	_ =	shalt  }
.Lfunc_end2:
_tile_overlayer_lowered:
.L_overlay_start_2:
0xb6: {  	(tag) =	ssettag $0x2  }
0xb7: {  	s0 =	rddreg [dreg:$0x0];
	s2 =	stileid.u32  }
0xb8: {  	s1 =	rddreg [dreg:$0x1];
	p0 =	sne.s32 s2, $0x0  }
0xb9: {  	s3 =	rddreg [dreg:$0x2];
	[bflag:$0x3] =	sbarrier.arrive $0xFFFF;
	s2 =	simm.s32 @!p0 $0x1C02  }
0xba: {  	[timem:s3], [sflag:s2] =	dma.local @!p0 [hbm:s0], s1  }
0xbb: {  	s0 =	simm.s32 @!p0 $0x2  }
0xbc: {  	_ =	swait.ge @!p0 [sflag:s0], s1  }
0xbd: {  	s1 =	ssub.s32 @!p0 $0x0, s1;
	[sflag:s0] =	ssyncset.done @!p0 $0x0  }
0xbe: {  	[sflag:s0] =	ssyncadd.s32 @!p0 s1  }
0xbf: {  	[bflag:$0x3] =	sbarrier.arrive $0xFFFF  }
0xc0: {  	_ =	shalt  }

// kernel: kernel.14.cloned.1.call-start
scs
__scs_entry_jumppad:
0x0: {  	(pc) =	sbr.rel $0x88, $3  }
0x1: {  	(tag) =	ssettag $0x0;
	lr =	simm.s32 $0x1  }
0x2: {  	[smem:$0x3F9B] =	sst lr;
	_ =	strace $0xD0000000  }
0x3: {  	_ = 	snop  }
0x4: {  	_ = 	snop  }
0x5: {  	_ = 	snop  }
0x6: {  	_ = 	snop  }
0x7: {  	_ = 	snop  }
__scs_overlays_trampoline_lowered:
0x8: {  	[smem:$0x3FAA] =	sst s0  }
0x9: {  	[smem:$0x3FAB] =	sst s1  }
0xa: {  	[smem:$0x3FAC] =	sst s2  }
0xb: {  	[smem:$0x3FAD] =	sst s3  }
0xc: {  	[smem:$0x3FAE] =	sst s4  }
0xd: {  	[smem:$0x3FAF] =	sst s5  }
0xe: {  	[smem:$0x3FB0] =	sst s6  }
0xf: {  	[smem:$0x3FB1] =	sst s7  }
0x10: {  	[smem:$0x3FB2] =	sst s8  }
0x11: {  	[smem:$0x3FB3] =	sst s9;
	s0 =	simm.s32 @!p0 $0x0  }
0x12: {  	s1 =	sld [smem:$0x3F99];
	s0 =	simm.s32 @p0 $0x1  }
0x13: {  	[smem:$0x3FB4] =	sst s0;
	s0 =	simm.s32 @!p1 $0x0  }
0x14: {  	s2 =	sld [smem:$0x3F98];
	s0 =	simm.s32 @p1 $0x1  }
0x15: {  	[smem:$0x3FB5] =	sst s0;
	s0 =	simm.s32 @!p2 $0x0  }
0x16: {  	s3 =	sld [smem:$0x3FDB];
	s0 =	simm.s32 @p2 $0x1  }
0x17: {  	s4 =	simm.s32 $0x1BF5;
	[smem:$0x3FB7] =	sst s0  }
0x18: {  	s0 =	sld [smem:$0x3F9A];
	_ =	swait.ge [sflag:s4], $0x0  }
0x19: {  	s7 =	sld [smem:$0x3F9B]  }
0x1a: {  	s8 =	sadd.s32 $0xFFFFE003, lr  }
0x1b: {  	s9 =	sadd.s32 $0xFFFFFEF7, lr;
	s5 =	simm.s32 $0xFFFFFFFF;
	p2 =	slt.u32 s8, $0xFFFFF086  }
0x1c: {  	p1 =	slt.u32 s9, $0xF7A;
	s5 =	simm.s32 @!p2 $0x0  }
0x1d: {  	s5 =	simm.s32 @p1 $0x1;
	p0 =	seq.s32 s7, s2  }
0x1e: {  	s7 =	smul.u32 @!p0 $0xF7A, s2;
	p2 =	seq.s32 @!p0 s5, $0x0  }
0x1f: {  	s9 =	smul.u32 $0xF7A, s1;
	s8 =	simm.s32 @!p0 $0x1BF5;
	p2 =	por !p2, p0  }
0x20: {  	[sflag:s8] =	ssyncset.s32 @!p0 $0xFFFFF086;
	s6 =	sadd.s32 @!p0 s3, s7;
	s7 =	simm.s32 @!p0 $0x108  }
0x21: {  	s3 =	sadd.s32 s3, s9;
	s6 =	sadd.s32 @!p0 $0x88, s6;
	s7 =	simm.s32 @p2 $0x1082  }
0x22: {  	[simem:s7], [sflag:s8] =	dma.local @!p0 [hbm:s6], $0xF7A  }
0x23: {  	s9 =	sor.u32 $0xD0000000, s2;
	s6 =	simm.s32 $0x108;
	_ =	swait.ge @!p0 [sflag:s8], $0x0  }
0x24: {  	s3 =	sadd.s32 $0x88, s3;
	s6 =	simm.s32 @!p1 $0x1082;
	[sflag:s4] =	ssyncset.s32 $0xFFFFF086  }
0x25: {  	[simem:s6], [sflag:s4] =	dma.local [hbm:s3], $0xF7A  }
0x26: {  	[smem:$0x3F9B] =	sst s1;
	(tag) =	ssettag s2;
	_ =	strace s9  }
0x27: {  	s1 =	sld [smem:$0x3FAB]  }
0x28: {  	s2 =	sld [smem:$0x3FAC]  }
0x29: {  	s4 =	sld [smem:$0x3FAE]  }
0x2a: {  	p0 =	seq.s32 s5, $0x0;
	s5 =	sld [smem:$0x3FAF]  }
0x2b: {  	s6 =	sld [smem:$0x3FB0]  }
0x2c: {  	s7 =	sld [smem:$0x3FB1]  }
0x2d: {  	s3 =	simm.s32 $0x108;
	s8 =	sld [smem:$0x3FB2]  }
0x2e: {  	s3 =	simm.s32 @!p0 $0x1082;
	s9 =	sld [smem:$0x3FB3]  }
0x2f: {  	lr =	sadd.s32 s0, s3;
	s0 =	sld [smem:$0x3FAA]  }
0x30: {  	s3 =	sld [smem:$0x3FAD]  }
0x31: {  	[smem:$0x3FB6] =	sst s10  }
0x32: {  	s10 =	sld [smem:$0x3FB4];
	_ =	sdelay $0x3  }
0x33: {  	p0 =	seq.s32 s10, $0x1;
	s10 =	sld [smem:$0x3FB6];
	_ =	sdelay $0x3  }
0x34: {  	[smem:$0x3FB6] =	sst s10  }
0x35: {  	s10 =	sld [smem:$0x3FB5];
	_ =	sdelay $0x3  }
0x36: {  	p1 =	seq.s32 s10, $0x1;
	s10 =	sld [smem:$0x3FB6];
	_ =	sdelay $0x3  }
0x37: {  	[smem:$0x3FB6] =	sst s10  }
0x38: {  	s10 =	sld [smem:$0x3FB7]  }
0x39: {  	_ = 	snop;
	(pc) =	sbr.ind lr, $3  }
0x3a: {  	_ = 	snop  }
0x3b: {  	_ = 	snop  }
0x3c: {  	p2 =	seq.s32 s10, $0x1;
	s10 =	sld [smem:$0x3FB6]  }
0x3d: {  	_ =	shalt  }
0x3e: {  	_ =	shalt  }
0x3f: {  	_ =	shalt  }
0x40: {  	_ =	shalt  }
0x41: {  	_ =	shalt  }
0x42: {  	_ =	shalt  }
0x43: {  	_ =	shalt  }
0x44: {  	_ =	shalt  }
0x45: {  	_ =	shalt  }
0x46: {  	_ =	shalt  }
0x47: {  	_ =	shalt  }
0x48: {  	_ =	shalt  }
0x49: {  	_ =	shalt  }
0x4a: {  	_ =	shalt  }
0x4b: {  	_ =	shalt  }
0x4c: {  	_ =	shalt  }
0x4d: {  	_ =	shalt  }
0x4e: {  	_ =	shalt  }
0x4f: {  	_ =	shalt  }
0x50: {  	_ =	shalt  }
0x51: {  	_ =	shalt  }
0x52: {  	_ =	shalt  }
0x53: {  	_ =	shalt  }
0x54: {  	_ =	shalt  }
0x55: {  	_ =	shalt  }
0x56: {  	_ =	shalt  }
0x57: {  	_ =	shalt  }
0x58: {  	_ =	shalt  }
0x59: {  	_ =	shalt  }
0x5a: {  	_ =	shalt  }
0x5b: {  	_ =	shalt  }
0x5c: {  	_ =	shalt  }
0x5d: {  	_ =	shalt  }
0x5e: {  	_ =	shalt  }
0x5f: {  	_ =	shalt  }
0x60: {  	_ =	shalt  }
0x61: {  	_ =	shalt  }
0x62: {  	_ =	shalt  }
0x63: {  	_ =	shalt  }
0x64: {  	_ =	shalt  }
0x65: {  	_ =	shalt  }
0x66: {  	_ =	shalt  }
0x67: {  	_ =	shalt  }
0x68: {  	_ =	shalt  }
0x69: {  	_ =	shalt  }
0x6a: {  	_ =	shalt  }
0x6b: {  	_ =	shalt  }
0x6c: {  	_ =	shalt  }
0x6d: {  	_ =	shalt  }
0x6e: {  	_ =	shalt  }
0x6f: {  	_ =	shalt  }
0x70: {  	_ =	shalt  }
0x71: {  	_ =	shalt  }
0x72: {  	_ =	shalt  }
0x73: {  	_ =	shalt  }
0x74: {  	_ =	shalt  }
0x75: {  	_ =	shalt  }
0x76: {  	_ =	shalt  }
0x77: {  	_ =	shalt  }
0x78: {  	_ =	shalt  }
0x79: {  	_ =	shalt  }
0x7a: {  	_ =	shalt  }
0x7b: {  	_ =	shalt  }
0x7c: {  	_ =	shalt  }
0x7d: {  	_ =	shalt  }
0x7e: {  	_ =	shalt  }
0x7f: {  	_ =	shalt  }
0x80: {  	_ =	shalt  }
0x81: {  	_ =	shalt  }
0x82: {  	_ =	shalt  }
0x83: {  	_ =	shalt  }
0x84: {  	_ =	shalt  }
0x85: {  	_ =	shalt  }
0x86: {  	_ =	shalt  }
0x87: {  	_ =	shalt  }
.Lfunc_end0:
.L_simem_size_0:
called_computation.2_lowered:
.L_overlay_start_0:
0x88: {  	s2 =	sld [smem:$0x3FD9]  }
0x89: {  	s3 =	sld [smem:$0x3FFE];
	_ =	sdelay $0x1  }
0x8a: {  	s1 =	srdreg.scid  }
0x8b: {  	s0 =	sand.u32 $0x1, s1  }
0x8c: {  	s17 =	sshll.u32 s0, $0xA;
	s2 =	sadd.s32 s3, s2  }
0x8d: {  	s2 =	sadd.s32 s2, s17  }
0x8e: {  	[smem:$0x3FC2] =	sst s2  }
0x8f: {  	_ = 	snop  }
0x90: {  	s2 =	sld [smem:$0x3FD0];
	(tm) =	ssettm $0x1  }
0x91: {  	s18 =	sld [smem:$0x3FFB];
	_ =	sdelay $0x3  }
0x92: {  	_ =	strace s18  }
0x93: {  	s3 =	sld [smem:$0x3FFC];
	_ =	sdelay $0x3  }
0x94: {  	_ =	strace s3  }
0x95: {  	s3 =	sld [smem:$0x3FFD];
	_ =	sdelay $0x3  }
0x96: {  	_ =	strace s3  }
0x97: {  	_ =	strace $0x8FFFFFFF  }
0x98: {  	s19 =	sld [smem:$0x3FDB];
	_ =	sdelay $0x1  }
0x99: {  	s4 =	simm.s32 $_scs_section_size  }
0x9a: {  	s5 =	simm.s32 $_size__tile_overlayer_lowered;
	s6 =	simm.s32 $_tile_overlayer_lowered  }
0x9b: {  	s22 =	simm.s32 $0x1BFF;
	s21 =	sshll.u32 s6, $0x1;
	s3 =	sadd.s32 s4, s19  }
0x9c: {  	s7 =	simm.s32 $0x0;
	s20 =	sshll.u32 s5, $0x1;
	s5 =	sadd.s32 s21, s3  }
0x9d: {  	[timem:s7], [sflag:s22] =	dma.local [hbm:s5], s20  }
0x9e: {  	_ =	swait.ge [sflag:s22], s20  }
0x9f: {  	s4 =	ssub.s32 $0x0, s20;
	[sflag:s22] =	ssyncset.done $0x0  }
0xa0: {  	[sflag:s22] =	ssyncadd.s32 s4;
	_ =	sdelay $0x1  }
0xa1: {  	s23 =	simm.s32 $0x1B8B  }
0xa2: {  	_ =	swait.ge [sflag:s23], $0x1  }
0xa3: {  	[sflag:s23] =	ssyncset.done $0x0  }
0xa4: {  	s25 =	simm.s32 $0x1B8E;
	s24 =	sld [smem:$0x3FFE];
	[sflag:s23] =	ssyncadd.s32 $0xFFFFFFFF  }
0xa5: {  	s26 =	simm.s32 $execute0_lowered;
	[smem:$0x3FD2] =	sst s25  }
0xa6: {  	s5 =	sshll.u32 s26, $0x1;
	_ =	strace $0x8000004C;
	[dreg:$0x1] =	wrdreg $0xFFFFFFFF  }
0xa7: {  	s28 =	simm.s32 $_size_execute0_lowered;
	s3 =	sadd.s32 s3, s5;
	[dreg:$0x0] =	wrdreg $0x0  }
0xa8: {  	s5 =	sshll.u32 s28, $0x1;
	[dreg:$0x2] =	wrdreg s3  }
0xa9: {  	[dreg:$0x3] =	wrdreg s5  }
0xaa: {  	[dreg:$0x4] =	wrdreg $0xC0  }
0xab: {  	_ =	task [dreg:s7], $0x5FFFF  }
0xac: {  	[dreg:$0x1] =	wrdreg $0xFFFFFFFF  }
0xad: {  	[dreg:$0x0] =	wrdreg $0x60  }
0xae: {  	[dreg:$0x2] =	wrdreg s2  }
0xaf: {  	[dreg:$0x3] =	wrdreg s24  }
0xb0: {  	[dreg:$0x4] =	wrdreg $0xA4000  }
0xb1: {  	[dreg:$0x5] =	wrdreg $0x9  }
0xb2: {  	_ =	task.clear_ibuf [dreg:s7], $0x6FFFF;
	_ =	strace $0x9000004C  }
0xb3: {  	s29 =	simm.s32 $0x9;
	_ =	strace $0x8000004E  }
0xb4: {  	_ =	swait.ge [sflag:s29], $0x1  }
0xb5: {  	[sflag:s29] =	ssyncadd.s32 $0xFFFFFFFF  }
0xb6: {  	_ =	strace $0x9000004E  }
0xb7: {  	_ =	sfence  }
0xb8: {  	s30 =	sld [smem:$0x0];
	_ =	sdelay $0x2  }
0xb9: {  	s31 =	sshll.u32 s1, $0xD;
	s1 =	sshrl.u32 s1, $0x2  }
0xba: {  	s3 =	sand.u32 $0x4000, s31;
	s1 =	sadd.s32 s1, s30  }
0xbb: {  	s0 =	sor.u32 s3, s0;
	s1 =	sshll.u32 s1, $0x11  }
0xbc: {  	s0 =	sor.u32 s1, s0  }
0xbd: {  	s0 =	sadd.s32 $0x8F2B, s0  }
0xbe: {  	[sflag:s0] =	ssyncadd.remote.s32 $0x1  }
0xbf: {  	_ =	sfence.sel $0xFFFF  }
0xc0: {  	[dreg:$0x0] =	wrdreg $0xFFFFFFFF;
	(pc) =	sbr.abs _section_cstart, $3  }
0xc1: {  	[dreg:$0x1] =	wrdreg $0xFFFFFFFF  }
0xc2: {  	_ =	task.clear_ibuf [dreg:s7], $0x2FFFF;
	_ =	strace $0x9FFFFFFF  }
0xc3: {  	(tm) =	ssettm $0x7FFFFFFF  }
tec
execute0_lowered:
.L_overlay_start_1:
0x0: {  	(tag) =	ssettag $0x1  }
0x1: {  	s1 =	rddreg [dreg:$0x0]  }
0x2: {  	s5 =	rddreg [dreg:$0x1]  }
0x3: {  	s0 =	srdreg.scid;
	s3 =	rddreg [dreg:$0x2]  }
0x4: {  	s4 =	simm.s32 $0x0;
	s7 =	sand.u32 $0x1, s0;
	s0 =	stileid.u32  }
0x5: {  	[smem:$0x7FF] =	sst s4;
	s14 =	smul.u32 $0x280, s0  }
0x6: {  	s11 =	sadd.s32 $0x19600, s5;
	s2 =	sshll.u32 s7, $0x4;
	s30 =	smul.u32 $0x140000, s7  }
0x7: {  	s8 =	ssub.s32 $0x2, s7;
	s9 =	smul.u32 $0x14000, s0;
	p0 =	seq.s32 s7, $0x0  }
0x8: {  	s6 =	sor.u32 s0, s2;
	s2 =	rddreg [dreg:$0x3];
	s29 =	sshrl.u32 s8, $0x1  }
0x9: {  	_ =	strace $0x8000004D;
	s6 =	smul.u32 $0x600, s6;
	s13 =	ssub.s32 s8, s29  }
0xa: {  	s12 =	sor.u32 $0x10, s14;
	s15 =	sor.u32 $0x20, s14;
	s17 =	sor.u32 $0x30, s14  }
0xb: {  	s18 =	sor.u32 $0x40, s14;
	s19 =	sor.u32 $0x50, s14;
	s20 =	sor.u32 $0x60, s14  }
0xc: {  	s21 =	sadd.s32 $0x80, s14;
	s22 =	sadd.s32 $0x100, s14;
	s10 =	sadd.s32 $0x180, s14  }
0xd: {  	s16 =	sadd.s32 $0x200, s14;
	s31 =	sadd.s32 s9, s30;
	s26 =	sshll.u32 s21, $0x7  }
0xe: {  	v39 =	vlaneseq.u32;
	s23 =	sshll.u32 s22, $0x7;
	s24 =	sshll.u32 s10, $0x7;
	s25 =	sshll.u32 s16, $0x7  }
0xf: {  	s7 =	sshrl.u32 s31, $0x3;
	v1 =	vor.u32 s15, v39;
	s15 =	sadd.s32 $0xC0, s14;
	v3 =	vor.u32 s18, v39;
	s18 =	sadd.s32 $0xE0, s14  }
0x10: {  	v4 =	vor.u32 s19, v39;
	s19 =	sadd.s32 $0xF0, s14;
	s31 =	sadd.s32 $0x110, s14;
	v5 =	vor.u32 s20, v39;
	s20 =	sadd.s32 $0x120, s14  }
0x11: {  	v0 =	vor.u32 s12, v39;
	v2 =	vor.u32 s17, v39;
	v7 =	vor.u32 s21, v39;
	s21 =	sadd.s32 $0x130, s14;
	s12 =	sadd.s32 $0x150, s14;
	s17 =	sadd.s32 $0x1A0, s14  }
0x12: {  	v15 =	vor.u32 s22, v39;
	s22 =	sadd.s32 $0x1E0, s14;
	s13 =	smax.u32 s13, $0x1;
	v32 =	vor.u32 s16, v39;
	s16 =	simm.s32 $0x80  }
0x13: {  	s6 =	sadd.s32 s6, s5;
	s9 =	sadd.s32 s30, s26;
	s23 =	sadd.s32 s30, s23  }
0x14: {  	s24 =	sadd.s32 s30, s24;
	s25 =	sadd.s32 s30, s25;
	s26 =	sor.u32 $0x70, s14  }
0x15: {  	s7 =	sadd.s32 s11, s7;
	s30 =	sadd.s32 $0xB0, s14;
	v11 =	vor.u32 s15, v39;
	s15 =	sadd.s32 $0x190, s14  }
0x16: {  	v14 =	vor.u32 s19, v39;
	v16 =	vor.u32 s31, v39;
	s31 =	sadd.s32 $0x1C0, s14;
	s19 =	sadd.s32 $0x1D0, s14;
	v17 =	vor.u32 s20, v39;
	s20 =	sadd.s32 $0x1F0, s14  }
0x17: {  	v18 =	vor.u32 s21, v39;
	s21 =	sadd.s32 $0x210, s14;
	v20 =	vor.u32 s12, v39;
	v25 =	vor.u32 s17, v39;
	s12 =	simm.s32 $0x5D;
	s17 =	simm.s32 $0xA000  }
0x18: {  	v13 =	vor.u32 s18, v39;
	v30 =	vor.u32 s22, v39;
	s18 =	simm.s32 $0x6000;
	s22 =	simm.s32 $0xA200;
	s5 =	sadd.s32 $0x1600, s6  }
0x19: {  	s6 =	sadd.s32 $0xD600, s6;
	s28 =	sshrl.u32 s9, $0x3;
	s29 =	sshrl.u32 s23, $0x3  }
0x1a: {  	s23 =	sshrl.u32 s24, $0x3;
	s24 =	sshrl.u32 s25, $0x3;
	s25 =	sadd.s32 $0x90, s14  }
0x1b: {  	v6 =	vor.u32 s26, v39;
	s26 =	sadd.s32 $0x140, s14;
	v10 =	vor.u32 s30, v39;
	s30 =	sadd.s32 $0x170, s14;
	v28 =	vor.u32 s31, v39;
	s31 =	sadd.s32 $0x270, s14  }
0x1c: {  	v24 =	vor.u32 s15, v39;
	s12 =	simm.s32 @!p0 $0x45;
	v29 =	vor.u32 s19, v39;
	s15 =	simm.s32 $0x3000;
	s19 =	simm.s32 $0xA080  }
0x1d: {  	v40 =	vimm.f32 $0.0e+00;
	v31 =	vor.u32 s20, v39;
	v33 =	vor.u32 s21, v39;
	s20 =	simm.s32 $0xA100;
	s21 =	simm.s32 $0xA180;
	s8 =	sadd.s32 s11, s28  }
0x1e: {  	v27 =	vor.u32 s14, v39;
	v23 =	vor.u32 s10, v39;
	s9 =	sadd.s32 s11, s29;
	s28 =	sadd.s32 $0xA0, s14;
	s29 =	sadd.s32 $0xD0, s14;
	v8 =	vor.u32 s25, v39  }
0x1f: {  	s25 =	sadd.s32 $0x160, s14;
	v19 =	vor.u32 s26, v39;
	s26 =	sadd.s32 $0x220, s14;
	v22 =	vor.u32 s30, v39;
	s30 =	sadd.s32 $0x250, s14;
	v9 =	vor.u32 s28, v39  }
0x20: {  	s10 =	sadd.s32 s11, s23;
	v12 =	vor.u32 s29, v39;
	s29 =	sadd.s32 $0x1B0, s14;
	v21 =	vor.u32 s25, v39;
	s25 =	sadd.s32 $0x230, s14;
	v34 =	vor.u32 s26, v39  }
0x21: {  	s11 =	sadd.s32 s11, s24;
	s28 =	sadd.s32 $0x240, s14;
	v37 =	vor.u32 s30, v39;
	v26 =	vor.u32 s29, v39;
	s29 =	sadd.s32 $0x260, s14;
	v35 =	vor.u32 s25, v39  }
0x22: {  	s23 =	simm.s32 $0x1;
	s24 =	simm.s32 $0x0;
	s14 =	simm.s32 $0x2;
	v36 =	vor.u32 s28, v39;
	v38 =	vor.u32 s29, v39;
	v39 =	vor.u32 s31, v39  }
.LBB2_1:
0x23: {  	[tilespmem:s4], [sflag:$0x2] =	stream.linear.gather [hbm4b:s5+s4], $0x2E80, $0x38;
	[tilespmem:$0x1E400] =	vst v63  }
0x24: {  	_ =	swait.ge [sflag:s14], $0x2E80  }
0x25: {  	[sflag:s14] =	ssyncset.done $0x0  }
0x26: {  	[sflag:s14] =	ssyncadd.s32 $0xFFFFD180  }
0x27: {  	[tilespmem:s15], [sflag:$0x2] =	stream.linear.gather [hbm4b:s6+s4], $0x2E80, $0x38;
	[tilespmem:$0x1E400] =	vst v63  }
0x28: {  	_ =	swait.ge [sflag:s14], $0x2E80  }
0x29: {  	[sflag:s14] =	ssyncset.done $0x0  }
0x2a: {  	s25 =	simm.s32 $0x0;
	s26 =	simm.s32 $0x200;
	[sflag:s14] =	ssyncadd.s32 $0xFFFFD180  }
.LBB2_2:
0x2b: {  	p0 =	sne.s32 s26, $0xFE00;
	[tilespmem:s25+$0x6070] =	vst v40  }
0x2c: {  	[tilespmem:s25+$0x6000] =	vst v40  }
0x2d: {  	[tilespmem:s25+$0x6010] =	vst v40  }
.Ltmp0:
0x2e: {  	[tilespmem:s25+$0x6020] =	vst v40;
	(pc) =	sbr.rel @p0 .LBB2_2-.Ltmp0, $4  }
0x2f: {  	[tilespmem:s25+$0x6030] =	vst v40  }
0x30: {  	[tilespmem:s25+$0x6040] =	vst v40  }
0x31: {  	[tilespmem:s25+$0x6050] =	vst v40  }
0x32: {  	[tilespmem:s25+$0x6060] =	vst v40;
	s25 =	sshra.s32 s26, $0x2;
	s26 =	sadd.s32 $0x200, s26  }
0x33: {  	[tilespmem:s25+$0x6070] =	vst v40  }
0x34: {  	[tilespmem:s25+$0x6000] =	vst v40  }
0x35: {  	[tilespmem:s25+$0x6010] =	vst v40  }
0x36: {  	[tilespmem:s25+$0x6020] =	vst v40  }
0x37: {  	[tilespmem:s25+$0x6030] =	vst v40  }
0x38: {  	[tilespmem:s25+$0x6040] =	vst v40  }
0x39: {  	[tilespmem:s25+$0x6050] =	vst v40  }
0x3a: {  	[tilespmem:s25+$0x6060] =	vst v40  }
0x3b: {  	[tilespmem:$0xA000] =	vst v27  }
0x3c: {  	[tilespmem:$0xA010] =	vst v0  }
0x3d: {  	[tilespmem:$0xA020] =	vst v1  }
0x3e: {  	[tilespmem:$0xA030] =	vst v2  }
0x3f: {  	[tilespmem:$0xA040] =	vst v3  }
0x40: {  	[tilespmem:$0xA050] =	vst v4  }
0x41: {  	[tilespmem:$0xA060] =	vst v5  }
0x42: {  	[tilespmem:$0xA070] =	vst v6  }
0x43: {  	[tilespmem:$0xA080] =	vst v7  }
0x44: {  	[tilespmem:$0xA090] =	vst v8  }
0x45: {  	[tilespmem:$0xA0A0] =	vst v9  }
0x46: {  	[tilespmem:$0xA0B0] =	vst v10  }
0x47: {  	[tilespmem:$0xA0C0] =	vst v11  }
0x48: {  	[tilespmem:$0xA0D0] =	vst v12  }
0x49: {  	[tilespmem:$0xA0E0] =	vst v13  }
0x4a: {  	[tilespmem:$0xA0F0] =	vst v14  }
0x4b: {  	[tilespmem:$0xA100] =	vst v15  }
0x4c: {  	[tilespmem:$0xA110] =	vst v16  }
0x4d: {  	[tilespmem:$0xA120] =	vst v17  }
0x4e: {  	[tilespmem:$0xA130] =	vst v18  }
0x4f: {  	[tilespmem:$0xA140] =	vst v19  }
0x50: {  	[tilespmem:$0xA150] =	vst v20  }
0x51: {  	[tilespmem:$0xA160] =	vst v21  }
0x52: {  	[tilespmem:$0xA170] =	vst v22  }
0x53: {  	[tilespmem:$0xA180] =	vst v23  }
0x54: {  	[tilespmem:$0xA190] =	vst v24  }
0x55: {  	[tilespmem:$0xA1A0] =	vst v25  }
0x56: {  	[tilespmem:$0xA1B0] =	vst v26  }
0x57: {  	[tilespmem:$0xA1C0] =	vst v28  }
0x58: {  	[tilespmem:$0xA1D0] =	vst v29  }
0x59: {  	[tilespmem:$0xA1E0] =	vst v30  }
0x5a: {  	[tilespmem:$0xA1F0] =	vst v31  }
0x5b: {  	[tilespmem:$0xA200] =	vst v32  }
0x5c: {  	[tilespmem:$0xA210] =	vst v33  }
0x5d: {  	[tilespmem:$0xA220] =	vst v34  }
0x5e: {  	[tilespmem:$0xA230] =	vst v35  }
0x5f: {  	[tilespmem:$0xA240] =	vst v36  }
0x60: {  	[tilespmem:$0xA250] =	vst v37  }
0x61: {  	[tilespmem:$0xA260] =	vst v38  }
0x62: {  	[tilespmem:$0xA270] =	vst v39  }
0x63: {  	[spmem:s3] =	stream.indirect.scatter [tilespmem:s18], [sflag:$0x2], $0x80, s17, s16, $0xb8;
	[tilespmem:$0x1E400] =	vst v63  }
0x64: {  	_ =	swait.ge [sflag:s14], $0x4000  }
0x65: {  	[sflag:s14] =	ssyncset.done $0x0  }
0x66: {  	[sflag:s14] =	ssyncadd.s32 $0xFFFFC000  }
0x67: {  	[spmem:s3] =	stream.indirect.scatter [tilespmem:s18], [sflag:$0x2], $0x80, s19, s16, $0xb8;
	[tilespmem:$0x1E400] =	vst v63  }
0x68: {  	_ =	swait.ge [sflag:s14], $0x4000  }
0x69: {  	[sflag:s14] =	ssyncset.done $0x0  }
0x6a: {  	[sflag:s14] =	ssyncadd.s32 $0xFFFFC000  }
0x6b: {  	[spmem:s3] =	stream.indirect.scatter [tilespmem:s18], [sflag:$0x2], $0x80, s20, s16, $0xb8;
	[tilespmem:$0x1E400] =	vst v63  }
0x6c: {  	_ =	swait.ge [sflag:s14], $0x4000  }
0x6d: {  	[sflag:s14] =	ssyncset.done $0x0  }
0x6e: {  	[sflag:s14] =	ssyncadd.s32 $0xFFFFC000  }
0x6f: {  	[spmem:s3] =	stream.indirect.scatter [tilespmem:s18], [sflag:$0x2], $0x80, s21, s16, $0xb8;
	[tilespmem:$0x1E400] =	vst v63  }
0x70: {  	_ =	swait.ge [sflag:s14], $0x4000  }
0x71: {  	[sflag:s14] =	ssyncset.done $0x0  }
0x72: {  	[sflag:s14] =	ssyncadd.s32 $0xFFFFC000  }
0x73: {  	[spmem:s3] =	stream.indirect.scatter [tilespmem:s18], [sflag:$0x2], $0x80, s22, s16, $0xb8;
	[tilespmem:$0x1E400] =	vst v63  }
0x74: {  	_ =	swait.ge [sflag:s14], $0x4000  }
0x75: {  	[sflag:s14] =	ssyncset.done $0x0  }
0x76: {  	[sflag:s14] =	ssyncadd.s32 $0xFFFFC000  }
0x77: {  	s25 =	simm.s32 $0x0;
	[bflag:$0x0] =	sbarrier.arrive $0xFFFF  }
0x78: {  	[tilespmem:s18], [sflag:$0x1] =	stream.indirect.gather [hbm4b:s1+s16], $0x80, s25, s16, $0xb8;
	[tilespmem:$0x1E400] =	vst v63  }
0x79: {  	p0 =	sne.s32 s12, $0x1;
	_ =	swait.ge [sflag:s23], $0x4000  }
.Ltmp1:
0x7a: {  	[sflag:s23] =	ssyncset.done $0x0;
	(pc) =	sbr.rel @!p0 .LBB2_5-.Ltmp1, $4  }
0x7b: {  	s26 =	simm.s32 $0x3000;
	[sflag:s23] =	ssyncadd.s32 $0xFFFFC000  }
0x7c: {  	[spmem:s3] =	stream.indirect.scatter.add.f32 [tilespmem:s18], [sflag:$0x2], $0x80, s26, s16, $0xb8;
	[tilespmem:$0x1E400] =	vst v63  }
0x7d: {  	_ =	swait.ge [sflag:s14], $0x4000  }
0x7e: {  	s28 =	sadd.s32 $0xFFFFFFFF, s12;
	[sflag:s14] =	ssyncset.done $0x0  }
.LBB2_4:
0x7f: {  	[sflag:s14] =	ssyncadd.s32 $0xFFFFC000;
	s25 =	sadd.s32 $0x80, s25;
	s26 =	sadd.s32 $0x80, s26  }
0x80: {  	[tilespmem:s18], [sflag:$0x1] =	stream.indirect.gather [hbm4b:s1+s16], $0x80, s25, s16, $0xb8;
	[tilespmem:$0x1E400] =	vst v63  }
0x81: {  	p0 =	sne.s32 s28, $0x1;
	s28 =	sadd.s32 $0xFFFFFFFF, s28;
	_ =	swait.ge [sflag:s23], $0x4000  }
.Ltmp2:
0x82: {  	[sflag:s23] =	ssyncset.done $0x0;
	(pc) =	sbr.rel @p0 .LBB2_4-.Ltmp2, $4  }
0x83: {  	[sflag:s23] =	ssyncadd.s32 $0xFFFFC000  }
0x84: {  	[spmem:s3] =	stream.indirect.scatter.add.f32 [tilespmem:s18], [sflag:$0x2], $0x80, s26, s16, $0xb8;
	[tilespmem:$0x1E400] =	vst v63  }
0x85: {  	_ =	swait.ge [sflag:s14], $0x4000  }
0x86: {  	[sflag:s14] =	ssyncset.done $0x0  }
.LBB2_5:
0x87: {  	[sflag:s14] =	ssyncadd.s32 $0xFFFFC000  }
0x88: {  	[bflag:$0x0] =	sbarrier.arrive $0xFFFF  }
0x89: {  	[tilespmem:s18], [sflag:$0x1] =	stream.indirect.gather [spmem:s3], $0x80, s17, s16, $0xb8;
	[tilespmem:$0x1E400] =	vst v63  }
0x8a: {  	_ =	swait.ge [sflag:s23], $0x4000  }
0x8b: {  	[sflag:s23] =	ssyncset.done $0x0  }
0x8c: {  	[sflag:s23] =	ssyncadd.s32 $0xFFFFC000  }
0x8d: {  	[hbm4b:s7+s4] =	stream.linear.scatter [tilespmem:s18], [sflag:$0x2], $0x4000, $0x38;
	[tilespmem:$0x1E400] =	vst v63  }
0x8e: {  	_ =	swait.ge [sflag:s14], $0x4000  }
0x8f: {  	[sflag:s14] =	ssyncset.done $0x0  }
0x90: {  	[sflag:s14] =	ssyncadd.s32 $0xFFFFC000  }
0x91: {  	[tilespmem:s18], [sflag:$0x1] =	stream.indirect.gather [spmem:s3], $0x80, s19, s16, $0xb8;
	[tilespmem:$0x1E400] =	vst v63  }
0x92: {  	_ =	swait.ge [sflag:s23], $0x4000  }
0x93: {  	[sflag:s23] =	ssyncset.done $0x0  }
0x94: {  	[sflag:s23] =	ssyncadd.s32 $0xFFFFC000  }
0x95: {  	[hbm4b:s8+s4] =	stream.linear.scatter [tilespmem:s18], [sflag:$0x2], $0x4000, $0x38;
	[tilespmem:$0x1E400] =	vst v63  }
0x96: {  	_ =	swait.ge [sflag:s14], $0x4000  }
0x97: {  	[sflag:s14] =	ssyncset.done $0x0  }
0x98: {  	[sflag:s14] =	ssyncadd.s32 $0xFFFFC000  }
0x99: {  	[tilespmem:s18], [sflag:$0x1] =	stream.indirect.gather [spmem:s3], $0x80, s20, s16, $0xb8;
	[tilespmem:$0x1E400] =	vst v63  }
0x9a: {  	_ =	swait.ge [sflag:s23], $0x4000  }
0x9b: {  	[sflag:s23] =	ssyncset.done $0x0  }
0x9c: {  	[sflag:s23] =	ssyncadd.s32 $0xFFFFC000  }
0x9d: {  	[hbm4b:s9+s4] =	stream.linear.scatter [tilespmem:s18], [sflag:$0x2], $0x4000, $0x38;
	[tilespmem:$0x1E400] =	vst v63  }
0x9e: {  	_ =	swait.ge [sflag:s14], $0x4000  }
0x9f: {  	[sflag:s14] =	ssyncset.done $0x0  }
0xa0: {  	[sflag:s14] =	ssyncadd.s32 $0xFFFFC000  }
0xa1: {  	[tilespmem:s18], [sflag:$0x1] =	stream.indirect.gather [spmem:s3], $0x80, s21, s16, $0xb8;
	[tilespmem:$0x1E400] =	vst v63  }
0xa2: {  	_ =	swait.ge [sflag:s23], $0x4000  }
0xa3: {  	[sflag:s23] =	ssyncset.done $0x0  }
0xa4: {  	[sflag:s23] =	ssyncadd.s32 $0xFFFFC000  }
0xa5: {  	[hbm4b:s10+s4] =	stream.linear.scatter [tilespmem:s18], [sflag:$0x2], $0x4000, $0x38;
	[tilespmem:$0x1E400] =	vst v63  }
0xa6: {  	_ =	swait.ge [sflag:s14], $0x4000  }
0xa7: {  	[sflag:s14] =	ssyncset.done $0x0  }
0xa8: {  	[sflag:s14] =	ssyncadd.s32 $0xFFFFC000  }
0xa9: {  	[tilespmem:s18], [sflag:$0x1] =	stream.indirect.gather [spmem:s3], $0x80, s22, s16, $0xb8;
	[tilespmem:$0x1E400] =	vst v63  }
0xaa: {  	s24 =	sadd.s32 $0x1, s24;
	_ =	swait.ge [sflag:s23], $0x4000  }
0xab: {  	p0 =	sne.s32 s24, s13;
	[sflag:s23] =	ssyncset.done $0x0  }
.Ltmp3:
0xac: {  	[sflag:s23] =	ssyncadd.s32 $0xFFFFC000;
	(pc) =	sbr.rel @p0 .LBB2_1-.Ltmp3, $4  }
0xad: {  	[hbm4b:s11+s4] =	stream.linear.scatter [tilespmem:s18], [sflag:$0x2], $0x4000, $0x38;
	[tilespmem:$0x1E400] =	vst v63  }
0xae: {  	_ =	swait.ge [sflag:s14], $0x4000  }
0xaf: {  	[sflag:s14] =	ssyncset.done $0x0  }
0xb0: {  	[sflag:s14] =	ssyncadd.s32 $0xFFFFC000  }
0xb1: {  	_ =	sfence.sel $0x180000  }
0xb2: {  	[bflag:$0x0] =	sbarrier.arrive $0xFFFF  }
0xb3: {  	p0 =	sne.s32 s0, $0x0;
	_ =	strace $0x9000004D  }
0xb4: {  	s0 =	sadd.s32 @!p0 $0x100000, s2;
	[bflag:$0x2] =	sbarrier.arrive $0xFFFF  }
0xb5: {  	[sflag:s0] =	ssyncadd.tile.s32 @!p0 $0x1;
	_ =	shalt  }
.Lfunc_end2:
_tile_overlayer_lowered:
.L_overlay_start_2:
0xb6: {  	(tag) =	ssettag $0x2  }
0xb7: {  	s0 =	rddreg [dreg:$0x0];
	s2 =	stileid.u32  }
0xb8: {  	s1 =	rddreg [dreg:$0x1];
	p0 =	sne.s32 s2, $0x0  }
0xb9: {  	s3 =	rddreg [dreg:$0x2];
	[bflag:$0x3] =	sbarrier.arrive $0xFFFF;
	s2 =	simm.s32 @!p0 $0x1C02  }
0xba: {  	[timem:s3], [sflag:s2] =	dma.local @!p0 [hbm:s0], s1  }
0xbb: {  	s0 =	simm.s32 @!p0 $0x2  }
0xbc: {  	_ =	swait.ge @!p0 [sflag:s0], s1  }
0xbd: {  	s1 =	ssub.s32 @!p0 $0x0, s1;
	[sflag:s0] =	ssyncset.done @!p0 $0x0  }
0xbe: {  	[sflag:s0] =	ssyncadd.s32 @!p0 s1  }
0xbf: {  	[bflag:$0x3] =	sbarrier.arrive $0xFFFF  }
0xc0: {  	_ =	shalt  }

// kernel: kernel.8.cloned.1.call-start
scs
__scs_entry_jumppad:
0x0: {  	(pc) =	sbr.rel $0x88, $3  }
0x1: {  	(tag) =	ssettag $0x0;
	lr =	simm.s32 $0x1  }
0x2: {  	[smem:$0x3F9B] =	sst lr;
	_ =	strace $0xD0000000  }
0x3: {  	_ = 	snop  }
0x4: {  	_ = 	snop  }
0x5: {  	_ = 	snop  }
0x6: {  	_ = 	snop  }
0x7: {  	_ = 	snop  }
__scs_overlays_trampoline_lowered:
0x8: {  	[smem:$0x3FAA] =	sst s0  }
0x9: {  	[smem:$0x3FAB] =	sst s1  }
0xa: {  	[smem:$0x3FAC] =	sst s2  }
0xb: {  	[smem:$0x3FAD] =	sst s3  }
0xc: {  	[smem:$0x3FAE] =	sst s4  }
0xd: {  	[smem:$0x3FAF] =	sst s5  }
0xe: {  	[smem:$0x3FB0] =	sst s6  }
0xf: {  	[smem:$0x3FB1] =	sst s7  }
0x10: {  	[smem:$0x3FB2] =	sst s8  }
0x11: {  	[smem:$0x3FB3] =	sst s9;
	s0 =	simm.s32 @!p0 $0x0  }
0x12: {  	s1 =	sld [smem:$0x3F99];
	s0 =	simm.s32 @p0 $0x1  }
0x13: {  	[smem:$0x3FB4] =	sst s0;
	s0 =	simm.s32 @!p1 $0x0  }
0x14: {  	s2 =	sld [smem:$0x3F98];
	s0 =	simm.s32 @p1 $0x1  }
0x15: {  	[smem:$0x3FB5] =	sst s0;
	s0 =	simm.s32 @!p2 $0x0  }
0x16: {  	s3 =	sld [smem:$0x3FDB];
	s0 =	simm.s32 @p2 $0x1  }
0x17: {  	s4 =	simm.s32 $0x1BF5;
	[smem:$0x3FB7] =	sst s0  }
0x18: {  	s0 =	sld [smem:$0x3F9A];
	_ =	swait.ge [sflag:s4], $0x0  }
0x19: {  	s7 =	sld [smem:$0x3F9B]  }
0x1a: {  	s8 =	sadd.s32 $0xFFFFE003, lr  }
0x1b: {  	s9 =	sadd.s32 $0xFFFFFEF7, lr;
	s5 =	simm.s32 $0xFFFFFFFF;
	p2 =	slt.u32 s8, $0xFFFFF086  }
0x1c: {  	p1 =	slt.u32 s9, $0xF7A;
	s5 =	simm.s32 @!p2 $0x0  }
0x1d: {  	s5 =	simm.s32 @p1 $0x1;
	p0 =	seq.s32 s7, s2  }
0x1e: {  	s7 =	smul.u32 @!p0 $0xF7A, s2;
	p2 =	seq.s32 @!p0 s5, $0x0  }
0x1f: {  	s9 =	smul.u32 $0xF7A, s1;
	s8 =	simm.s32 @!p0 $0x1BF5;
	p2 =	por !p2, p0  }
0x20: {  	[sflag:s8] =	ssyncset.s32 @!p0 $0xFFFFF086;
	s6 =	sadd.s32 @!p0 s3, s7;
	s7 =	simm.s32 @!p0 $0x108  }
0x21: {  	s3 =	sadd.s32 s3, s9;
	s6 =	sadd.s32 @!p0 $0x88, s6;
	s7 =	simm.s32 @p2 $0x1082  }
0x22: {  	[simem:s7], [sflag:s8] =	dma.local @!p0 [hbm:s6], $0xF7A  }
0x23: {  	s9 =	sor.u32 $0xD0000000, s2;
	s6 =	simm.s32 $0x108;
	_ =	swait.ge @!p0 [sflag:s8], $0x0  }
0x24: {  	s3 =	sadd.s32 $0x88, s3;
	s6 =	simm.s32 @!p1 $0x1082;
	[sflag:s4] =	ssyncset.s32 $0xFFFFF086  }
0x25: {  	[simem:s6], [sflag:s4] =	dma.local [hbm:s3], $0xF7A  }
0x26: {  	[smem:$0x3F9B] =	sst s1;
	(tag) =	ssettag s2;
	_ =	strace s9  }
0x27: {  	s1 =	sld [smem:$0x3FAB]  }
0x28: {  	s2 =	sld [smem:$0x3FAC]  }
0x29: {  	s4 =	sld [smem:$0x3FAE]  }
0x2a: {  	p0 =	seq.s32 s5, $0x0;
	s5 =	sld [smem:$0x3FAF]  }
0x2b: {  	s6 =	sld [smem:$0x3FB0]  }
0x2c: {  	s7 =	sld [smem:$0x3FB1]  }
0x2d: {  	s3 =	simm.s32 $0x108;
	s8 =	sld [smem:$0x3FB2]  }
0x2e: {  	s3 =	simm.s32 @!p0 $0x1082;
	s9 =	sld [smem:$0x3FB3]  }
0x2f: {  	lr =	sadd.s32 s0, s3;
	s0 =	sld [smem:$0x3FAA]  }
0x30: {  	s3 =	sld [smem:$0x3FAD]  }
0x31: {  	[smem:$0x3FB6] =	sst s10  }
0x32: {  	s10 =	sld [smem:$0x3FB4];
	_ =	sdelay $0x3  }
0x33: {  	p0 =	seq.s32 s10, $0x1;
	s10 =	sld [smem:$0x3FB6];
	_ =	sdelay $0x3  }
0x34: {  	[smem:$0x3FB6] =	sst s10  }
0x35: {  	s10 =	sld [smem:$0x3FB5];
	_ =	sdelay $0x3  }
0x36: {  	p1 =	seq.s32 s10, $0x1;
	s10 =	sld [smem:$0x3FB6];
	_ =	sdelay $0x3  }
0x37: {  	[smem:$0x3FB6] =	sst s10  }
0x38: {  	s10 =	sld [smem:$0x3FB7]  }
0x39: {  	_ = 	snop;
	(pc) =	sbr.ind lr, $3  }
0x3a: {  	_ = 	snop  }
0x3b: {  	_ = 	snop  }
0x3c: {  	p2 =	seq.s32 s10, $0x1;
	s10 =	sld [smem:$0x3FB6]  }
0x3d: {  	_ =	shalt  }
0x3e: {  	_ =	shalt  }
0x3f: {  	_ =	shalt  }
0x40: {  	_ =	shalt  }
0x41: {  	_ =	shalt  }
0x42: {  	_ =	shalt  }
0x43: {  	_ =	shalt  }
0x44: {  	_ =	shalt  }
0x45: {  	_ =	shalt  }
0x46: {  	_ =	shalt  }
0x47: {  	_ =	shalt  }
0x48: {  	_ =	shalt  }
0x49: {  	_ =	shalt  }
0x4a: {  	_ =	shalt  }
0x4b: {  	_ =	shalt  }
0x4c: {  	_ =	shalt  }
0x4d: {  	_ =	shalt  }
0x4e: {  	_ =	shalt  }
0x4f: {  	_ =	shalt  }
0x50: {  	_ =	shalt  }
0x51: {  	_ =	shalt  }
0x52: {  	_ =	shalt  }
0x53: {  	_ =	shalt  }
0x54: {  	_ =	shalt  }
0x55: {  	_ =	shalt  }
0x56: {  	_ =	shalt  }
0x57: {  	_ =	shalt  }
0x58: {  	_ =	shalt  }
0x59: {  	_ =	shalt  }
0x5a: {  	_ =	shalt  }
0x5b: {  	_ =	shalt  }
0x5c: {  	_ =	shalt  }
0x5d: {  	_ =	shalt  }
0x5e: {  	_ =	shalt  }
0x5f: {  	_ =	shalt  }
0x60: {  	_ =	shalt  }
0x61: {  	_ =	shalt  }
0x62: {  	_ =	shalt  }
0x63: {  	_ =	shalt  }
0x64: {  	_ =	shalt  }
0x65: {  	_ =	shalt  }
0x66: {  	_ =	shalt  }
0x67: {  	_ =	shalt  }
0x68: {  	_ =	shalt  }
0x69: {  	_ =	shalt  }
0x6a: {  	_ =	shalt  }
0x6b: {  	_ =	shalt  }
0x6c: {  	_ =	shalt  }
0x6d: {  	_ =	shalt  }
0x6e: {  	_ =	shalt  }
0x6f: {  	_ =	shalt  }
0x70: {  	_ =	shalt  }
0x71: {  	_ =	shalt  }
0x72: {  	_ =	shalt  }
0x73: {  	_ =	shalt  }
0x74: {  	_ =	shalt  }
0x75: {  	_ =	shalt  }
0x76: {  	_ =	shalt  }
0x77: {  	_ =	shalt  }
0x78: {  	_ =	shalt  }
0x79: {  	_ =	shalt  }
0x7a: {  	_ =	shalt  }
0x7b: {  	_ =	shalt  }
0x7c: {  	_ =	shalt  }
0x7d: {  	_ =	shalt  }
0x7e: {  	_ =	shalt  }
0x7f: {  	_ =	shalt  }
0x80: {  	_ =	shalt  }
0x81: {  	_ =	shalt  }
0x82: {  	_ =	shalt  }
0x83: {  	_ =	shalt  }
0x84: {  	_ =	shalt  }
0x85: {  	_ =	shalt  }
0x86: {  	_ =	shalt  }
0x87: {  	_ =	shalt  }
.Lfunc_end0:
.L_simem_size_0:
called_computation_lowered:
.L_overlay_start_0:
0x88: {  	s2 =	sld [smem:$0x3FD9]  }
0x89: {  	s3 =	sld [smem:$0x3FFE];
	_ =	sdelay $0x1  }
0x8a: {  	s1 =	srdreg.scid  }
0x8b: {  	s0 =	sand.u32 $0x1, s1  }
0x8c: {  	s17 =	sshll.u32 s0, $0xA;
	s2 =	sadd.s32 s3, s2  }
0x8d: {  	s2 =	sadd.s32 s2, s17  }
0x8e: {  	[smem:$0x3FC2] =	sst s2  }
0x8f: {  	_ = 	snop  }
0x90: {  	s2 =	sld [smem:$0x3FD0];
	(tm) =	ssettm $0x1  }
0x91: {  	s18 =	sld [smem:$0x3FFB];
	_ =	sdelay $0x3  }
0x92: {  	_ =	strace s18  }
0x93: {  	s3 =	sld [smem:$0x3FFC];
	_ =	sdelay $0x3  }
0x94: {  	_ =	strace s3  }
0x95: {  	s3 =	sld [smem:$0x3FFD];
	_ =	sdelay $0x3  }
0x96: {  	_ =	strace s3  }
0x97: {  	_ =	strace $0x8FFFFFFF  }
0x98: {  	s19 =	sld [smem:$0x3FDB];
	_ =	sdelay $0x1  }
0x99: {  	s4 =	simm.s32 $_scs_section_size  }
0x9a: {  	s5 =	simm.s32 $_size__tile_overlayer_lowered;
	s6 =	simm.s32 $_tile_overlayer_lowered  }
0x9b: {  	s22 =	simm.s32 $0x1BFF;
	s21 =	sshll.u32 s6, $0x1;
	s3 =	sadd.s32 s4, s19  }
0x9c: {  	s7 =	simm.s32 $0x0;
	s20 =	sshll.u32 s5, $0x1;
	s5 =	sadd.s32 s21, s3  }
0x9d: {  	[timem:s7], [sflag:s22] =	dma.local [hbm:s5], s20  }
0x9e: {  	_ =	swait.ge [sflag:s22], s20  }
0x9f: {  	s4 =	ssub.s32 $0x0, s20;
	[sflag:s22] =	ssyncset.done $0x0  }
0xa0: {  	[sflag:s22] =	ssyncadd.s32 s4;
	_ =	sdelay $0x1  }
0xa1: {  	s23 =	simm.s32 $0x1B8B  }
0xa2: {  	_ =	swait.ge [sflag:s23], $0x1  }
0xa3: {  	[sflag:s23] =	ssyncset.done $0x0  }
0xa4: {  	s25 =	simm.s32 $0x1B8E;
	s24 =	sld [smem:$0x3FFE];
	[sflag:s23] =	ssyncadd.s32 $0xFFFFFFFF  }
0xa5: {  	s26 =	simm.s32 $execute0_lowered;
	[smem:$0x3FD2] =	sst s25  }
0xa6: {  	s5 =	sshll.u32 s26, $0x1;
	_ =	strace $0x80000046;
	[dreg:$0x1] =	wrdreg $0xFFFFFFFF  }
0xa7: {  	s28 =	simm.s32 $_size_execute0_lowered;
	s3 =	sadd.s32 s3, s5;
	[dreg:$0x0] =	wrdreg $0x0  }
0xa8: {  	s5 =	sshll.u32 s28, $0x1;
	[dreg:$0x2] =	wrdreg s3  }
0xa9: {  	[dreg:$0x3] =	wrdreg s5  }
0xaa: {  	[dreg:$0x4] =	wrdreg $0xC0  }
0xab: {  	_ =	task [dreg:s7], $0x5FFFF  }
0xac: {  	[dreg:$0x1] =	wrdreg $0xFFFFFFFF  }
0xad: {  	[dreg:$0x0] =	wrdreg $0x60  }
0xae: {  	[dreg:$0x2] =	wrdreg s24  }
0xaf: {  	[dreg:$0x3] =	wrdreg s2  }
0xb0: {  	[dreg:$0x4] =	wrdreg $0x9  }
0xb1: {  	_ =	task.clear_ibuf [dreg:s7], $0x5FFFF;
	_ =	strace $0x90000046  }
0xb2: {  	s29 =	simm.s32 $0x9;
	_ =	strace $0x80000048  }
0xb3: {  	_ =	swait.ge [sflag:s29], $0x1  }
0xb4: {  	[sflag:s29] =	ssyncadd.s32 $0xFFFFFFFF  }
0xb5: {  	_ =	strace $0x90000048  }
0xb6: {  	_ =	sfence  }
0xb7: {  	s30 =	sld [smem:$0x0];
	_ =	sdelay $0x2  }
0xb8: {  	s31 =	sshll.u32 s1, $0xD;
	s1 =	sshrl.u32 s1, $0x2  }
0xb9: {  	s3 =	sand.u32 $0x4000, s31;
	s1 =	sadd.s32 s1, s30  }
0xba: {  	s0 =	sor.u32 s3, s0;
	s1 =	sshll.u32 s1, $0x11  }
0xbb: {  	s0 =	sor.u32 s1, s0  }
0xbc: {  	s0 =	sadd.s32 $0x8F2B, s0  }
0xbd: {  	[sflag:s0] =	ssyncadd.remote.s32 $0x1  }
0xbe: {  	_ =	sfence.sel $0xFFFF  }
0xbf: {  	[dreg:$0x0] =	wrdreg $0xFFFFFFFF;
	(pc) =	sbr.abs _section_cstart, $3  }
0xc0: {  	[dreg:$0x1] =	wrdreg $0xFFFFFFFF  }
0xc1: {  	_ =	task.clear_ibuf [dreg:s7], $0x2FFFF;
	_ =	strace $0x9FFFFFFF  }
0xc2: {  	(tm) =	ssettm $0x7FFFFFFF  }
0xc3: {  	_ =	shalt  }
tec
execute0_lowered:
.L_overlay_start_1:
0x0: {  	(tag) =	ssettag $0x1  }
0x1: {  	s0 =	srdreg.scid  }
0x2: {  	s3 =	rddreg [dreg:$0x0];
	s4 =	sand.u32 $0x1, s0  }
0x3: {  	s5 =	rddreg [dreg:$0x1];
	s1 =	stileid.u32;
	s2 =	sshll.u32 s4, $0x4  }
0x4: {  	s0 =	rddreg [dreg:$0x2];
	s6 =	sor.u32 s1, s2  }
0x5: {  	s4 =	ssub.s32 $0x2, s4;
	s2 =	simm.s32 $0x0;
	s7 =	smul.u32 $0x600, s6  }
0x6: {  	s8 =	sshrl.u32 s4, $0x1;
	[smem:$0x7FF] =	sst s2;
	s6 =	smul.u32 $0x4F0, s6  }
0x7: {  	s31 =	ssub.s32 s4, s8;
	s8 =	simm.s32 $0x0;
	_ =	strace $0x80000047  }
0x8: {  	s3 =	sadd.s32 s7, s3;
	s4 =	sadd.s32 s5, s6;
	s5 =	smax.u32 s31, $0x1  }
0x9: {  	v0 =	vimm.f32 $0.0e+00;
	v1 =	vimm.f32 $1.000000000e+00;
	s6 =	simm.s32 $0x1;
	s7 =	simm.s32 $0x3000;
	s3 =	sadd.s32 $0xD600, s3  }
.LBB2_1:
0xa: {  	[tilespmem:s2], [sflag:$0x1] =	stream.linear.gather [hbm4b:s3+s2], $0x2E80, $0x38;
	[tilespmem:$0x5780] =	vst v63  }
0xb: {  	_ =	swait.ge [sflag:s6], $0x2E80  }
0xc: {  	[sflag:s6] =	ssyncset.done $0x0  }
0xd: {  	s9 =	simm.s32 $0x0;
	[sflag:s6] =	ssyncadd.s32 $0xFFFFD180  }
.LBB2_2:
0xe: {  	p0 =	sne.s32 s9, $0x9C40  }
.Ltmp0:
0xf: {  	_ = 	snop;
	(pc) =	sbr.rel @p0 .LBB2_2-.Ltmp0, $3  }
0x10: {  	_ =	sdelay $0x1  }
0x11: {  	s10 =	sshra.s32 s9, $0x2  }
0x12: {  	s9 =	sadd.s32 $0x40, s9;
	[tilespmem:s10+$0x3000] =	vst v0  }
0x13: {  	s9 =	simm.s32 $0x0  }
.LBB2_4:
0x14: {  	s10 =	sshra.s32 s9, $0x2  }
0x15: {  	v2 =	vld [tilespmem:s10+$0x0];
	_ =	sdelay $0x7  }
0x16: {  	[tilespmem:v2+s7+$0x0] =	vst.idx.add.f32.msk $0xffff, v1  }
0x17: {  	v2 =	vld [tilespmem:s10+$0x10];
	_ =	sdelay $0x7  }
0x18: {  	[tilespmem:v2+s7+$0x0] =	vst.idx.add.f32.msk $0xffff, v1  }
0x19: {  	v2 =	vld [tilespmem:s10+$0x20];
	_ =	sdelay $0x7  }
0x1a: {  	[tilespmem:v2+s7+$0x0] =	vst.idx.add.f32.msk $0xffff, v1  }
0x1b: {  	v2 =	vld [tilespmem:s10+$0x30];
	_ =	sdelay $0x7  }
0x1c: {  	[tilespmem:v2+s7+$0x0] =	vst.idx.add.f32.msk $0xffff, v1  }
0x1d: {  	v2 =	vld [tilespmem:s10+$0x40];
	_ =	sdelay $0x7  }
0x1e: {  	[tilespmem:v2+s7+$0x0] =	vst.idx.add.f32.msk $0xffff, v1  }
0x1f: {  	v2 =	vld [tilespmem:s10+$0x50];
	_ =	sdelay $0x7  }
0x20: {  	[tilespmem:v2+s7+$0x0] =	vst.idx.add.f32.msk $0xffff, v1  }
0x21: {  	v2 =	vld [tilespmem:s10+$0x60];
	_ =	sdelay $0x7  }
0x22: {  	[tilespmem:v2+s7+$0x0] =	vst.idx.add.f32.msk $0xffff, v1  }
0x23: {  	v2 =	vld [tilespmem:s10+$0x70];
	_ =	sdelay $0x2  }
0x24: {  	p0 =	sne.s32 s9, $0xB800  }
.Ltmp1:
0x25: {  	_ = 	snop;
	(pc) =	sbr.rel @p0 .LBB2_4-.Ltmp1, $2  }
0x26: {  	_ =	sdelay $0x2  }
0x27: {  	s9 =	sadd.s32 $0x200, s9;
	[tilespmem:v2+s7+$0x0] =	vst.idx.add.f32.msk $0xffff, v1  }
0x28: {  	s8 =	sadd.s32 $0x1, s8  }
0x29: {  	p0 =	sne.s32 s8, s5  }
.Ltmp2:
0x2a: {  	_ = 	snop;
	(pc) =	sbr.rel @p0 .LBB2_1-.Ltmp2, $4  }
0x2b: {  	[hbm4b:s4+s2] =	stream.linear.scatter [tilespmem:s7], [sflag:$0x1], $0x2780, $0x38;
	[tilespmem:$0x5780] =	vst v63  }
0x2c: {  	_ =	swait.ge [sflag:s6], $0x2780  }
0x2d: {  	[sflag:s6] =	ssyncset.done $0x0  }
0x2e: {  	[sflag:s6] =	ssyncadd.s32 $0xFFFFD880  }
0x2f: {  	_ =	sfence.sel $0x180000  }
0x30: {  	[bflag:$0x0] =	sbarrier.arrive $0xFFFF  }
0x31: {  	p0 =	sne.s32 s1, $0x0;
	_ =	strace $0x90000047  }
0x32: {  	s0 =	sadd.s32 @!p0 $0x100000, s0;
	[bflag:$0x2] =	sbarrier.arrive $0xFFFF  }
0x33: {  	[sflag:s0] =	ssyncadd.tile.s32 @!p0 $0x1;
	_ =	shalt  }
.Lfunc_end2:
_tile_overlayer_lowered:
.L_overlay_start_2:
0x34: {  	(tag) =	ssettag $0x2  }
0x35: {  	s0 =	rddreg [dreg:$0x0];
	s2 =	stileid.u32  }
0x36: {  	s1 =	rddreg [dreg:$0x1];
	p0 =	sne.s32 s2, $0x0  }
0x37: {  	s3 =	rddreg [dreg:$0x2];
	[bflag:$0x3] =	sbarrier.arrive $0xFFFF;
	s2 =	simm.s32 @!p0 $0x1C01  }
0x38: {  	[timem:s3], [sflag:s2] =	dma.local @!p0 [hbm:s0], s1  }
0x39: {  	s0 =	simm.s32 @!p0 $0x1  }
0x3a: {  	_ =	swait.ge @!p0 [sflag:s0], s1  }
0x3b: {  	s1 =	ssub.s32 @!p0 $0x0, s1;
	[sflag:s0] =	ssyncset.done @!p0 $0x0  }
0x3c: {  	[sflag:s0] =	ssyncadd.s32 @!p0 s1  }
0x3d: {  	[bflag:$0x3] =	sbarrier.arrive $0xFFFF  }
0x3e: {  	_ =	shalt  }

</sc_bundles>
